<compile_context>
chip_gen: v7x
topology: tpu7x:2x2x1
jax: 0.10.2.dev20260603
libtpu: 0.0.44.dev20260713+nightly
codegen_flags: <defaults>
</compile_context>

<pallas_src>
import functools
import jax
import jax.numpy as jnp
from jax import lax
from jax.experimental import pallas as pl
from jax.experimental.pallas import tpu as pltpu
from jax.experimental.pallas import tpu_sc as plsc

N = 10000
E = 320000
F = 16
IN_C = 128

NC = 2
NS = 16
NT = NC * NS
L = 16

EPT = E // NT
FT = 4
EG = NT // (F // FT)
EPG = E // EG
CE = 8000
NK = EPG // CE

_MESH = plsc.VectorSubcoreMesh(core_axis_name="c", subcore_axis_name="s",
                               num_cores=NC, num_subcores=NS)



_SC_PARAMS = pltpu.CompilerParams(needs_layout_passes=False)


@functools.partial(
    pl.kernel,
    out_type=jax.ShapeDtypeStruct((NT, N), jnp.float32),
    mesh=_MESH,
    compiler_params=_SC_PARAMS,
    scratch_types=[
        pltpu.VMEM((EPT,), jnp.int32),
        pltpu.VMEM((EPT,), jnp.float32),
        pltpu.VMEM((N,), jnp.float32),
        pltpu.SemaphoreType.DMA,
    ],
)
def _deg_kernel(col_hbm, ea_hbm, out_hbm, col_v, ea_v, deg_v, sem):
    c = lax.axis_index("c")
    s = lax.axis_index("s")
    wid = s * NC + c
    base = wid * EPT
    cp1 = pltpu.async_copy(col_hbm.at[pl.ds(base, EPT)], col_v, sem)
    cp2 = pltpu.async_copy(ea_hbm.at[pl.ds(base, EPT)], ea_v, sem)

    zer = jnp.zeros((L,), jnp.float32)

    @plsc.parallel_loop(0, N // L, unroll=8)
    def _zero(i):
        deg_v[pl.ds(i * L, L)] = zer

    cp1.wait()
    cp2.wait()

    @plsc.parallel_loop(0, EPT // L, unroll=2)
    def _scat(i):
        sl = pl.ds(i * L, L)
        plsc.addupdate_scatter(deg_v, [col_v[sl]], ea_v[sl])

    pltpu.sync_copy(deg_v, out_hbm.at[wid])



@functools.partial(
    pl.kernel,
    out_type=jax.ShapeDtypeStruct((EG, F, N), jnp.float32),
    mesh=_MESH,
    compiler_params=_SC_PARAMS,
    scratch_types=[
        [pltpu.VMEM((N,), jnp.float32) for _ in range(FT)],
        [pltpu.VMEM((N,), jnp.float32) for _ in range(FT)],
        [pltpu.VMEM((CE,), jnp.int32) for _ in range(2)],
        [pltpu.VMEM((CE,), jnp.int32) for _ in range(2)],
        [pltpu.VMEM((CE,), jnp.float32) for _ in range(2)],
        [pltpu.SemaphoreType.DMA for _ in range(2)],
        pltpu.SemaphoreType.DMA,
    ],
)
def _agg_kernel(h_hbm, row_hbm, col_hbm, ea_hbm, out_hbm,
                ts, accs, row_v, col_v, ea_v, sems, tsem):
    c = lax.axis_index("c")
    s = lax.axis_index("s")
    fg = s % FT
    eg = (s // FT) * NC + c
    f0 = fg * FT

    ebase = eg * EPG

    def _start(k, b):
        off = ebase + k * CE
        return [
            pltpu.async_copy(row_hbm.at[pl.ds(off, CE)], row_v[b], sems[b]),
            pltpu.async_copy(col_hbm.at[pl.ds(off, CE)], col_v[b], sems[b]),
            pltpu.async_copy(ea_hbm.at[pl.ds(off, CE)], ea_v[b], sems[b]),
        ]

    copies = _start(0, 0)
    tcopies = [pltpu.async_copy(h_hbm.at[f0 + j], ts[j], tsem)
               for j in range(FT)]

    zer = jnp.zeros((L,), jnp.float32)

    @plsc.parallel_loop(0, N // L, unroll=8)
    def _zeroacc(i):
        sl = pl.ds(i * L, L)
        for j in range(FT):
            accs[j][sl] = zer

    for cp in tcopies:
        cp.wait()
    for k in range(NK):
        b = k % 2
        nxt = _start(k + 1, 1 - b) if k + 1 < NK else None
        for cp in copies:
            cp.wait()

        @plsc.parallel_loop(0, CE // L, unroll=2)
        def _edges(i):
            sl = pl.ds(i * L, L)
            rows = row_v[b][sl]
            cols = col_v[b][sl]
            eav = ea_v[b][sl]
            for j in range(FT):
                vals = plsc.load_gather(ts[j], [rows]) * eav
                plsc.addupdate_scatter(accs[j], [cols], vals)

        copies = nxt

    for j in range(FT):
        pltpu.sync_copy(accs[j], out_hbm.at[eg, f0 + j])



def _mm1_prep_body(x_ref, w_ref, degp_ref, h1_ref, h1s_ref, dinv_ref,
                   selfw_ref):
    h1 = lax.dot_general(
        w_ref[...], x_ref[...], (((0,), (1,)), ((), ())),
        preferred_element_type=jnp.float32)
    deg = 1.0 + jnp.sum(degp_ref[...], axis=0, keepdims=True)
    dinv = lax.rsqrt(deg)
    h1_ref[...] = h1
    h1s_ref[...] = h1 * dinv
    dinv_ref[...] = dinv
    selfw_ref[...] = 1.0 / deg


def _layer_body(agg_ref, h_ref, dinv_ref, selfw_ref, b_ref, w_ref,
                h2_ref, h2s_ref):
    aggsum = jnp.sum(agg_ref[...], axis=0)
    dinv = dinv_ref[...]
    hf = jnp.maximum(
        aggsum * dinv + h_ref[...] * selfw_ref[...] + b_ref[...],
        0.0)
    h2 = lax.dot_general(
        w_ref[...], hf, (((0,), (0,)), ((), ())),
        preferred_element_type=jnp.float32)
    h2_ref[...] = h2
    h2s_ref[...] = h2 * dinv


def _head_body(agg_ref, h_ref, dinv_ref, selfw_ref, b_ref, wo_ref, bo_ref,
               o_ref):
    aggsum = jnp.sum(agg_ref[...], axis=0)
    hf = jnp.maximum(
        aggsum * dinv_ref[...] + h_ref[...] * selfw_ref[...] + b_ref[...],
        0.0)
    o_ref[...] = lax.dot_general(
        hf, wo_ref[...], (((0,), (0,)), ((), ())),
        preferred_element_type=jnp.float32) + bo_ref[...]


def kernel(x, edge_index, edge_attr, y, batch, W1, b1, W2, b2, Wo, bo):
    row = edge_index[0]
    col = edge_index[1]

    degp = _deg_kernel(col, edge_attr)

    h1T, h1sT, dinv, selfw = pl.pallas_call(
        _mm1_prep_body,
        out_shape=[jax.ShapeDtypeStruct((F, N), jnp.float32),
                   jax.ShapeDtypeStruct((F, N), jnp.float32),
                   jax.ShapeDtypeStruct((1, N), jnp.float32),
                   jax.ShapeDtypeStruct((1, N), jnp.float32)],
    )(x, W1, degp)

    agg1 = _agg_kernel(h1sT, row, col, edge_attr)

    h2T, h2sT = pl.pallas_call(
        _layer_body,
        out_shape=[jax.ShapeDtypeStruct((F, N), jnp.float32),
                   jax.ShapeDtypeStruct((F, N), jnp.float32)],
    )(agg1, h1T, dinv, selfw, b1.reshape(F, 1), W2)

    agg2 = _agg_kernel(h2sT, row, col, edge_attr)

    out = pl.pallas_call(
        _head_body,
        out_shape=jax.ShapeDtypeStruct((N, 1), jnp.float32),
    )(agg2, h2T, dinv, selfw, b2.reshape(F, 1), Wo, bo.reshape(1, 1))

    return out

# --- scband reference (transcript-rebuilt; emitter-appended) ---
"""Pipeline reference for scband-gnn-65987877536243 (READ-ONLY COPY).

The authoritative reference and input builder live on the scoring server;
editing this copy changes nothing except your own understanding.
"""

import jax, jax.numpy as jnp
import numpy as np

N = 10000
E = 320000
IN_C = 128
HID = 16
OUT_C = 1


def gcn_conv(x, edge_index, edge_weight, W, b):
    # Faithful translation of torch_geometric GCNConv with edge weights:
    #   add self-loops (weight 1), symmetric normalization, linear transform,
    #   scatter-add aggregation at destination nodes, plus bias.
    n = x.shape[0]
    row = edge_index[0]
    col = edge_index[1]
    loop = jnp.arange(n, dtype=edge_index.dtype)
    row = jnp.concatenate([row, loop])
    col = jnp.concatenate([col, loop])
    ew = jnp.concatenate([edge_weight, jnp.ones((n,), dtype=edge_weight.dtype)])
    deg = jnp.zeros((n,), dtype=edge_weight.dtype).at[col].add(ew)
    dinv = jnp.where(deg > 0, jax.lax.rsqrt(jnp.maximum(deg, 1e-12)), 0.0)
    norm = dinv[row] * ew * dinv[col]
    h = x @ W
    out = jnp.zeros((n, W.shape[1]), dtype=h.dtype).at[col].add(norm[:, None] * h[row])
    return out + b


def setup_inputs(seed: int = 0) -> dict:
    key = jax.random.key(seed)
    ks = jax.random.split(key, 12)
    x = jax.random.normal(ks[0], (N, IN_C), dtype=jnp.float32)
    edge_index = jax.random.randint(ks[1], (2, E), 0, N, dtype=jnp.int32)
    edge_attr = jax.random.uniform(ks[2], (E,), dtype=jnp.float32)
    y = jax.random.normal(ks[3], (N, 1), dtype=jnp.float32)
    batch = jnp.sort(jax.random.randint(ks[4], (N,), 0, 64, dtype=jnp.int32))
    W1 = jax.random.normal(ks[5], (IN_C, HID), dtype=jnp.float32) * (1.0 / np.sqrt(IN_C))
    b1 = jnp.zeros((HID,), dtype=jnp.float32)
    W2 = jax.random.normal(ks[6], (HID, HID), dtype=jnp.float32) * (1.0 / np.sqrt(HID))
    b2 = jnp.zeros((HID,), dtype=jnp.float32)
    Wo = jax.random.normal(ks[7], (HID, OUT_C), dtype=jnp.float32) * (1.0 / np.sqrt(HID))
    bo = jnp.zeros((OUT_C,), dtype=jnp.float32)
    return {"x": x, "edge_index": edge_index, "edge_attr": edge_attr, "y": y,
            "batch": batch, "W1": W1, "b1": b1, "W2": W2, "b2": b2,
            "Wo": Wo, "bo": bo}


def reference(x, edge_index, edge_attr, y, batch, W1, b1, W2, b2, Wo, bo):
    # y and batch are passed through the original forward but do not affect
    # the GCNConv math (edge_attr is used as edge_weight).
    h = jax.nn.relu(gcn_conv(x, edge_index, edge_attr, W1, b1))
    h = jax.nn.relu(gcn_conv(h, edge_index, edge_attr, W2, b2))
    out = h @ Wo + bo
    return out

if __name__ == "__main__":
    import jax
    _d = setup_inputs()
    print(jax.jit(kernel)(*tuple(_d.values())))

</pallas_src>

<mosaic_0001>
#map = affine_map<(d0, d1) -> (0)>
#map1 = affine_map<(d0, d1) -> (0, 0)>
module attributes {stable_mosaic.version = 14 : i64} {
  func.func @_deg_kernel(%arg0: i32, %arg1: i32, %arg2: memref<320000xi32, #tpu.memory_space<hbm>>, %arg3: memref<320000xf32, #tpu.memory_space<hbm>>, %arg4: memref<32x10000xf32, #tpu.memory_space<hbm>>, %arg5: memref<10000xi32, #tpu.memory_space<vmem>>, %arg6: memref<10000xf32, #tpu.memory_space<vmem>>, %arg7: memref<10000xf32, #tpu.memory_space<vmem>>, %arg8: memref<!tpu.dma_semaphore, #tpu.memory_space<semaphore_mem>>) attributes {dimension_semantics = [#tpu.dimension_semantics<core_parallel>, #tpu.dimension_semantics<subcore_parallel>], iteration_bounds = array<i64: 2, 16>, scalar_prefetch = 0 : i64, scratch_operands = 4 : i64, tpu.core_type = #tpu.core_type<sc_vector_subcore>, window_params = [{transform_indices = #map}, {transform_indices = #map}, {transform_indices = #map1}]} {
    %mul3A = arith.constant 2 : i32
    %mul3A_0 = arith.muli %arg1, %mul3A : i32
    %add3A = arith.addi %mul3A_0, %arg0 : i32
    %mul3A_1 = arith.constant 10000 : i32
    %mul3A_2 = arith.muli %add3A, %mul3A_1 : i32
    %dma_start3A = tpu.memref_slice %arg2[%mul3A_2] : memref<320000xi32, #tpu.memory_space<hbm>> -> memref<10000xi32, #tpu.memory_space<hbm>>
    %dma_start3A_3 = tpu.memref_slice %arg2[%mul3A_2] : memref<320000xi32, #tpu.memory_space<hbm>> -> memref<10000xi32, #tpu.memory_space<hbm>>
    tpu.enqueue_dma source(%dma_start3A_3 : memref<10000xi32, #tpu.memory_space<hbm>>) target(%arg5 : memref<10000xi32, #tpu.memory_space<vmem>>) target_semaphore(%arg8 : memref<!tpu.dma_semaphore, #tpu.memory_space<semaphore_mem>>)
    %dma_start3A_4 = tpu.memref_slice %arg3[%mul3A_2] : memref<320000xf32, #tpu.memory_space<hbm>> -> memref<10000xf32, #tpu.memory_space<hbm>>
    %dma_start3A_5 = tpu.memref_slice %arg3[%mul3A_2] : memref<320000xf32, #tpu.memory_space<hbm>> -> memref<10000xf32, #tpu.memory_space<hbm>>
    tpu.enqueue_dma source(%dma_start3A_5 : memref<10000xf32, #tpu.memory_space<hbm>>) target(%arg6 : memref<10000xf32, #tpu.memory_space<vmem>>) target_semaphore(%arg8 : memref<!tpu.dma_semaphore, #tpu.memory_space<semaphore_mem>>)
    %broadcast_in_dim3A = arith.constant 0.000000e+00 : f32
    %broadcast_in_dim3A_6 = vector.broadcast %broadcast_in_dim3A : f32 to vector<16xf32>
    %parallel_loop3A = arith.constant 0 : i32
    %parallel_loop3A_7 = arith.constant 625 : i32
    %parallel_loop3A_8 = arith.constant 1 : i32
    scf.for %parallel_loop3A_15 = %parallel_loop3A to %parallel_loop3A_7 step %parallel_loop3A_8  : i32 {
      %parallel_loop3A_16 = arith.constant 16 : i32
      %parallel_loop3A_17 = arith.muli %parallel_loop3A_15, %parallel_loop3A_16 : i32
      %parallel_loop3A_18 = arith.index_cast %parallel_loop3A_17 : i32 to index
      %parallel_loop3A_19 = tpu.vector_load %arg7[%parallel_loop3A_18] {strides = array<i32>} : memref<10000xf32, #tpu.memory_space<vmem>>, vector<16xf32>,
      tpu.vector_store %arg7[%parallel_loop3A_18], %broadcast_in_dim3A_6 {strides = array<i32>} : memref<10000xf32, #tpu.memory_space<vmem>>, vector<16xf32>,
    } {sc.loop_unroll_factor = 8 : i64, sc.parallel_access}
    %dma_wait3A = tpu.memref_slice %arg2[%mul3A_2] : memref<320000xi32, #tpu.memory_space<hbm>> -> memref<10000xi32, #tpu.memory_space<hbm>>
    %dma_wait3A_9 = tpu.memref_slice %arg2[%mul3A_2] : memref<320000xi32, #tpu.memory_space<hbm>> -> memref<10000xi32, #tpu.memory_space<hbm>>
    tpu.wait_dma2 semaphore(%arg8 : memref<!tpu.dma_semaphore, #tpu.memory_space<semaphore_mem>>) src(%dma_wait3A_9 : memref<10000xi32, #tpu.memory_space<hbm>>) dst(%arg5 : memref<10000xi32, #tpu.memory_space<vmem>>)
    %dma_wait3A_10 = tpu.memref_slice %arg3[%mul3A_2] : memref<320000xf32, #tpu.memory_space<hbm>> -> memref<10000xf32, #tpu.memory_space<hbm>>
    %dma_wait3A_11 = tpu.memref_slice %arg3[%mul3A_2] : memref<320000xf32, #tpu.memory_space<hbm>> -> memref<10000xf32, #tpu.memory_space<hbm>>
    tpu.wait_dma2 semaphore(%arg8 : memref<!tpu.dma_semaphore, #tpu.memory_space<semaphore_mem>>) src(%dma_wait3A_11 : memref<10000xf32, #tpu.memory_space<hbm>>) dst(%arg6 : memref<10000xf32, #tpu.memory_space<vmem>>)
    %parallel_loop3A_12 = arith.constant 0 : i32
    %parallel_loop3A_13 = arith.constant 625 : i32
    %parallel_loop3A_14 = arith.constant 1 : i32
    scf.for %parallel_loop3A_15 = %parallel_loop3A_12 to %parallel_loop3A_13 step %parallel_loop3A_14  : i32 {
      %parallel_loop3A_16 = arith.constant 16 : i32
      %parallel_loop3A_17 = arith.muli %parallel_loop3A_15, %parallel_loop3A_16 : i32
      %parallel_loop3A_18 = arith.index_cast %parallel_loop3A_17 : i32 to index
      %parallel_loop3A_19 = tpu.vector_load %arg5[%parallel_loop3A_18] {strides = array<i32>} : memref<10000xi32, #tpu.memory_space<vmem>>, vector<16xi32>,
      %parallel_loop3A_20 = arith.index_cast %parallel_loop3A_17 : i32 to index
      %parallel_loop3A_21 = tpu.vector_load %arg6[%parallel_loop3A_20] {strides = array<i32>} : memref<10000xf32, #tpu.memory_space<vmem>>, vector<16xf32>,
      tpu.vector_store_idx %arg7[%parallel_loop3A_19], %parallel_loop3A_21 {add = true} : memref<10000xf32, #tpu.memory_space<vmem>>[vector<16xi32>], vector<16xf32>,
    } {sc.loop_unroll_factor = 2 : i64, sc.parallel_access}
    "tpu.region"() ({
      %run_scoped3A = tpu.sem_alloc : memref<!tpu.dma_semaphore, #tpu.memory_space<semaphore_mem>>
      %dma_start3A_15 = arith.constant 0 : i32
      %dma_start3A_16 = tpu.memref_slice %arg4[%add3A, %dma_start3A_15] : memref<32x10000xf32, #tpu.memory_space<hbm>> -> memref<1x10000xf32, #tpu.memory_space<hbm>>
      %dma_start3A_17 = tpu.memref_squeeze %dma_start3A_16 : memref<1x10000xf32, #tpu.memory_space<hbm>> -> memref<10000xf32, #tpu.memory_space<hbm>>
      %dma_start3A_18 = arith.constant 0 : i32
      %dma_start3A_19 = tpu.memref_slice %arg4[%add3A, %dma_start3A_18] : memref<32x10000xf32, #tpu.memory_space<hbm>> -> memref<1x10000xf32, #tpu.memory_space<hbm>>
      %dma_start3A_20 = tpu.memref_squeeze %dma_start3A_19 : memref<1x10000xf32, #tpu.memory_space<hbm>> -> memref<10000xf32, #tpu.memory_space<hbm>>
      tpu.enqueue_dma source(%arg7 : memref<10000xf32, #tpu.memory_space<vmem>>) target(%dma_start3A_20 : memref<10000xf32, #tpu.memory_space<hbm>>) target_semaphore(%run_scoped3A : memref<!tpu.dma_semaphore, #tpu.memory_space<semaphore_mem>>)
      %dma_wait3A_21 = arith.constant 0 : i32
      %dma_wait3A_22 = tpu.memref_slice %arg4[%add3A, %dma_wait3A_21] : memref<32x10000xf32, #tpu.memory_space<hbm>> -> memref<1x10000xf32, #tpu.memory_space<hbm>>
      %dma_wait3A_23 = tpu.memref_squeeze %dma_wait3A_22 : memref<1x10000xf32, #tpu.memory_space<hbm>> -> memref<10000xf32, #tpu.memory_space<hbm>>
      %dma_wait3A_24 = arith.constant 0 : i32
      %dma_wait3A_25 = tpu.memref_slice %arg4[%add3A, %dma_wait3A_24] : memref<32x10000xf32, #tpu.memory_space<hbm>> -> memref<1x10000xf32, #tpu.memory_space<hbm>>
      %dma_wait3A_26 = tpu.memref_squeeze %dma_wait3A_25 : memref<1x10000xf32, #tpu.memory_space<hbm>> -> memref<10000xf32, #tpu.memory_space<hbm>>
      tpu.wait_dma2 semaphore(%run_scoped3A : memref<!tpu.dma_semaphore, #tpu.memory_space<semaphore_mem>>) src(%arg7 : memref<10000xf32, #tpu.memory_space<vmem>>) dst(%dma_wait3A_26 : memref<10000xf32, #tpu.memory_space<hbm>>)
      tpu.yield
    }) : () -> ()
    return
  }
}

#map = affine_map<(d0, d1) -> (0, 0)>
#map1 = affine_map<(d0, d1) -> (0)>
#map2 = affine_map<(d0, d1) -> (0, 0, 0)>
module attributes {stable_mosaic.version = 14 : i64} {
  func.func @_agg_kernel(%arg0: i32, %arg1: i32, %arg2: memref<16x10000xf32, #tpu.memory_space<hbm>>, %arg3: memref<320000xi32, #tpu.memory_space<hbm>>, %arg4: memref<320000xi32, #tpu.memory_space<hbm>>, %arg5: memref<320000xf32, #tpu.memory_space<hbm>>, %arg6: memref<8x16x10000xf32, #tpu.memory_space<hbm>>, %arg7: memref<10000xf32, #tpu.memory_space<vmem>>, %arg8: memref<10000xf32, #tpu.memory_space<vmem>>, %arg9: memref<10000xf32, #tpu.memory_space<vmem>>, %arg10: memref<10000xf32, #tpu.memory_space<vmem>>, %arg11: memref<10000xf32, #tpu.memory_space<vmem>>, %arg12: memref<10000xf32, #tpu.memory_space<vmem>>, %arg13: memref<10000xf32, #tpu.memory_space<vmem>>, %arg14: memref<10000xf32, #tpu.memory_space<vmem>>, %arg15: memref<8000xi32, #tpu.memory_space<vmem>>, %arg16: memref<8000xi32, #tpu.memory_space<vmem>>, %arg17: memref<8000xi32, #tpu.memory_space<vmem>>, %arg18: memref<8000xi32, #tpu.memory_space<vmem>>, %arg19: memref<8000xf32, #tpu.memory_space<vmem>>, %arg20: memref<8000xf32, #tpu.memory_space<vmem>>, %arg21: memref<!tpu.dma_semaphore, #tpu.memory_space<semaphore_mem>>, %arg22: memref<!tpu.dma_semaphore, #tpu.memory_space<semaphore_mem>>, %arg23: memref<!tpu.dma_semaphore, #tpu.memory_space<semaphore_mem>>) attributes {dimension_semantics = [#tpu.dimension_semantics<core_parallel>, #tpu.dimension_semantics<subcore_parallel>], iteration_bounds = array<i64: 2, 16>, scalar_prefetch = 0 : i64, scratch_operands = 17 : i64, tpu.core_type = #tpu.core_type<sc_vector_subcore>, window_params = [{transform_indices = #map}, {transform_indices = #map1}, {transform_indices = #map1}, {transform_indices = #map1}, {transform_indices = #map2}]} {
    %jit3A = arith.constant 4 : i32
    %eq3A = arith.constant 0 : i32
    %eq3A_0 = arith.cmpi eq, %jit3A, %eq3A : i32
    %jit3A_1 = arith.constant 1 : i32
    %select_n3A = arith.select %eq3A_0, %jit3A_1, %jit3A : i32
    %rem3A = arith.remsi %arg1, %select_n3A : i32
    %ne3A = arith.constant 0 : i32
    %ne3A_2 = arith.cmpi ne, %rem3A, %ne3A : i32
    %lt3A = arith.constant 0 : i32
    %lt3A_3 = arith.cmpi slt, %rem3A, %lt3A : i32
    %lt3A_4 = arith.constant 0 : i32
    %lt3A_5 = arith.cmpi slt, %select_n3A, %lt3A_4 : i32
    %ne3A_6 = arith.xori %lt3A_3, %lt3A_5 : i1
    %and3A = arith.andi %ne3A_6, %ne3A_2 : i1
    %add3A = arith.addi %rem3A, %select_n3A : i32
    %select_n3A_7 = arith.select %and3A, %add3A, %rem3A : i32
    %jit3A_8 = arith.constant 4 : i32
    %div3A = arith.divsi %arg1, %jit3A_8 : i32
    %sign3A = arith.constant 0 : i32
    %sign3A_9 = arith.cmpi sgt, %arg1, %sign3A : i32
    %sign3A_10 = arith.extui %sign3A_9 : i1 to i32
    %sign3A_11 = arith.constant 0 : i32
    %sign3A_12 = arith.cmpi slt, %arg1, %sign3A_11 : i32
    %sign3A_13 = arith.extui %sign3A_12 : i1 to i32
    %sign3A_14 = arith.subi %sign3A_10, %sign3A_13 : i32
    %sign3A_15 = arith.constant 0 : i32
    %sign3A_16 = arith.cmpi sgt, %jit3A_8, %sign3A_15 : i32
    %sign3A_17 = arith.extui %sign3A_16 : i1 to i32
    %sign3A_18 = arith.constant 0 : i32
    %sign3A_19 = arith.cmpi slt, %jit3A_8, %sign3A_18 : i32
    %sign3A_20 = arith.extui %sign3A_19 : i1 to i32
    %sign3A_21 = arith.subi %sign3A_17, %sign3A_20 : i32
    %ne3A_22 = arith.cmpi ne, %sign3A_14, %sign3A_21 : i32
    %rem3A_23 = arith.remsi %arg1, %jit3A_8 : i32
    %ne3A_24 = arith.constant 0 : i32
    %ne3A_25 = arith.cmpi ne, %rem3A_23, %ne3A_24 : i32
    %and3A_26 = arith.andi %ne3A_22, %ne3A_25 : i1
    %sub3A = arith.constant 1 : i32
    %sub3A_27 = arith.subi %div3A, %sub3A : i32
    %select_n3A_28 = arith.select %and3A_26, %sub3A_27, %div3A : i32
    %mul3A = arith.constant 2 : i32
    %mul3A_29 = arith.muli %select_n3A_28, %mul3A : i32
    %add3A_30 = arith.addi %mul3A_29, %arg0 : i32
    %mul3A_31 = arith.constant 4 : i32
    %mul3A_32 = arith.muli %select_n3A_7, %mul3A_31 : i32
    %mul3A_33 = arith.constant 40000 : i32
    %mul3A_34 = arith.muli %add3A_30, %mul3A_33 : i32
    %add3A_35 = arith.constant 0 : i32
    %add3A_36 = arith.addi %mul3A_34, %add3A_35 : i32
    %dma_start3A = tpu.memref_slice %arg3[%add3A_36] : memref<320000xi32, #tpu.memory_space<hbm>> -> memref<8000xi32, #tpu.memory_space<hbm>>
    %dma_start3A_37 = tpu.memref_slice %arg3[%add3A_36] : memref<320000xi32, #tpu.memory_space<hbm>> -> memref<8000xi32, #tpu.memory_space<hbm>>
    tpu.enqueue_dma source(%dma_start3A_37 : memref<8000xi32, #tpu.memory_space<hbm>>) target(%arg15 : memref<8000xi32, #tpu.memory_space<vmem>>) target_semaphore(%arg21 : memref<!tpu.dma_semaphore, #tpu.memory_space<semaphore_mem>>)
    %dma_start3A_38 = tpu.memref_slice %arg4[%add3A_36] : memref<320000xi32, #tpu.memory_space<hbm>> -> memref<8000xi32, #tpu.memory_space<hbm>>
    %dma_start3A_39 = tpu.memref_slice %arg4[%add3A_36] : memref<320000xi32, #tpu.memory_space<hbm>> -> memref<8000xi32, #tpu.memory_space<hbm>>
    tpu.enqueue_dma source(%dma_start3A_39 : memref<8000xi32, #tpu.memory_space<hbm>>) target(%arg17 : memref<8000xi32, #tpu.memory_space<vmem>>) target_semaphore(%arg21 : memref<!tpu.dma_semaphore, #tpu.memory_space<semaphore_mem>>)
    %dma_start3A_40 = tpu.memref_slice %arg5[%add3A_36] : memref<320000xf32, #tpu.memory_space<hbm>> -> memref<8000xf32, #tpu.memory_space<hbm>>
    %dma_start3A_41 = tpu.memref_slice %arg5[%add3A_36] : memref<320000xf32, #tpu.memory_space<hbm>> -> memref<8000xf32, #tpu.memory_space<hbm>>
    tpu.enqueue_dma source(%dma_start3A_41 : memref<8000xf32, #tpu.memory_space<hbm>>) target(%arg19 : memref<8000xf32, #tpu.memory_space<vmem>>) target_semaphore(%arg21 : memref<!tpu.dma_semaphore, #tpu.memory_space<semaphore_mem>>)
    %add3A_42 = arith.constant 0 : i32
    %add3A_43 = arith.addi %mul3A_32, %add3A_42 : i32
    %dma_start3A_44 = arith.constant 0 : i32
    %dma_start3A_45 = tpu.memref_slice %arg2[%add3A_43, %dma_start3A_44] : memref<16x10000xf32, #tpu.memory_space<hbm>> -> memref<1x10000xf32, #tpu.memory_space<hbm>>
    %dma_start3A_46 = tpu.memref_squeeze %dma_start3A_45 : memref<1x10000xf32, #tpu.memory_space<hbm>> -> memref<10000xf32, #tpu.memory_space<hbm>>
    %dma_start3A_47 = arith.constant 0 : i32
    %dma_start3A_48 = tpu.memref_slice %arg2[%add3A_43, %dma_start3A_47] : memref<16x10000xf32, #tpu.memory_space<hbm>> -> memref<1x10000xf32, #tpu.memory_space<hbm>>
    %dma_start3A_49 = tpu.memref_squeeze %dma_start3A_48 : memref<1x10000xf32, #tpu.memory_space<hbm>> -> memref<10000xf32, #tpu.memory_space<hbm>>
    tpu.enqueue_dma source(%dma_start3A_49 : memref<10000xf32, #tpu.memory_space<hbm>>) target(%arg7 : memref<10000xf32, #tpu.memory_space<vmem>>) target_semaphore(%arg23 : memref<!tpu.dma_semaphore, #tpu.memory_space<semaphore_mem>>)
    %add3A_50 = arith.constant 1 : i32
    %add3A_51 = arith.addi %mul3A_32, %add3A_50 : i32
    %dma_start3A_52 = arith.constant 0 : i32
    %dma_start3A_53 = tpu.memref_slice %arg2[%add3A_51, %dma_start3A_52] : memref<16x10000xf32, #tpu.memory_space<hbm>> -> memref<1x10000xf32, #tpu.memory_space<hbm>>
    %dma_start3A_54 = tpu.memref_squeeze %dma_start3A_53 : memref<1x10000xf32, #tpu.memory_space<hbm>> -> memref<10000xf32, #tpu.memory_space<hbm>>
    %dma_start3A_55 = arith.constant 0 : i32
    %dma_start3A_56 = tpu.memref_slice %arg2[%add3A_51, %dma_start3A_55] : memref<16x10000xf32, #tpu.memory_space<hbm>> -> memref<1x10000xf32, #tpu.memory_space<hbm>>
    %dma_start3A_57 = tpu.memref_squeeze %dma_start3A_56 : memref<1x10000xf32, #tpu.memory_space<hbm>> -> memref<10000xf32, #tpu.memory_space<hbm>>
    tpu.enqueue_dma source(%dma_start3A_57 : memref<10000xf32, #tpu.memory_space<hbm>>) target(%arg8 : memref<10000xf32, #tpu.memory_space<vmem>>) target_semaphore(%arg23 : memref<!tpu.dma_semaphore, #tpu.memory_space<semaphore_mem>>)
    %add3A_58 = arith.constant 2 : i32
    %add3A_59 = arith.addi %mul3A_32, %add3A_58 : i32
    %dma_start3A_60 = arith.constant 0 : i32
    %dma_start3A_61 = tpu.memref_slice %arg2[%add3A_59, %dma_start3A_60] : memref<16x10000xf32, #tpu.memory_space<hbm>> -> memref<1x10000xf32, #tpu.memory_space<hbm>>
    %dma_start3A_62 = tpu.memref_squeeze %dma_start3A_61 : memref<1x10000xf32, #tpu.memory_space<hbm>> -> memref<10000xf32, #tpu.memory_space<hbm>>
    %dma_start3A_63 = arith.constant 0 : i32
    %dma_start3A_64 = tpu.memref_slice %arg2[%add3A_59, %dma_start3A_63] : memref<16x10000xf32, #tpu.memory_space<hbm>> -> memref<1x10000xf32, #tpu.memory_space<hbm>>
    %dma_start3A_65 = tpu.memref_squeeze %dma_start3A_64 : memref<1x10000xf32, #tpu.memory_space<hbm>> -> memref<10000xf32, #tpu.memory_space<hbm>>
    tpu.enqueue_dma source(%dma_start3A_65 : memref<10000xf32, #tpu.memory_space<hbm>>) target(%arg9 : memref<10000xf32, #tpu.memory_space<vmem>>) target_semaphore(%arg23 : memref<!tpu.dma_semaphore, #tpu.memory_space<semaphore_mem>>)
    %add3A_66 = arith.constant 3 : i32
    %add3A_67 = arith.addi %mul3A_32, %add3A_66 : i32
    %dma_start3A_68 = arith.constant 0 : i32
    %dma_start3A_69 = tpu.memref_slice %arg2[%add3A_67, %dma_start3A_68] : memref<16x10000xf32, #tpu.memory_space<hbm>> -> memref<1x10000xf32, #tpu.memory_space<hbm>>
    %dma_start3A_70 = tpu.memref_squeeze %dma_start3A_69 : memref<1x10000xf32, #tpu.memory_space<hbm>> -> memref<10000xf32, #tpu.memory_space<hbm>>
    %dma_start3A_71 = arith.constant 0 : i32
    %dma_start3A_72 = tpu.memref_slice %arg2[%add3A_67, %dma_start3A_71] : memref<16x10000xf32, #tpu.memory_space<hbm>> -> memref<1x10000xf32, #tpu.memory_space<hbm>>
    %dma_start3A_73 = tpu.memref_squeeze %dma_start3A_72 : memref<1x10000xf32, #tpu.memory_space<hbm>> -> memref<10000xf32, #tpu.memory_space<hbm>>
    tpu.enqueue_dma source(%dma_start3A_73 : memref<10000xf32, #tpu.memory_space<hbm>>) target(%arg10 : memref<10000xf32, #tpu.memory_space<vmem>>) target_semaphore(%arg23 : memref<!tpu.dma_semaphore, #tpu.memory_space<semaphore_mem>>)
    %broadcast_in_dim3A = arith.constant 0.000000e+00 : f32
    %broadcast_in_dim3A_74 = vector.broadcast %broadcast_in_dim3A : f32 to vector<16xf32>
    %parallel_loop3A = arith.constant 0 : i32
    %parallel_loop3A_75 = arith.constant 625 : i32
    %parallel_loop3A_76 = arith.constant 1 : i32
    scf.for %parallel_loop3A_185 = %parallel_loop3A to %parallel_loop3A_75 step %parallel_loop3A_76  : i32 {
      %parallel_loop3A_186 = arith.constant 16 : i32
      %parallel_loop3A_187 = arith.muli %parallel_loop3A_185, %parallel_loop3A_186 : i32
      %parallel_loop3A_188 = arith.index_cast %parallel_loop3A_187 : i32 to index
      %parallel_loop3A_189 = tpu.vector_load %arg11[%parallel_loop3A_188] {strides = array<i32>} : memref<10000xf32, #tpu.memory_space<vmem>>, vector<16xf32>,
      tpu.vector_store %arg11[%parallel_loop3A_188], %broadcast_in_dim3A_74 {strides = array<i32>} : memref<10000xf32, #tpu.memory_space<vmem>>, vector<16xf32>,
      %parallel_loop3A_190 = arith.index_cast %parallel_loop3A_187 : i32 to index
      %parallel_loop3A_191 = tpu.vector_load %arg12[%parallel_loop3A_190] {strides = array<i32>} : memref<10000xf32, #tpu.memory_space<vmem>>, vector<16xf32>,
      tpu.vector_store %arg12[%parallel_loop3A_190], %broadcast_in_dim3A_74 {strides = array<i32>} : memref<10000xf32, #tpu.memory_space<vmem>>, vector<16xf32>,
      %parallel_loop3A_192 = arith.index_cast %parallel_loop3A_187 : i32 to index
      %parallel_loop3A_193 = tpu.vector_load %arg13[%parallel_loop3A_192] {strides = array<i32>} : memref<10000xf32, #tpu.memory_space<vmem>>, vector<16xf32>,
      tpu.vector_store %arg13[%parallel_loop3A_192], %broadcast_in_dim3A_74 {strides = array<i32>} : memref<10000xf32, #tpu.memory_space<vmem>>, vector<16xf32>,
      %parallel_loop3A_194 = arith.index_cast %parallel_loop3A_187 : i32 to index
      %parallel_loop3A_195 = tpu.vector_load %arg14[%parallel_loop3A_194] {strides = array<i32>} : memref<10000xf32, #tpu.memory_space<vmem>>, vector<16xf32>,
      tpu.vector_store %arg14[%parallel_loop3A_194], %broadcast_in_dim3A_74 {strides = array<i32>} : memref<10000xf32, #tpu.memory_space<vmem>>, vector<16xf32>,
    } {sc.loop_unroll_factor = 8 : i64, sc.parallel_access}
    %dma_wait3A = arith.constant 0 : i32
    %dma_wait3A_77 = tpu.memref_slice %arg2[%add3A_43, %dma_wait3A] : memref<16x10000xf32, #tpu.memory_space<hbm>> -> memref<1x10000xf32, #tpu.memory_space<hbm>>
    %dma_wait3A_78 = tpu.memref_squeeze %dma_wait3A_77 : memref<1x10000xf32, #tpu.memory_space<hbm>> -> memref<10000xf32, #tpu.memory_space<hbm>>
    %dma_wait3A_79 = arith.constant 0 : i32
    %dma_wait3A_80 = tpu.memref_slice %arg2[%add3A_43, %dma_wait3A_79] : memref<16x10000xf32, #tpu.memory_space<hbm>> -> memref<1x10000xf32, #tpu.memory_space<hbm>>
    %dma_wait3A_81 = tpu.memref_squeeze %dma_wait3A_80 : memref<1x10000xf32, #tpu.memory_space<hbm>> -> memref<10000xf32, #tpu.memory_space<hbm>>
    tpu.wait_dma2 semaphore(%arg23 : memref<!tpu.dma_semaphore, #tpu.memory_space<semaphore_mem>>) src(%dma_wait3A_81 : memref<10000xf32, #tpu.memory_space<hbm>>) dst(%arg7 : memref<10000xf32, #tpu.memory_space<vmem>>)
    %dma_wait3A_82 = arith.constant 0 : i32
    %dma_wait3A_83 = tpu.memref_slice %arg2[%add3A_51, %dma_wait3A_82] : memref<16x10000xf32, #tpu.memory_space<hbm>> -> memref<1x10000xf32, #tpu.memory_space<hbm>>
    %dma_wait3A_84 = tpu.memref_squeeze %dma_wait3A_83 : memref<1x10000xf32, #tpu.memory_space<hbm>> -> memref<10000xf32, #tpu.memory_space<hbm>>
    %dma_wait3A_85 = arith.constant 0 : i32
    %dma_wait3A_86 = tpu.memref_slice %arg2[%add3A_51, %dma_wait3A_85] : memref<16x10000xf32, #tpu.memory_space<hbm>> -> memref<1x10000xf32, #tpu.memory_space<hbm>>
    %dma_wait3A_87 = tpu.memref_squeeze %dma_wait3A_86 : memref<1x10000xf32, #tpu.memory_space<hbm>> -> memref<10000xf32, #tpu.memory_space<hbm>>
    tpu.wait_dma2 semaphore(%arg23 : memref<!tpu.dma_semaphore, #tpu.memory_space<semaphore_mem>>) src(%dma_wait3A_87 : memref<10000xf32, #tpu.memory_space<hbm>>) dst(%arg8 : memref<10000xf32, #tpu.memory_space<vmem>>)
    %dma_wait3A_88 = arith.constant 0 : i32
    %dma_wait3A_89 = tpu.memref_slice %arg2[%add3A_59, %dma_wait3A_88] : memref<16x10000xf32, #tpu.memory_space<hbm>> -> memref<1x10000xf32, #tpu.memory_space<hbm>>
    %dma_wait3A_90 = tpu.memref_squeeze %dma_wait3A_89 : memref<1x10000xf32, #tpu.memory_space<hbm>> -> memref<10000xf32, #tpu.memory_space<hbm>>
    %dma_wait3A_91 = arith.constant 0 : i32
    %dma_wait3A_92 = tpu.memref_slice %arg2[%add3A_59, %dma_wait3A_91] : memref<16x10000xf32, #tpu.memory_space<hbm>> -> memref<1x10000xf32, #tpu.memory_space<hbm>>
    %dma_wait3A_93 = tpu.memref_squeeze %dma_wait3A_92 : memref<1x10000xf32, #tpu.memory_space<hbm>> -> memref<10000xf32, #tpu.memory_space<hbm>>
    tpu.wait_dma2 semaphore(%arg23 : memref<!tpu.dma_semaphore, #tpu.memory_space<semaphore_mem>>) src(%dma_wait3A_93 : memref<10000xf32, #tpu.memory_space<hbm>>) dst(%arg9 : memref<10000xf32, #tpu.memory_space<vmem>>)
    %dma_wait3A_94 = arith.constant 0 : i32
    %dma_wait3A_95 = tpu.memref_slice %arg2[%add3A_67, %dma_wait3A_94] : memref<16x10000xf32, #tpu.memory_space<hbm>> -> memref<1x10000xf32, #tpu.memory_space<hbm>>
    %dma_wait3A_96 = tpu.memref_squeeze %dma_wait3A_95 : memref<1x10000xf32, #tpu.memory_space<hbm>> -> memref<10000xf32, #tpu.memory_space<hbm>>
    %dma_wait3A_97 = arith.constant 0 : i32
    %dma_wait3A_98 = tpu.memref_slice %arg2[%add3A_67, %dma_wait3A_97] : memref<16x10000xf32, #tpu.memory_space<hbm>> -> memref<1x10000xf32, #tpu.memory_space<hbm>>
    %dma_wait3A_99 = tpu.memref_squeeze %dma_wait3A_98 : memref<1x10000xf32, #tpu.memory_space<hbm>> -> memref<10000xf32, #tpu.memory_space<hbm>>
    tpu.wait_dma2 semaphore(%arg23 : memref<!tpu.dma_semaphore, #tpu.memory_space<semaphore_mem>>) src(%dma_wait3A_99 : memref<10000xf32, #tpu.memory_space<hbm>>) dst(%arg10 : memref<10000xf32, #tpu.memory_space<vmem>>)
    %add3A_100 = arith.constant 8000 : i32
    %add3A_101 = arith.addi %mul3A_34, %add3A_100 : i32
    %dma_start3A_102 = tpu.memref_slice %arg3[%add3A_101] : memref<320000xi32, #tpu.memory_space<hbm>> -> memref<8000xi32, #tpu.memory_space<hbm>>
    %dma_start3A_103 = tpu.memref_slice %arg3[%add3A_101] : memref<320000xi32, #tpu.memory_space<hbm>> -> memref<8000xi32, #tpu.memory_space<hbm>>
    tpu.enqueue_dma source(%dma_start3A_103 : memref<8000xi32, #tpu.memory_space<hbm>>) target(%arg16 : memref<8000xi32, #tpu.memory_space<vmem>>) target_semaphore(%arg22 : memref<!tpu.dma_semaphore, #tpu.memory_space<semaphore_mem>>)
    %dma_start3A_104 = tpu.memref_slice %arg4[%add3A_101] : memref<320000xi32, #tpu.memory_space<hbm>> -> memref<8000xi32, #tpu.memory_space<hbm>>
    %dma_start3A_105 = tpu.memref_slice %arg4[%add3A_101] : memref<320000xi32, #tpu.memory_space<hbm>> -> memref<8000xi32, #tpu.memory_space<hbm>>
    tpu.enqueue_dma source(%dma_start3A_105 : memref<8000xi32, #tpu.memory_space<hbm>>) target(%arg18 : memref<8000xi32, #tpu.memory_space<vmem>>) target_semaphore(%arg22 : memref<!tpu.dma_semaphore, #tpu.memory_space<semaphore_mem>>)
    %dma_start3A_106 = tpu.memref_slice %arg5[%add3A_101] : memref<320000xf32, #tpu.memory_space<hbm>> -> memref<8000xf32, #tpu.memory_space<hbm>>
    %dma_start3A_107 = tpu.memref_slice %arg5[%add3A_101] : memref<320000xf32, #tpu.memory_space<hbm>> -> memref<8000xf32, #tpu.memory_space<hbm>>
    tpu.enqueue_dma source(%dma_start3A_107 : memref<8000xf32, #tpu.memory_space<hbm>>) target(%arg20 : memref<8000xf32, #tpu.memory_space<vmem>>) target_semaphore(%arg22 : memref<!tpu.dma_semaphore, #tpu.memory_space<semaphore_mem>>)
    %dma_wait3A_108 = tpu.memref_slice %arg3[%add3A_36] : memref<320000xi32, #tpu.memory_space<hbm>> -> memref<8000xi32, #tpu.memory_space<hbm>>
    %dma_wait3A_109 = tpu.memref_slice %arg3[%add3A_36] : memref<320000xi32, #tpu.memory_space<hbm>> -> memref<8000xi32, #tpu.memory_space<hbm>>
    tpu.wait_dma2 semaphore(%arg21 : memref<!tpu.dma_semaphore, #tpu.memory_space<semaphore_mem>>) src(%dma_wait3A_109 : memref<8000xi32, #tpu.memory_space<hbm>>) dst(%arg15 : memref<8000xi32, #tpu.memory_space<vmem>>)
    %dma_wait3A_110 = tpu.memref_slice %arg4[%add3A_36] : memref<320000xi32, #tpu.memory_space<hbm>> -> memref<8000xi32, #tpu.memory_space<hbm>>
    %dma_wait3A_111 = tpu.memref_slice %arg4[%add3A_36] : memref<320000xi32, #tpu.memory_space<hbm>> -> memref<8000xi32, #tpu.memory_space<hbm>>
    tpu.wait_dma2 semaphore(%arg21 : memref<!tpu.dma_semaphore, #tpu.memory_space<semaphore_mem>>) src(%dma_wait3A_111 : memref<8000xi32, #tpu.memory_space<hbm>>) dst(%arg17 : memref<8000xi32, #tpu.memory_space<vmem>>)
    %dma_wait3A_112 = tpu.memref_slice %arg5[%add3A_36] : memref<320000xf32, #tpu.memory_space<hbm>> -> memref<8000xf32, #tpu.memory_space<hbm>>
    %dma_wait3A_113 = tpu.memref_slice %arg5[%add3A_36] : memref<320000xf32, #tpu.memory_space<hbm>> -> memref<8000xf32, #tpu.memory_space<hbm>>
    tpu.wait_dma2 semaphore(%arg21 : memref<!tpu.dma_semaphore, #tpu.memory_space<semaphore_mem>>) src(%dma_wait3A_113 : memref<8000xf32, #tpu.memory_space<hbm>>) dst(%arg19 : memref<8000xf32, #tpu.memory_space<vmem>>)
    %parallel_loop3A_114 = arith.constant 0 : i32
    %parallel_loop3A_115 = arith.constant 500 : i32
    %parallel_loop3A_116 = arith.constant 1 : i32
    scf.for %parallel_loop3A_185 = %parallel_loop3A_114 to %parallel_loop3A_115 step %parallel_loop3A_116  : i32 {
      %parallel_loop3A_186 = arith.constant 16 : i32
      %parallel_loop3A_187 = arith.muli %parallel_loop3A_185, %parallel_loop3A_186 : i32
      %parallel_loop3A_188 = arith.index_cast %parallel_loop3A_187 : i32 to index
      %parallel_loop3A_189 = tpu.vector_load %arg15[%parallel_loop3A_188] {strides = array<i32>} : memref<8000xi32, #tpu.memory_space<vmem>>, vector<16xi32>,
      %parallel_loop3A_190 = arith.index_cast %parallel_loop3A_187 : i32 to index
      %parallel_loop3A_191 = tpu.vector_load %arg17[%parallel_loop3A_190] {strides = array<i32>} : memref<8000xi32, #tpu.memory_space<vmem>>, vector<16xi32>,
      %parallel_loop3A_192 = arith.index_cast %parallel_loop3A_187 : i32 to index
      %parallel_loop3A_193 = tpu.vector_load %arg19[%parallel_loop3A_192] {strides = array<i32>} : memref<8000xf32, #tpu.memory_space<vmem>>, vector<16xf32>,
      %parallel_loop3A_194 = tpu.vector_load_idx %arg7[%parallel_loop3A_189] : memref<10000xf32, #tpu.memory_space<vmem>>[vector<16xi32>], vector<16xf32>,
      %parallel_loop3A_195 = arith.mulf %parallel_loop3A_194, %parallel_loop3A_193 : vector<16xf32>
      tpu.vector_store_idx %arg11[%parallel_loop3A_191], %parallel_loop3A_195 {add = true} : memref<10000xf32, #tpu.memory_space<vmem>>[vector<16xi32>], vector<16xf32>,
      %parallel_loop3A_196 = tpu.vector_load_idx %arg8[%parallel_loop3A_189] : memref<10000xf32, #tpu.memory_space<vmem>>[vector<16xi32>], vector<16xf32>,
      %parallel_loop3A_197 = arith.mulf %parallel_loop3A_196, %parallel_loop3A_193 : vector<16xf32>
      tpu.vector_store_idx %arg12[%parallel_loop3A_191], %parallel_loop3A_197 {add = true} : memref<10000xf32, #tpu.memory_space<vmem>>[vector<16xi32>], vector<16xf32>,
      %parallel_loop3A_198 = tpu.vector_load_idx %arg9[%parallel_loop3A_189] : memref<10000xf32, #tpu.memory_space<vmem>>[vector<16xi32>], vector<16xf32>,
      %parallel_loop3A_199 = arith.mulf %parallel_loop3A_198, %parallel_loop3A_193 : vector<16xf32>
      tpu.vector_store_idx %arg13[%parallel_loop3A_191], %parallel_loop3A_199 {add = true} : memref<10000xf32, #tpu.memory_space<vmem>>[vector<16xi32>], vector<16xf32>,
      %parallel_loop3A_200 = tpu.vector_load_idx %arg10[%parallel_loop3A_189] : memref<10000xf32, #tpu.memory_space<vmem>>[vector<16xi32>], vector<16xf32>,
      %parallel_loop3A_201 = arith.mulf %parallel_loop3A_200, %parallel_loop3A_193 : vector<16xf32>
      tpu.vector_store_idx %arg14[%parallel_loop3A_191], %parallel_loop3A_201 {add = true} : memref<10000xf32, #tpu.memory_space<vmem>>[vector<16xi32>], vector<16xf32>,
    } {sc.loop_unroll_factor = 2 : i64, sc.parallel_access}
    %add3A_117 = arith.constant 16000 : i32
    %add3A_118 = arith.addi %mul3A_34, %add3A_117 : i32
    %dma_start3A_119 = tpu.memref_slice %arg3[%add3A_118] : memref<320000xi32, #tpu.memory_space<hbm>> -> memref<8000xi32, #tpu.memory_space<hbm>>
    %dma_start3A_120 = tpu.memref_slice %arg3[%add3A_118] : memref<320000xi32, #tpu.memory_space<hbm>> -> memref<8000xi32, #tpu.memory_space<hbm>>
    tpu.enqueue_dma source(%dma_start3A_120 : memref<8000xi32, #tpu.memory_space<hbm>>) target(%arg15 : memref<8000xi32, #tpu.memory_space<vmem>>) target_semaphore(%arg21 : memref<!tpu.dma_semaphore, #tpu.memory_space<semaphore_mem>>)
    %dma_start3A_121 = tpu.memref_slice %arg4[%add3A_118] : memref<320000xi32, #tpu.memory_space<hbm>> -> memref<8000xi32, #tpu.memory_space<hbm>>
    %dma_start3A_122 = tpu.memref_slice %arg4[%add3A_118] : memref<320000xi32, #tpu.memory_space<hbm>> -> memref<8000xi32, #tpu.memory_space<hbm>>
    tpu.enqueue_dma source(%dma_start3A_122 : memref<8000xi32, #tpu.memory_space<hbm>>) target(%arg17 : memref<8000xi32, #tpu.memory_space<vmem>>) target_semaphore(%arg21 : memref<!tpu.dma_semaphore, #tpu.memory_space<semaphore_mem>>)
    %dma_start3A_123 = tpu.memref_slice %arg5[%add3A_118] : memref<320000xf32, #tpu.memory_space<hbm>> -> memref<8000xf32, #tpu.memory_space<hbm>>
    %dma_start3A_124 = tpu.memref_slice %arg5[%add3A_118] : memref<320000xf32, #tpu.memory_space<hbm>> -> memref<8000xf32, #tpu.memory_space<hbm>>
    tpu.enqueue_dma source(%dma_start3A_124 : memref<8000xf32, #tpu.memory_space<hbm>>) target(%arg19 : memref<8000xf32, #tpu.memory_space<vmem>>) target_semaphore(%arg21 : memref<!tpu.dma_semaphore, #tpu.memory_space<semaphore_mem>>)
    %dma_wait3A_125 = tpu.memref_slice %arg3[%add3A_101] : memref<320000xi32, #tpu.memory_space<hbm>> -> memref<8000xi32, #tpu.memory_space<hbm>>
    %dma_wait3A_126 = tpu.memref_slice %arg3[%add3A_101] : memref<320000xi32, #tpu.memory_space<hbm>> -> memref<8000xi32, #tpu.memory_space<hbm>>
    tpu.wait_dma2 semaphore(%arg22 : memref<!tpu.dma_semaphore, #tpu.memory_space<semaphore_mem>>) src(%dma_wait3A_126 : memref<8000xi32, #tpu.memory_space<hbm>>) dst(%arg16 : memref<8000xi32, #tpu.memory_space<vmem>>)
    %dma_wait3A_127 = tpu.memref_slice %arg4[%add3A_101] : memref<320000xi32, #tpu.memory_space<hbm>> -> memref<8000xi32, #tpu.memory_space<hbm>>
    %dma_wait3A_128 = tpu.memref_slice %arg4[%add3A_101] : memref<320000xi32, #tpu.memory_space<hbm>> -> memref<8000xi32, #tpu.memory_space<hbm>>
    tpu.wait_dma2 semaphore(%arg22 : memref<!tpu.dma_semaphore, #tpu.memory_space<semaphore_mem>>) src(%dma_wait3A_128 : memref<8000xi32, #tpu.memory_space<hbm>>) dst(%arg18 : memref<8000xi32, #tpu.memory_space<vmem>>)
    %dma_wait3A_129 = tpu.memref_slice %arg5[%add3A_101] : memref<320000xf32, #tpu.memory_space<hbm>> -> memref<8000xf32, #tpu.memory_space<hbm>>
    %dma_wait3A_130 = tpu.memref_slice %arg5[%add3A_101] : memref<320000xf32, #tpu.memory_space<hbm>> -> memref<8000xf32, #tpu.memory_space<hbm>>
    tpu.wait_dma2 semaphore(%arg22 : memref<!tpu.dma_semaphore, #tpu.memory_space<semaphore_mem>>) src(%dma_wait3A_130 : memref<8000xf32, #tpu.memory_space<hbm>>) dst(%arg20 : memref<8000xf32, #tpu.memory_space<vmem>>)
    %parallel_loop3A_131 = arith.constant 0 : i32
    %parallel_loop3A_132 = arith.constant 500 : i32
    %parallel_loop3A_133 = arith.constant 1 : i32
    scf.for %parallel_loop3A_185 = %parallel_loop3A_131 to %parallel_loop3A_132 step %parallel_loop3A_133  : i32 {
      %parallel_loop3A_186 = arith.constant 16 : i32
      %parallel_loop3A_187 = arith.muli %parallel_loop3A_185, %parallel_loop3A_186 : i32
      %parallel_loop3A_188 = arith.index_cast %parallel_loop3A_187 : i32 to index
      %parallel_loop3A_189 = tpu.vector_load %arg16[%parallel_loop3A_188] {strides = array<i32>} : memref<8000xi32, #tpu.memory_space<vmem>>, vector<16xi32>,
      %parallel_loop3A_190 = arith.index_cast %parallel_loop3A_187 : i32 to index
      %parallel_loop3A_191 = tpu.vector_load %arg18[%parallel_loop3A_190] {strides = array<i32>} : memref<8000xi32, #tpu.memory_space<vmem>>, vector<16xi32>,
      %parallel_loop3A_192 = arith.index_cast %parallel_loop3A_187 : i32 to index
      %parallel_loop3A_193 = tpu.vector_load %arg20[%parallel_loop3A_192] {strides = array<i32>} : memref<8000xf32, #tpu.memory_space<vmem>>, vector<16xf32>,
      %parallel_loop3A_194 = tpu.vector_load_idx %arg7[%parallel_loop3A_189] : memref<10000xf32, #tpu.memory_space<vmem>>[vector<16xi32>], vector<16xf32>,
      %parallel_loop3A_195 = arith.mulf %parallel_loop3A_194, %parallel_loop3A_193 : vector<16xf32>
      tpu.vector_store_idx %arg11[%parallel_loop3A_191], %parallel_loop3A_195 {add = true} : memref<10000xf32, #tpu.memory_space<vmem>>[vector<16xi32>], vector<16xf32>,
      %parallel_loop3A_196 = tpu.vector_load_idx %arg8[%parallel_loop3A_189] : memref<10000xf32, #tpu.memory_space<vmem>>[vector<16xi32>], vector<16xf32>,
      %parallel_loop3A_197 = arith.mulf %parallel_loop3A_196, %parallel_loop3A_193 : vector<16xf32>
      tpu.vector_store_idx %arg12[%parallel_loop3A_191], %parallel_loop3A_197 {add = true} : memref<10000xf32, #tpu.memory_space<vmem>>[vector<16xi32>], vector<16xf32>,
      %parallel_loop3A_198 = tpu.vector_load_idx %arg9[%parallel_loop3A_189] : memref<10000xf32, #tpu.memory_space<vmem>>[vector<16xi32>], vector<16xf32>,
      %parallel_loop3A_199 = arith.mulf %parallel_loop3A_198, %parallel_loop3A_193 : vector<16xf32>
      tpu.vector_store_idx %arg13[%parallel_loop3A_191], %parallel_loop3A_199 {add = true} : memref<10000xf32, #tpu.memory_space<vmem>>[vector<16xi32>], vector<16xf32>,
      %parallel_loop3A_200 = tpu.vector_load_idx %arg10[%parallel_loop3A_189] : memref<10000xf32, #tpu.memory_space<vmem>>[vector<16xi32>], vector<16xf32>,
      %parallel_loop3A_201 = arith.mulf %parallel_loop3A_200, %parallel_loop3A_193 : vector<16xf32>
      tpu.vector_store_idx %arg14[%parallel_loop3A_191], %parallel_loop3A_201 {add = true} : memref<10000xf32, #tpu.memory_space<vmem>>[vector<16xi32>], vector<16xf32>,
    } {sc.loop_unroll_factor = 2 : i64, sc.parallel_access}
    %add3A_134 = arith.constant 24000 : i32
    %add3A_135 = arith.addi %mul3A_34, %add3A_134 : i32
    %dma_start3A_136 = tpu.memref_slice %arg3[%add3A_135] : memref<320000xi32, #tpu.memory_space<hbm>> -> memref<8000xi32, #tpu.memory_space<hbm>>
    %dma_start3A_137 = tpu.memref_slice %arg3[%add3A_135] : memref<320000xi32, #tpu.memory_space<hbm>> -> memref<8000xi32, #tpu.memory_space<hbm>>
    tpu.enqueue_dma source(%dma_start3A_137 : memref<8000xi32, #tpu.memory_space<hbm>>) target(%arg16 : memref<8000xi32, #tpu.memory_space<vmem>>) target_semaphore(%arg22 : memref<!tpu.dma_semaphore, #tpu.memory_space<semaphore_mem>>)
    %dma_start3A_138 = tpu.memref_slice %arg4[%add3A_135] : memref<320000xi32, #tpu.memory_space<hbm>> -> memref<8000xi32, #tpu.memory_space<hbm>>
    %dma_start3A_139 = tpu.memref_slice %arg4[%add3A_135] : memref<320000xi32, #tpu.memory_space<hbm>> -> memref<8000xi32, #tpu.memory_space<hbm>>
    tpu.enqueue_dma source(%dma_start3A_139 : memref<8000xi32, #tpu.memory_space<hbm>>) target(%arg18 : memref<8000xi32, #tpu.memory_space<vmem>>) target_semaphore(%arg22 : memref<!tpu.dma_semaphore, #tpu.memory_space<semaphore_mem>>)
    %dma_start3A_140 = tpu.memref_slice %arg5[%add3A_135] : memref<320000xf32, #tpu.memory_space<hbm>> -> memref<8000xf32, #tpu.memory_space<hbm>>
    %dma_start3A_141 = tpu.memref_slice %arg5[%add3A_135] : memref<320000xf32, #tpu.memory_space<hbm>> -> memref<8000xf32, #tpu.memory_space<hbm>>
    tpu.enqueue_dma source(%dma_start3A_141 : memref<8000xf32, #tpu.memory_space<hbm>>) target(%arg20 : memref<8000xf32, #tpu.memory_space<vmem>>) target_semaphore(%arg22 : memref<!tpu.dma_semaphore, #tpu.memory_space<semaphore_mem>>)
    %dma_wait3A_142 = tpu.memref_slice %arg3[%add3A_118] : memref<320000xi32, #tpu.memory_space<hbm>> -> memref<8000xi32, #tpu.memory_space<hbm>>
    %dma_wait3A_143 = tpu.memref_slice %arg3[%add3A_118] : memref<320000xi32, #tpu.memory_space<hbm>> -> memref<8000xi32, #tpu.memory_space<hbm>>
    tpu.wait_dma2 semaphore(%arg21 : memref<!tpu.dma_semaphore, #tpu.memory_space<semaphore_mem>>) src(%dma_wait3A_143 : memref<8000xi32, #tpu.memory_space<hbm>>) dst(%arg15 : memref<8000xi32, #tpu.memory_space<vmem>>)
    %dma_wait3A_144 = tpu.memref_slice %arg4[%add3A_118] : memref<320000xi32, #tpu.memory_space<hbm>> -> memref<8000xi32, #tpu.memory_space<hbm>>
    %dma_wait3A_145 = tpu.memref_slice %arg4[%add3A_118] : memref<320000xi32, #tpu.memory_space<hbm>> -> memref<8000xi32, #tpu.memory_space<hbm>>
    tpu.wait_dma2 semaphore(%arg21 : memref<!tpu.dma_semaphore, #tpu.memory_space<semaphore_mem>>) src(%dma_wait3A_145 : memref<8000xi32, #tpu.memory_space<hbm>>) dst(%arg17 : memref<8000xi32, #tpu.memory_space<vmem>>)
    %dma_wait3A_146 = tpu.memref_slice %arg5[%add3A_118] : memref<320000xf32, #tpu.memory_space<hbm>> -> memref<8000xf32, #tpu.memory_space<hbm>>
    %dma_wait3A_147 = tpu.memref_slice %arg5[%add3A_118] : memref<320000xf32, #tpu.memory_space<hbm>> -> memref<8000xf32, #tpu.memory_space<hbm>>
    tpu.wait_dma2 semaphore(%arg21 : memref<!tpu.dma_semaphore, #tpu.memory_space<semaphore_mem>>) src(%dma_wait3A_147 : memref<8000xf32, #tpu.memory_space<hbm>>) dst(%arg19 : memref<8000xf32, #tpu.memory_space<vmem>>)
    %parallel_loop3A_148 = arith.constant 0 : i32
    %parallel_loop3A_149 = arith.constant 500 : i32
    %parallel_loop3A_150 = arith.constant 1 : i32
    scf.for %parallel_loop3A_185 = %parallel_loop3A_148 to %parallel_loop3A_149 step %parallel_loop3A_150  : i32 {
      %parallel_loop3A_186 = arith.constant 16 : i32
      %parallel_loop3A_187 = arith.muli %parallel_loop3A_185, %parallel_loop3A_186 : i32
      %parallel_loop3A_188 = arith.index_cast %parallel_loop3A_187 : i32 to index
      %parallel_loop3A_189 = tpu.vector_load %arg15[%parallel_loop3A_188] {strides = array<i32>} : memref<8000xi32, #tpu.memory_space<vmem>>, vector<16xi32>,
      %parallel_loop3A_190 = arith.index_cast %parallel_loop3A_187 : i32 to index
      %parallel_loop3A_191 = tpu.vector_load %arg17[%parallel_loop3A_190] {strides = array<i32>} : memref<8000xi32, #tpu.memory_space<vmem>>, vector<16xi32>,
      %parallel_loop3A_192 = arith.index_cast %parallel_loop3A_187 : i32 to index
      %parallel_loop3A_193 = tpu.vector_load %arg19[%parallel_loop3A_192] {strides = array<i32>} : memref<8000xf32, #tpu.memory_space<vmem>>, vector<16xf32>,
      %parallel_loop3A_194 = tpu.vector_load_idx %arg7[%parallel_loop3A_189] : memref<10000xf32, #tpu.memory_space<vmem>>[vector<16xi32>], vector<16xf32>,
      %parallel_loop3A_195 = arith.mulf %parallel_loop3A_194, %parallel_loop3A_193 : vector<16xf32>
      tpu.vector_store_idx %arg11[%parallel_loop3A_191], %parallel_loop3A_195 {add = true} : memref<10000xf32, #tpu.memory_space<vmem>>[vector<16xi32>], vector<16xf32>,
      %parallel_loop3A_196 = tpu.vector_load_idx %arg8[%parallel_loop3A_189] : memref<10000xf32, #tpu.memory_space<vmem>>[vector<16xi32>], vector<16xf32>,
      %parallel_loop3A_197 = arith.mulf %parallel_loop3A_196, %parallel_loop3A_193 : vector<16xf32>
      tpu.vector_store_idx %arg12[%parallel_loop3A_191], %parallel_loop3A_197 {add = true} : memref<10000xf32, #tpu.memory_space<vmem>>[vector<16xi32>], vector<16xf32>,
      %parallel_loop3A_198 = tpu.vector_load_idx %arg9[%parallel_loop3A_189] : memref<10000xf32, #tpu.memory_space<vmem>>[vector<16xi32>], vector<16xf32>,
      %parallel_loop3A_199 = arith.mulf %parallel_loop3A_198, %parallel_loop3A_193 : vector<16xf32>
      tpu.vector_store_idx %arg13[%parallel_loop3A_191], %parallel_loop3A_199 {add = true} : memref<10000xf32, #tpu.memory_space<vmem>>[vector<16xi32>], vector<16xf32>,
      %parallel_loop3A_200 = tpu.vector_load_idx %arg10[%parallel_loop3A_189] : memref<10000xf32, #tpu.memory_space<vmem>>[vector<16xi32>], vector<16xf32>,
      %parallel_loop3A_201 = arith.mulf %parallel_loop3A_200, %parallel_loop3A_193 : vector<16xf32>
      tpu.vector_store_idx %arg14[%parallel_loop3A_191], %parallel_loop3A_201 {add = true} : memref<10000xf32, #tpu.memory_space<vmem>>[vector<16xi32>], vector<16xf32>,
    } {sc.loop_unroll_factor = 2 : i64, sc.parallel_access}
    %add3A_151 = arith.constant 32000 : i32
    %add3A_152 = arith.addi %mul3A_34, %add3A_151 : i32
    %dma_start3A_153 = tpu.memref_slice %arg3[%add3A_152] : memref<320000xi32, #tpu.memory_space<hbm>> -> memref<8000xi32, #tpu.memory_space<hbm>>
    %dma_start3A_154 = tpu.memref_slice %arg3[%add3A_152] : memref<320000xi32, #tpu.memory_space<hbm>> -> memref<8000xi32, #tpu.memory_space<hbm>>
    tpu.enqueue_dma source(%dma_start3A_154 : memref<8000xi32, #tpu.memory_space<hbm>>) target(%arg15 : memref<8000xi32, #tpu.memory_space<vmem>>) target_semaphore(%arg21 : memref<!tpu.dma_semaphore, #tpu.memory_space<semaphore_mem>>)
    %dma_start3A_155 = tpu.memref_slice %arg4[%add3A_152] : memref<320000xi32, #tpu.memory_space<hbm>> -> memref<8000xi32, #tpu.memory_space<hbm>>
    %dma_start3A_156 = tpu.memref_slice %arg4[%add3A_152] : memref<320000xi32, #tpu.memory_space<hbm>> -> memref<8000xi32, #tpu.memory_space<hbm>>
    tpu.enqueue_dma source(%dma_start3A_156 : memref<8000xi32, #tpu.memory_space<hbm>>) target(%arg17 : memref<8000xi32, #tpu.memory_space<vmem>>) target_semaphore(%arg21 : memref<!tpu.dma_semaphore, #tpu.memory_space<semaphore_mem>>)
    %dma_start3A_157 = tpu.memref_slice %arg5[%add3A_152] : memref<320000xf32, #tpu.memory_space<hbm>> -> memref<8000xf32, #tpu.memory_space<hbm>>
    %dma_start3A_158 = tpu.memref_slice %arg5[%add3A_152] : memref<320000xf32, #tpu.memory_space<hbm>> -> memref<8000xf32, #tpu.memory_space<hbm>>
    tpu.enqueue_dma source(%dma_start3A_158 : memref<8000xf32, #tpu.memory_space<hbm>>) target(%arg19 : memref<8000xf32, #tpu.memory_space<vmem>>) target_semaphore(%arg21 : memref<!tpu.dma_semaphore, #tpu.memory_space<semaphore_mem>>)
    %dma_wait3A_159 = tpu.memref_slice %arg3[%add3A_135] : memref<320000xi32, #tpu.memory_space<hbm>> -> memref<8000xi32, #tpu.memory_space<hbm>>
    %dma_wait3A_160 = tpu.memref_slice %arg3[%add3A_135] : memref<320000xi32, #tpu.memory_space<hbm>> -> memref<8000xi32, #tpu.memory_space<hbm>>
    tpu.wait_dma2 semaphore(%arg22 : memref<!tpu.dma_semaphore, #tpu.memory_space<semaphore_mem>>) src(%dma_wait3A_160 : memref<8000xi32, #tpu.memory_space<hbm>>) dst(%arg16 : memref<8000xi32, #tpu.memory_space<vmem>>)
    %dma_wait3A_161 = tpu.memref_slice %arg4[%add3A_135] : memref<320000xi32, #tpu.memory_space<hbm>> -> memref<8000xi32, #tpu.memory_space<hbm>>
    %dma_wait3A_162 = tpu.memref_slice %arg4[%add3A_135] : memref<320000xi32, #tpu.memory_space<hbm>> -> memref<8000xi32, #tpu.memory_space<hbm>>
    tpu.wait_dma2 semaphore(%arg22 : memref<!tpu.dma_semaphore, #tpu.memory_space<semaphore_mem>>) src(%dma_wait3A_162 : memref<8000xi32, #tpu.memory_space<hbm>>) dst(%arg18 : memref<8000xi32, #tpu.memory_space<vmem>>)
    %dma_wait3A_163 = tpu.memref_slice %arg5[%add3A_135] : memref<320000xf32, #tpu.memory_space<hbm>> -> memref<8000xf32, #tpu.memory_space<hbm>>
    %dma_wait3A_164 = tpu.memref_slice %arg5[%add3A_135] : memref<320000xf32, #tpu.memory_space<hbm>> -> memref<8000xf32, #tpu.memory_space<hbm>>
    tpu.wait_dma2 semaphore(%arg22 : memref<!tpu.dma_semaphore, #tpu.memory_space<semaphore_mem>>) src(%dma_wait3A_164 : memref<8000xf32, #tpu.memory_space<hbm>>) dst(%arg20 : memref<8000xf32, #tpu.memory_space<vmem>>)
    %parallel_loop3A_165 = arith.constant 0 : i32
    %parallel_loop3A_166 = arith.constant 500 : i32
    %parallel_loop3A_167 = arith.constant 1 : i32
    scf.for %parallel_loop3A_185 = %parallel_loop3A_165 to %parallel_loop3A_166 step %parallel_loop3A_167  : i32 {
      %parallel_loop3A_186 = arith.constant 16 : i32
      %parallel_loop3A_187 = arith.muli %parallel_loop3A_185, %parallel_loop3A_186 : i32
      %parallel_loop3A_188 = arith.index_cast %parallel_loop3A_187 : i32 to index
      %parallel_loop3A_189 = tpu.vector_load %arg16[%parallel_loop3A_188] {strides = array<i32>} : memref<8000xi32, #tpu.memory_space<vmem>>, vector<16xi32>,
      %parallel_loop3A_190 = arith.index_cast %parallel_loop3A_187 : i32 to index
      %parallel_loop3A_191 = tpu.vector_load %arg18[%parallel_loop3A_190] {strides = array<i32>} : memref<8000xi32, #tpu.memory_space<vmem>>, vector<16xi32>,
      %parallel_loop3A_192 = arith.index_cast %parallel_loop3A_187 : i32 to index
      %parallel_loop3A_193 = tpu.vector_load %arg20[%parallel_loop3A_192] {strides = array<i32>} : memref<8000xf32, #tpu.memory_space<vmem>>, vector<16xf32>,
      %parallel_loop3A_194 = tpu.vector_load_idx %arg7[%parallel_loop3A_189] : memref<10000xf32, #tpu.memory_space<vmem>>[vector<16xi32>], vector<16xf32>,
      %parallel_loop3A_195 = arith.mulf %parallel_loop3A_194, %parallel_loop3A_193 : vector<16xf32>
      tpu.vector_store_idx %arg11[%parallel_loop3A_191], %parallel_loop3A_195 {add = true} : memref<10000xf32, #tpu.memory_space<vmem>>[vector<16xi32>], vector<16xf32>,
      %parallel_loop3A_196 = tpu.vector_load_idx %arg8[%parallel_loop3A_189] : memref<10000xf32, #tpu.memory_space<vmem>>[vector<16xi32>], vector<16xf32>,
      %parallel_loop3A_197 = arith.mulf %parallel_loop3A_196, %parallel_loop3A_193 : vector<16xf32>
      tpu.vector_store_idx %arg12[%parallel_loop3A_191], %parallel_loop3A_197 {add = true} : memref<10000xf32, #tpu.memory_space<vmem>>[vector<16xi32>], vector<16xf32>,
      %parallel_loop3A_198 = tpu.vector_load_idx %arg9[%parallel_loop3A_189] : memref<10000xf32, #tpu.memory_space<vmem>>[vector<16xi32>], vector<16xf32>,
      %parallel_loop3A_199 = arith.mulf %parallel_loop3A_198, %parallel_loop3A_193 : vector<16xf32>
      tpu.vector_store_idx %arg13[%parallel_loop3A_191], %parallel_loop3A_199 {add = true} : memref<10000xf32, #tpu.memory_space<vmem>>[vector<16xi32>], vector<16xf32>,
      %parallel_loop3A_200 = tpu.vector_load_idx %arg10[%parallel_loop3A_189] : memref<10000xf32, #tpu.memory_space<vmem>>[vector<16xi32>], vector<16xf32>,
      %parallel_loop3A_201 = arith.mulf %parallel_loop3A_200, %parallel_loop3A_193 : vector<16xf32>
      tpu.vector_store_idx %arg14[%parallel_loop3A_191], %parallel_loop3A_201 {add = true} : memref<10000xf32, #tpu.memory_space<vmem>>[vector<16xi32>], vector<16xf32>,
    } {sc.loop_unroll_factor = 2 : i64, sc.parallel_access}
    %dma_wait3A_168 = tpu.memref_slice %arg3[%add3A_152] : memref<320000xi32, #tpu.memory_space<hbm>> -> memref<8000xi32, #tpu.memory_space<hbm>>
    %dma_wait3A_169 = tpu.memref_slice %arg3[%add3A_152] : memref<320000xi32, #tpu.memory_space<hbm>> -> memref<8000xi32, #tpu.memory_space<hbm>>
    tpu.wait_dma2 semaphore(%arg21 : memref<!tpu.dma_semaphore, #tpu.memory_space<semaphore_mem>>) src(%dma_wait3A_169 : memref<8000xi32, #tpu.memory_space<hbm>>) dst(%arg15 : memref<8000xi32, #tpu.memory_space<vmem>>)
    %dma_wait3A_170 = tpu.memref_slice %arg4[%add3A_152] : memref<320000xi32, #tpu.memory_space<hbm>> -> memref<8000xi32, #tpu.memory_space<hbm>>
    %dma_wait3A_171 = tpu.memref_slice %arg4[%add3A_152] : memref<320000xi32, #tpu.memory_space<hbm>> -> memref<8000xi32, #tpu.memory_space<hbm>>
    tpu.wait_dma2 semaphore(%arg21 : memref<!tpu.dma_semaphore, #tpu.memory_space<semaphore_mem>>) src(%dma_wait3A_171 : memref<8000xi32, #tpu.memory_space<hbm>>) dst(%arg17 : memref<8000xi32, #tpu.memory_space<vmem>>)
    %dma_wait3A_172 = tpu.memref_slice %arg5[%add3A_152] : memref<320000xf32, #tpu.memory_space<hbm>> -> memref<8000xf32, #tpu.memory_space<hbm>>
    %dma_wait3A_173 = tpu.memref_slice %arg5[%add3A_152] : memref<320000xf32, #tpu.memory_space<hbm>> -> memref<8000xf32, #tpu.memory_space<hbm>>
    tpu.wait_dma2 semaphore(%arg21 : memref<!tpu.dma_semaphore, #tpu.memory_space<semaphore_mem>>) src(%dma_wait3A_173 : memref<8000xf32, #tpu.memory_space<hbm>>) dst(%arg19 : memref<8000xf32, #tpu.memory_space<vmem>>)
    %parallel_loop3A_174 = arith.constant 0 : i32
    %parallel_loop3A_175 = arith.constant 500 : i32
    %parallel_loop3A_176 = arith.constant 1 : i32
    scf.for %parallel_loop3A_185 = %parallel_loop3A_174 to %parallel_loop3A_175 step %parallel_loop3A_176  : i32 {
      %parallel_loop3A_186 = arith.constant 16 : i32
      %parallel_loop3A_187 = arith.muli %parallel_loop3A_185, %parallel_loop3A_186 : i32
      %parallel_loop3A_188 = arith.index_cast %parallel_loop3A_187 : i32 to index
      %parallel_loop3A_189 = tpu.vector_load %arg15[%parallel_loop3A_188] {strides = array<i32>} : memref<8000xi32, #tpu.memory_space<vmem>>, vector<16xi32>,
      %parallel_loop3A_190 = arith.index_cast %parallel_loop3A_187 : i32 to index
      %parallel_loop3A_191 = tpu.vector_load %arg17[%parallel_loop3A_190] {strides = array<i32>} : memref<8000xi32, #tpu.memory_space<vmem>>, vector<16xi32>,
      %parallel_loop3A_192 = arith.index_cast %parallel_loop3A_187 : i32 to index
      %parallel_loop3A_193 = tpu.vector_load %arg19[%parallel_loop3A_192] {strides = array<i32>} : memref<8000xf32, #tpu.memory_space<vmem>>, vector<16xf32>,
      %parallel_loop3A_194 = tpu.vector_load_idx %arg7[%parallel_loop3A_189] : memref<10000xf32, #tpu.memory_space<vmem>>[vector<16xi32>], vector<16xf32>,
      %parallel_loop3A_195 = arith.mulf %parallel_loop3A_194, %parallel_loop3A_193 : vector<16xf32>
      tpu.vector_store_idx %arg11[%parallel_loop3A_191], %parallel_loop3A_195 {add = true} : memref<10000xf32, #tpu.memory_space<vmem>>[vector<16xi32>], vector<16xf32>,
      %parallel_loop3A_196 = tpu.vector_load_idx %arg8[%parallel_loop3A_189] : memref<10000xf32, #tpu.memory_space<vmem>>[vector<16xi32>], vector<16xf32>,
      %parallel_loop3A_197 = arith.mulf %parallel_loop3A_196, %parallel_loop3A_193 : vector<16xf32>
      tpu.vector_store_idx %arg12[%parallel_loop3A_191], %parallel_loop3A_197 {add = true} : memref<10000xf32, #tpu.memory_space<vmem>>[vector<16xi32>], vector<16xf32>,
      %parallel_loop3A_198 = tpu.vector_load_idx %arg9[%parallel_loop3A_189] : memref<10000xf32, #tpu.memory_space<vmem>>[vector<16xi32>], vector<16xf32>,
      %parallel_loop3A_199 = arith.mulf %parallel_loop3A_198, %parallel_loop3A_193 : vector<16xf32>
      tpu.vector_store_idx %arg13[%parallel_loop3A_191], %parallel_loop3A_199 {add = true} : memref<10000xf32, #tpu.memory_space<vmem>>[vector<16xi32>], vector<16xf32>,
      %parallel_loop3A_200 = tpu.vector_load_idx %arg10[%parallel_loop3A_189] : memref<10000xf32, #tpu.memory_space<vmem>>[vector<16xi32>], vector<16xf32>,
      %parallel_loop3A_201 = arith.mulf %parallel_loop3A_200, %parallel_loop3A_193 : vector<16xf32>
      tpu.vector_store_idx %arg14[%parallel_loop3A_191], %parallel_loop3A_201 {add = true} : memref<10000xf32, #tpu.memory_space<vmem>>[vector<16xi32>], vector<16xf32>,
    } {sc.loop_unroll_factor = 2 : i64, sc.parallel_access}
    %add3A_177 = arith.constant 0 : i32
    %add3A_178 = arith.addi %mul3A_32, %add3A_177 : i32
    "tpu.region"() ({
      %run_scoped3A = tpu.sem_alloc : memref<!tpu.dma_semaphore, #tpu.memory_space<semaphore_mem>>
      %dma_start3A_185 = arith.constant 0 : i32
      %dma_start3A_186 = tpu.memref_slice %arg6[%add3A_30, %add3A_178, %dma_start3A_185] : memref<8x16x10000xf32, #tpu.memory_space<hbm>> -> memref<1x1x10000xf32, #tpu.memory_space<hbm>>
      %dma_start3A_187 = tpu.memref_squeeze %dma_start3A_186 : memref<1x1x10000xf32, #tpu.memory_space<hbm>> -> memref<10000xf32, #tpu.memory_space<hbm>>
      %dma_start3A_188 = arith.constant 0 : i32
      %dma_start3A_189 = tpu.memref_slice %arg6[%add3A_30, %add3A_178, %dma_start3A_188] : memref<8x16x10000xf32, #tpu.memory_space<hbm>> -> memref<1x1x10000xf32, #tpu.memory_space<hbm>>
      %dma_start3A_190 = tpu.memref_squeeze %dma_start3A_189 : memref<1x1x10000xf32, #tpu.memory_space<hbm>> -> memref<10000xf32, #tpu.memory_space<hbm>>
      tpu.enqueue_dma source(%arg11 : memref<10000xf32, #tpu.memory_space<vmem>>) target(%dma_start3A_190 : memref<10000xf32, #tpu.memory_space<hbm>>) target_semaphore(%run_scoped3A : memref<!tpu.dma_semaphore, #tpu.memory_space<semaphore_mem>>)
      %dma_wait3A_191 = arith.constant 0 : i32
      %dma_wait3A_192 = tpu.memref_slice %arg6[%add3A_30, %add3A_178, %dma_wait3A_191] : memref<8x16x10000xf32, #tpu.memory_space<hbm>> -> memref<1x1x10000xf32, #tpu.memory_space<hbm>>
      %dma_wait3A_193 = tpu.memref_squeeze %dma_wait3A_192 : memref<1x1x10000xf32, #tpu.memory_space<hbm>> -> memref<10000xf32, #tpu.memory_space<hbm>>
      %dma_wait3A_194 = arith.constant 0 : i32
      %dma_wait3A_195 = tpu.memref_slice %arg6[%add3A_30, %add3A_178, %dma_wait3A_194] : memref<8x16x10000xf32, #tpu.memory_space<hbm>> -> memref<1x1x10000xf32, #tpu.memory_space<hbm>>
      %dma_wait3A_196 = tpu.memref_squeeze %dma_wait3A_195 : memref<1x1x10000xf32, #tpu.memory_space<hbm>> -> memref<10000xf32, #tpu.memory_space<hbm>>
      tpu.wait_dma2 semaphore(%run_scoped3A : memref<!tpu.dma_semaphore, #tpu.memory_space<semaphore_mem>>) src(%arg11 : memref<10000xf32, #tpu.memory_space<vmem>>) dst(%dma_wait3A_196 : memref<10000xf32, #tpu.memory_space<hbm>>)
      tpu.yield
    }) : () -> ()
    %add3A_179 = arith.constant 1 : i32
    %add3A_180 = arith.addi %mul3A_32, %add3A_179 : i32
    "tpu.region"() ({
      %run_scoped3A = tpu.sem_alloc : memref<!tpu.dma_semaphore, #tpu.memory_space<semaphore_mem>>
      %dma_start3A_185 = arith.constant 0 : i32
      %dma_start3A_186 = tpu.memref_slice %arg6[%add3A_30, %add3A_180, %dma_start3A_185] : memref<8x16x10000xf32, #tpu.memory_space<hbm>> -> memref<1x1x10000xf32, #tpu.memory_space<hbm>>
      %dma_start3A_187 = tpu.memref_squeeze %dma_start3A_186 : memref<1x1x10000xf32, #tpu.memory_space<hbm>> -> memref<10000xf32, #tpu.memory_space<hbm>>
      %dma_start3A_188 = arith.constant 0 : i32
      %dma_start3A_189 = tpu.memref_slice %arg6[%add3A_30, %add3A_180, %dma_start3A_188] : memref<8x16x10000xf32, #tpu.memory_space<hbm>> -> memref<1x1x10000xf32, #tpu.memory_space<hbm>>
      %dma_start3A_190 = tpu.memref_squeeze %dma_start3A_189 : memref<1x1x10000xf32, #tpu.memory_space<hbm>> -> memref<10000xf32, #tpu.memory_space<hbm>>
      tpu.enqueue_dma source(%arg12 : memref<10000xf32, #tpu.memory_space<vmem>>) target(%dma_start3A_190 : memref<10000xf32, #tpu.memory_space<hbm>>) target_semaphore(%run_scoped3A : memref<!tpu.dma_semaphore, #tpu.memory_space<semaphore_mem>>)
      %dma_wait3A_191 = arith.constant 0 : i32
      %dma_wait3A_192 = tpu.memref_slice %arg6[%add3A_30, %add3A_180, %dma_wait3A_191] : memref<8x16x10000xf32, #tpu.memory_space<hbm>> -> memref<1x1x10000xf32, #tpu.memory_space<hbm>>
      %dma_wait3A_193 = tpu.memref_squeeze %dma_wait3A_192 : memref<1x1x10000xf32, #tpu.memory_space<hbm>> -> memref<10000xf32, #tpu.memory_space<hbm>>
      %dma_wait3A_194 = arith.constant 0 : i32
      %dma_wait3A_195 = tpu.memref_slice %arg6[%add3A_30, %add3A_180, %dma_wait3A_194] : memref<8x16x10000xf32, #tpu.memory_space<hbm>> -> memref<1x1x10000xf32, #tpu.memory_space<hbm>>
      %dma_wait3A_196 = tpu.memref_squeeze %dma_wait3A_195 : memref<1x1x10000xf32, #tpu.memory_space<hbm>> -> memref<10000xf32, #tpu.memory_space<hbm>>
      tpu.wait_dma2 semaphore(%run_scoped3A : memref<!tpu.dma_semaphore, #tpu.memory_space<semaphore_mem>>) src(%arg12 : memref<10000xf32, #tpu.memory_space<vmem>>) dst(%dma_wait3A_196 : memref<10000xf32, #tpu.memory_space<hbm>>)
      tpu.yield
    }) : () -> ()
    %add3A_181 = arith.constant 2 : i32
    %add3A_182 = arith.addi %mul3A_32, %add3A_181 : i32
    "tpu.region"() ({
      %run_scoped3A = tpu.sem_alloc : memref<!tpu.dma_semaphore, #tpu.memory_space<semaphore_mem>>
      %dma_start3A_185 = arith.constant 0 : i32
      %dma_start3A_186 = tpu.memref_slice %arg6[%add3A_30, %add3A_182, %dma_start3A_185] : memref<8x16x10000xf32, #tpu.memory_space<hbm>> -> memref<1x1x10000xf32, #tpu.memory_space<hbm>>
      %dma_start3A_187 = tpu.memref_squeeze %dma_start3A_186 : memref<1x1x10000xf32, #tpu.memory_space<hbm>> -> memref<10000xf32, #tpu.memory_space<hbm>>
      %dma_start3A_188 = arith.constant 0 : i32
      %dma_start3A_189 = tpu.memref_slice %arg6[%add3A_30, %add3A_182, %dma_start3A_188] : memref<8x16x10000xf32, #tpu.memory_space<hbm>> -> memref<1x1x10000xf32, #tpu.memory_space<hbm>>
      %dma_start3A_190 = tpu.memref_squeeze %dma_start3A_189 : memref<1x1x10000xf32, #tpu.memory_space<hbm>> -> memref<10000xf32, #tpu.memory_space<hbm>>
      tpu.enqueue_dma source(%arg13 : memref<10000xf32, #tpu.memory_space<vmem>>) target(%dma_start3A_190 : memref<10000xf32, #tpu.memory_space<hbm>>) target_semaphore(%run_scoped3A : memref<!tpu.dma_semaphore, #tpu.memory_space<semaphore_mem>>)
      %dma_wait3A_191 = arith.constant 0 : i32
      %dma_wait3A_192 = tpu.memref_slice %arg6[%add3A_30, %add3A_182, %dma_wait3A_191] : memref<8x16x10000xf32, #tpu.memory_space<hbm>> -> memref<1x1x10000xf32, #tpu.memory_space<hbm>>
      %dma_wait3A_193 = tpu.memref_squeeze %dma_wait3A_192 : memref<1x1x10000xf32, #tpu.memory_space<hbm>> -> memref<10000xf32, #tpu.memory_space<hbm>>
      %dma_wait3A_194 = arith.constant 0 : i32
      %dma_wait3A_195 = tpu.memref_slice %arg6[%add3A_30, %add3A_182, %dma_wait3A_194] : memref<8x16x10000xf32, #tpu.memory_space<hbm>> -> memref<1x1x10000xf32, #tpu.memory_space<hbm>>
      %dma_wait3A_196 = tpu.memref_squeeze %dma_wait3A_195 : memref<1x1x10000xf32, #tpu.memory_space<hbm>> -> memref<10000xf32, #tpu.memory_space<hbm>>
      tpu.wait_dma2 semaphore(%run_scoped3A : memref<!tpu.dma_semaphore, #tpu.memory_space<semaphore_mem>>) src(%arg13 : memref<10000xf32, #tpu.memory_space<vmem>>) dst(%dma_wait3A_196 : memref<10000xf32, #tpu.memory_space<hbm>>)
      tpu.yield
    }) : () -> ()
    %add3A_183 = arith.constant 3 : i32
    %add3A_184 = arith.addi %mul3A_32, %add3A_183 : i32
    "tpu.region"() ({
      %run_scoped3A = tpu.sem_alloc : memref<!tpu.dma_semaphore, #tpu.memory_space<semaphore_mem>>
      %dma_start3A_185 = arith.constant 0 : i32
      %dma_start3A_186 = tpu.memref_slice %arg6[%add3A_30, %add3A_184, %dma_start3A_185] : memref<8x16x10000xf32, #tpu.memory_space<hbm>> -> memref<1x1x10000xf32, #tpu.memory_space<hbm>>
      %dma_start3A_187 = tpu.memref_squeeze %dma_start3A_186 : memref<1x1x10000xf32, #tpu.memory_space<hbm>> -> memref<10000xf32, #tpu.memory_space<hbm>>
      %dma_start3A_188 = arith.constant 0 : i32
      %dma_start3A_189 = tpu.memref_slice %arg6[%add3A_30, %add3A_184, %dma_start3A_188] : memref<8x16x10000xf32, #tpu.memory_space<hbm>> -> memref<1x1x10000xf32, #tpu.memory_space<hbm>>
      %dma_start3A_190 = tpu.memref_squeeze %dma_start3A_189 : memref<1x1x10000xf32, #tpu.memory_space<hbm>> -> memref<10000xf32, #tpu.memory_space<hbm>>
      tpu.enqueue_dma source(%arg14 : memref<10000xf32, #tpu.memory_space<vmem>>) target(%dma_start3A_190 : memref<10000xf32, #tpu.memory_space<hbm>>) target_semaphore(%run_scoped3A : memref<!tpu.dma_semaphore, #tpu.memory_space<semaphore_mem>>)
      %dma_wait3A_191 = arith.constant 0 : i32
      %dma_wait3A_192 = tpu.memref_slice %arg6[%add3A_30, %add3A_184, %dma_wait3A_191] : memref<8x16x10000xf32, #tpu.memory_space<hbm>> -> memref<1x1x10000xf32, #tpu.memory_space<hbm>>
      %dma_wait3A_193 = tpu.memref_squeeze %dma_wait3A_192 : memref<1x1x10000xf32, #tpu.memory_space<hbm>> -> memref<10000xf32, #tpu.memory_space<hbm>>
      %dma_wait3A_194 = arith.constant 0 : i32
      %dma_wait3A_195 = tpu.memref_slice %arg6[%add3A_30, %add3A_184, %dma_wait3A_194] : memref<8x16x10000xf32, #tpu.memory_space<hbm>> -> memref<1x1x10000xf32, #tpu.memory_space<hbm>>
      %dma_wait3A_196 = tpu.memref_squeeze %dma_wait3A_195 : memref<1x1x10000xf32, #tpu.memory_space<hbm>> -> memref<10000xf32, #tpu.memory_space<hbm>>
      tpu.wait_dma2 semaphore(%run_scoped3A : memref<!tpu.dma_semaphore, #tpu.memory_space<semaphore_mem>>) src(%arg14 : memref<10000xf32, #tpu.memory_space<vmem>>) dst(%dma_wait3A_196 : memref<10000xf32, #tpu.memory_space<hbm>>)
      tpu.yield
    }) : () -> ()
    return
  }
}

#map = affine_map<(d0, d1) -> (0, 0)>
#map1 = affine_map<(d0, d1) -> (0)>
#map2 = affine_map<(d0, d1) -> (0, 0, 0)>
module attributes {stable_mosaic.version = 14 : i64} {
  func.func @_agg_kernel(%arg0: i32, %arg1: i32, %arg2: memref<16x10000xf32, #tpu.memory_space<hbm>>, %arg3: memref<320000xi32, #tpu.memory_space<hbm>>, %arg4: memref<320000xi32, #tpu.memory_space<hbm>>, %arg5: memref<320000xf32, #tpu.memory_space<hbm>>, %arg6: memref<8x16x10000xf32, #tpu.memory_space<hbm>>, %arg7: memref<10000xf32, #tpu.memory_space<vmem>>, %arg8: memref<10000xf32, #tpu.memory_space<vmem>>, %arg9: memref<10000xf32, #tpu.memory_space<vmem>>, %arg10: memref<10000xf32, #tpu.memory_space<vmem>>, %arg11: memref<10000xf32, #tpu.memory_space<vmem>>, %arg12: memref<10000xf32, #tpu.memory_space<vmem>>, %arg13: memref<10000xf32, #tpu.memory_space<vmem>>, %arg14: memref<10000xf32, #tpu.memory_space<vmem>>, %arg15: memref<8000xi32, #tpu.memory_space<vmem>>, %arg16: memref<8000xi32, #tpu.memory_space<vmem>>, %arg17: memref<8000xi32, #tpu.memory_space<vmem>>, %arg18: memref<8000xi32, #tpu.memory_space<vmem>>, %arg19: memref<8000xf32, #tpu.memory_space<vmem>>, %arg20: memref<8000xf32, #tpu.memory_space<vmem>>, %arg21: memref<!tpu.dma_semaphore, #tpu.memory_space<semaphore_mem>>, %arg22: memref<!tpu.dma_semaphore, #tpu.memory_space<semaphore_mem>>, %arg23: memref<!tpu.dma_semaphore, #tpu.memory_space<semaphore_mem>>) attributes {dimension_semantics = [#tpu.dimension_semantics<core_parallel>, #tpu.dimension_semantics<subcore_parallel>], iteration_bounds = array<i64: 2, 16>, scalar_prefetch = 0 : i64, scratch_operands = 17 : i64, tpu.core_type = #tpu.core_type<sc_vector_subcore>, window_params = [{transform_indices = #map}, {transform_indices = #map1}, {transform_indices = #map1}, {transform_indices = #map1}, {transform_indices = #map2}]} {
    %jit3A = arith.constant 4 : i32
    %eq3A = arith.constant 0 : i32
    %eq3A_0 = arith.cmpi eq, %jit3A, %eq3A : i32
    %jit3A_1 = arith.constant 1 : i32
    %select_n3A = arith.select %eq3A_0, %jit3A_1, %jit3A : i32
    %rem3A = arith.remsi %arg1, %select_n3A : i32
    %ne3A = arith.constant 0 : i32
    %ne3A_2 = arith.cmpi ne, %rem3A, %ne3A : i32
    %lt3A = arith.constant 0 : i32
    %lt3A_3 = arith.cmpi slt, %rem3A, %lt3A : i32
    %lt3A_4 = arith.constant 0 : i32
    %lt3A_5 = arith.cmpi slt, %select_n3A, %lt3A_4 : i32
    %ne3A_6 = arith.xori %lt3A_3, %lt3A_5 : i1
    %and3A = arith.andi %ne3A_6, %ne3A_2 : i1
    %add3A = arith.addi %rem3A, %select_n3A : i32
    %select_n3A_7 = arith.select %and3A, %add3A, %rem3A : i32
    %jit3A_8 = arith.constant 4 : i32
    %div3A = arith.divsi %arg1, %jit3A_8 : i32
    %sign3A = arith.constant 0 : i32
    %sign3A_9 = arith.cmpi sgt, %arg1, %sign3A : i32
    %sign3A_10 = arith.extui %sign3A_9 : i1 to i32
    %sign3A_11 = arith.constant 0 : i32
    %sign3A_12 = arith.cmpi slt, %arg1, %sign3A_11 : i32
    %sign3A_13 = arith.extui %sign3A_12 : i1 to i32
    %sign3A_14 = arith.subi %sign3A_10, %sign3A_13 : i32
    %sign3A_15 = arith.constant 0 : i32
    %sign3A_16 = arith.cmpi sgt, %jit3A_8, %sign3A_15 : i32
    %sign3A_17 = arith.extui %sign3A_16 : i1 to i32
    %sign3A_18 = arith.constant 0 : i32
    %sign3A_19 = arith.cmpi slt, %jit3A_8, %sign3A_18 : i32
    %sign3A_20 = arith.extui %sign3A_19 : i1 to i32
    %sign3A_21 = arith.subi %sign3A_17, %sign3A_20 : i32
    %ne3A_22 = arith.cmpi ne, %sign3A_14, %sign3A_21 : i32
    %rem3A_23 = arith.remsi %arg1, %jit3A_8 : i32
    %ne3A_24 = arith.constant 0 : i32
    %ne3A_25 = arith.cmpi ne, %rem3A_23, %ne3A_24 : i32
    %and3A_26 = arith.andi %ne3A_22, %ne3A_25 : i1
    %sub3A = arith.constant 1 : i32
    %sub3A_27 = arith.subi %div3A, %sub3A : i32
    %select_n3A_28 = arith.select %and3A_26, %sub3A_27, %div3A : i32
    %mul3A = arith.constant 2 : i32
    %mul3A_29 = arith.muli %select_n3A_28, %mul3A : i32
    %add3A_30 = arith.addi %mul3A_29, %arg0 : i32
    %mul3A_31 = arith.constant 4 : i32
    %mul3A_32 = arith.muli %select_n3A_7, %mul3A_31 : i32
    %mul3A_33 = arith.constant 40000 : i32
    %mul3A_34 = arith.muli %add3A_30, %mul3A_33 : i32
    %add3A_35 = arith.constant 0 : i32
    %add3A_36 = arith.addi %mul3A_34, %add3A_35 : i32
    %dma_start3A = tpu.memref_slice %arg3[%add3A_36] : memref<320000xi32, #tpu.memory_space<hbm>> -> memref<8000xi32, #tpu.memory_space<hbm>>
    %dma_start3A_37 = tpu.memref_slice %arg3[%add3A_36] : memref<320000xi32, #tpu.memory_space<hbm>> -> memref<8000xi32, #tpu.memory_space<hbm>>
    tpu.enqueue_dma source(%dma_start3A_37 : memref<8000xi32, #tpu.memory_space<hbm>>) target(%arg15 : memref<8000xi32, #tpu.memory_space<vmem>>) target_semaphore(%arg21 : memref<!tpu.dma_semaphore, #tpu.memory_space<semaphore_mem>>)
    %dma_start3A_38 = tpu.memref_slice %arg4[%add3A_36] : memref<320000xi32, #tpu.memory_space<hbm>> -> memref<8000xi32, #tpu.memory_space<hbm>>
    %dma_start3A_39 = tpu.memref_slice %arg4[%add3A_36] : memref<320000xi32, #tpu.memory_space<hbm>> -> memref<8000xi32, #tpu.memory_space<hbm>>
    tpu.enqueue_dma source(%dma_start3A_39 : memref<8000xi32, #tpu.memory_space<hbm>>) target(%arg17 : memref<8000xi32, #tpu.memory_space<vmem>>) target_semaphore(%arg21 : memref<!tpu.dma_semaphore, #tpu.memory_space<semaphore_mem>>)
    %dma_start3A_40 = tpu.memref_slice %arg5[%add3A_36] : memref<320000xf32, #tpu.memory_space<hbm>> -> memref<8000xf32, #tpu.memory_space<hbm>>
    %dma_start3A_41 = tpu.memref_slice %arg5[%add3A_36] : memref<320000xf32, #tpu.memory_space<hbm>> -> memref<8000xf32, #tpu.memory_space<hbm>>
    tpu.enqueue_dma source(%dma_start3A_41 : memref<8000xf32, #tpu.memory_space<hbm>>) target(%arg19 : memref<8000xf32, #tpu.memory_space<vmem>>) target_semaphore(%arg21 : memref<!tpu.dma_semaphore, #tpu.memory_space<semaphore_mem>>)
    %add3A_42 = arith.constant 0 : i32
    %add3A_43 = arith.addi %mul3A_32, %add3A_42 : i32
    %dma_start3A_44 = arith.constant 0 : i32
    %dma_start3A_45 = tpu.memref_slice %arg2[%add3A_43, %dma_start3A_44] : memref<16x10000xf32, #tpu.memory_space<hbm>> -> memref<1x10000xf32, #tpu.memory_space<hbm>>
    %dma_start3A_46 = tpu.memref_squeeze %dma_start3A_45 : memref<1x10000xf32, #tpu.memory_space<hbm>> -> memref<10000xf32, #tpu.memory_space<hbm>>
    %dma_start3A_47 = arith.constant 0 : i32
    %dma_start3A_48 = tpu.memref_slice %arg2[%add3A_43, %dma_start3A_47] : memref<16x10000xf32, #tpu.memory_space<hbm>> -> memref<1x10000xf32, #tpu.memory_space<hbm>>
    %dma_start3A_49 = tpu.memref_squeeze %dma_start3A_48 : memref<1x10000xf32, #tpu.memory_space<hbm>> -> memref<10000xf32, #tpu.memory_space<hbm>>
    tpu.enqueue_dma source(%dma_start3A_49 : memref<10000xf32, #tpu.memory_space<hbm>>) target(%arg7 : memref<10000xf32, #tpu.memory_space<vmem>>) target_semaphore(%arg23 : memref<!tpu.dma_semaphore, #tpu.memory_space<semaphore_mem>>)
    %add3A_50 = arith.constant 1 : i32
    %add3A_51 = arith.addi %mul3A_32, %add3A_50 : i32
    %dma_start3A_52 = arith.constant 0 : i32
    %dma_start3A_53 = tpu.memref_slice %arg2[%add3A_51, %dma_start3A_52] : memref<16x10000xf32, #tpu.memory_space<hbm>> -> memref<1x10000xf32, #tpu.memory_space<hbm>>
    %dma_start3A_54 = tpu.memref_squeeze %dma_start3A_53 : memref<1x10000xf32, #tpu.memory_space<hbm>> -> memref<10000xf32, #tpu.memory_space<hbm>>
    %dma_start3A_55 = arith.constant 0 : i32
    %dma_start3A_56 = tpu.memref_slice %arg2[%add3A_51, %dma_start3A_55] : memref<16x10000xf32, #tpu.memory_space<hbm>> -> memref<1x10000xf32, #tpu.memory_space<hbm>>
    %dma_start3A_57 = tpu.memref_squeeze %dma_start3A_56 : memref<1x10000xf32, #tpu.memory_space<hbm>> -> memref<10000xf32, #tpu.memory_space<hbm>>
    tpu.enqueue_dma source(%dma_start3A_57 : memref<10000xf32, #tpu.memory_space<hbm>>) target(%arg8 : memref<10000xf32, #tpu.memory_space<vmem>>) target_semaphore(%arg23 : memref<!tpu.dma_semaphore, #tpu.memory_space<semaphore_mem>>)
    %add3A_58 = arith.constant 2 : i32
    %add3A_59 = arith.addi %mul3A_32, %add3A_58 : i32
    %dma_start3A_60 = arith.constant 0 : i32
    %dma_start3A_61 = tpu.memref_slice %arg2[%add3A_59, %dma_start3A_60] : memref<16x10000xf32, #tpu.memory_space<hbm>> -> memref<1x10000xf32, #tpu.memory_space<hbm>>
    %dma_start3A_62 = tpu.memref_squeeze %dma_start3A_61 : memref<1x10000xf32, #tpu.memory_space<hbm>> -> memref<10000xf32, #tpu.memory_space<hbm>>
    %dma_start3A_63 = arith.constant 0 : i32
    %dma_start3A_64 = tpu.memref_slice %arg2[%add3A_59, %dma_start3A_63] : memref<16x10000xf32, #tpu.memory_space<hbm>> -> memref<1x10000xf32, #tpu.memory_space<hbm>>
    %dma_start3A_65 = tpu.memref_squeeze %dma_start3A_64 : memref<1x10000xf32, #tpu.memory_space<hbm>> -> memref<10000xf32, #tpu.memory_space<hbm>>
    tpu.enqueue_dma source(%dma_start3A_65 : memref<10000xf32, #tpu.memory_space<hbm>>) target(%arg9 : memref<10000xf32, #tpu.memory_space<vmem>>) target_semaphore(%arg23 : memref<!tpu.dma_semaphore, #tpu.memory_space<semaphore_mem>>)
    %add3A_66 = arith.constant 3 : i32
    %add3A_67 = arith.addi %mul3A_32, %add3A_66 : i32
    %dma_start3A_68 = arith.constant 0 : i32
    %dma_start3A_69 = tpu.memref_slice %arg2[%add3A_67, %dma_start3A_68] : memref<16x10000xf32, #tpu.memory_space<hbm>> -> memref<1x10000xf32, #tpu.memory_space<hbm>>
    %dma_start3A_70 = tpu.memref_squeeze %dma_start3A_69 : memref<1x10000xf32, #tpu.memory_space<hbm>> -> memref<10000xf32, #tpu.memory_space<hbm>>
    %dma_start3A_71 = arith.constant 0 : i32
    %dma_start3A_72 = tpu.memref_slice %arg2[%add3A_67, %dma_start3A_71] : memref<16x10000xf32, #tpu.memory_space<hbm>> -> memref<1x10000xf32, #tpu.memory_space<hbm>>
    %dma_start3A_73 = tpu.memref_squeeze %dma_start3A_72 : memref<1x10000xf32, #tpu.memory_space<hbm>> -> memref<10000xf32, #tpu.memory_space<hbm>>
    tpu.enqueue_dma source(%dma_start3A_73 : memref<10000xf32, #tpu.memory_space<hbm>>) target(%arg10 : memref<10000xf32, #tpu.memory_space<vmem>>) target_semaphore(%arg23 : memref<!tpu.dma_semaphore, #tpu.memory_space<semaphore_mem>>)
    %broadcast_in_dim3A = arith.constant 0.000000e+00 : f32
    %broadcast_in_dim3A_74 = vector.broadcast %broadcast_in_dim3A : f32 to vector<16xf32>
    %parallel_loop3A = arith.constant 0 : i32
    %parallel_loop3A_75 = arith.constant 625 : i32
    %parallel_loop3A_76 = arith.constant 1 : i32
    scf.for %parallel_loop3A_185 = %parallel_loop3A to %parallel_loop3A_75 step %parallel_loop3A_76  : i32 {
      %parallel_loop3A_186 = arith.constant 16 : i32
      %parallel_loop3A_187 = arith.muli %parallel_loop3A_185, %parallel_loop3A_186 : i32
      %parallel_loop3A_188 = arith.index_cast %parallel_loop3A_187 : i32 to index
      %parallel_loop3A_189 = tpu.vector_load %arg11[%parallel_loop3A_188] {strides = array<i32>} : memref<10000xf32, #tpu.memory_space<vmem>>, vector<16xf32>,
      tpu.vector_store %arg11[%parallel_loop3A_188], %broadcast_in_dim3A_74 {strides = array<i32>} : memref<10000xf32, #tpu.memory_space<vmem>>, vector<16xf32>,
      %parallel_loop3A_190 = arith.index_cast %parallel_loop3A_187 : i32 to index
      %parallel_loop3A_191 = tpu.vector_load %arg12[%parallel_loop3A_190] {strides = array<i32>} : memref<10000xf32, #tpu.memory_space<vmem>>, vector<16xf32>,
      tpu.vector_store %arg12[%parallel_loop3A_190], %broadcast_in_dim3A_74 {strides = array<i32>} : memref<10000xf32, #tpu.memory_space<vmem>>, vector<16xf32>,
      %parallel_loop3A_192 = arith.index_cast %parallel_loop3A_187 : i32 to index
      %parallel_loop3A_193 = tpu.vector_load %arg13[%parallel_loop3A_192] {strides = array<i32>} : memref<10000xf32, #tpu.memory_space<vmem>>, vector<16xf32>,
      tpu.vector_store %arg13[%parallel_loop3A_192], %broadcast_in_dim3A_74 {strides = array<i32>} : memref<10000xf32, #tpu.memory_space<vmem>>, vector<16xf32>,
      %parallel_loop3A_194 = arith.index_cast %parallel_loop3A_187 : i32 to index
      %parallel_loop3A_195 = tpu.vector_load %arg14[%parallel_loop3A_194] {strides = array<i32>} : memref<10000xf32, #tpu.memory_space<vmem>>, vector<16xf32>,
      tpu.vector_store %arg14[%parallel_loop3A_194], %broadcast_in_dim3A_74 {strides = array<i32>} : memref<10000xf32, #tpu.memory_space<vmem>>, vector<16xf32>,
    } {sc.loop_unroll_factor = 8 : i64, sc.parallel_access}
    %dma_wait3A = arith.constant 0 : i32
    %dma_wait3A_77 = tpu.memref_slice %arg2[%add3A_43, %dma_wait3A] : memref<16x10000xf32, #tpu.memory_space<hbm>> -> memref<1x10000xf32, #tpu.memory_space<hbm>>
    %dma_wait3A_78 = tpu.memref_squeeze %dma_wait3A_77 : memref<1x10000xf32, #tpu.memory_space<hbm>> -> memref<10000xf32, #tpu.memory_space<hbm>>
    %dma_wait3A_79 = arith.constant 0 : i32
    %dma_wait3A_80 = tpu.memref_slice %arg2[%add3A_43, %dma_wait3A_79] : memref<16x10000xf32, #tpu.memory_space<hbm>> -> memref<1x10000xf32, #tpu.memory_space<hbm>>
    %dma_wait3A_81 = tpu.memref_squeeze %dma_wait3A_80 : memref<1x10000xf32, #tpu.memory_space<hbm>> -> memref<10000xf32, #tpu.memory_space<hbm>>
    tpu.wait_dma2 semaphore(%arg23 : memref<!tpu.dma_semaphore, #tpu.memory_space<semaphore_mem>>) src(%dma_wait3A_81 : memref<10000xf32, #tpu.memory_space<hbm>>) dst(%arg7 : memref<10000xf32, #tpu.memory_space<vmem>>)
    %dma_wait3A_82 = arith.constant 0 : i32
    %dma_wait3A_83 = tpu.memref_slice %arg2[%add3A_51, %dma_wait3A_82] : memref<16x10000xf32, #tpu.memory_space<hbm>> -> memref<1x10000xf32, #tpu.memory_space<hbm>>
    %dma_wait3A_84 = tpu.memref_squeeze %dma_wait3A_83 : memref<1x10000xf32, #tpu.memory_space<hbm>> -> memref<10000xf32, #tpu.memory_space<hbm>>
    %dma_wait3A_85 = arith.constant 0 : i32
    %dma_wait3A_86 = tpu.memref_slice %arg2[%add3A_51, %dma_wait3A_85] : memref<16x10000xf32, #tpu.memory_space<hbm>> -> memref<1x10000xf32, #tpu.memory_space<hbm>>
    %dma_wait3A_87 = tpu.memref_squeeze %dma_wait3A_86 : memref<1x10000xf32, #tpu.memory_space<hbm>> -> memref<10000xf32, #tpu.memory_space<hbm>>
    tpu.wait_dma2 semaphore(%arg23 : memref<!tpu.dma_semaphore, #tpu.memory_space<semaphore_mem>>) src(%dma_wait3A_87 : memref<10000xf32, #tpu.memory_space<hbm>>) dst(%arg8 : memref<10000xf32, #tpu.memory_space<vmem>>)
    %dma_wait3A_88 = arith.constant 0 : i32
    %dma_wait3A_89 = tpu.memref_slice %arg2[%add3A_59, %dma_wait3A_88] : memref<16x10000xf32, #tpu.memory_space<hbm>> -> memref<1x10000xf32, #tpu.memory_space<hbm>>
    %dma_wait3A_90 = tpu.memref_squeeze %dma_wait3A_89 : memref<1x10000xf32, #tpu.memory_space<hbm>> -> memref<10000xf32, #tpu.memory_space<hbm>>
    %dma_wait3A_91 = arith.constant 0 : i32
    %dma_wait3A_92 = tpu.memref_slice %arg2[%add3A_59, %dma_wait3A_91] : memref<16x10000xf32, #tpu.memory_space<hbm>> -> memref<1x10000xf32, #tpu.memory_space<hbm>>
    %dma_wait3A_93 = tpu.memref_squeeze %dma_wait3A_92 : memref<1x10000xf32, #tpu.memory_space<hbm>> -> memref<10000xf32, #tpu.memory_space<hbm>>
    tpu.wait_dma2 semaphore(%arg23 : memref<!tpu.dma_semaphore, #tpu.memory_space<semaphore_mem>>) src(%dma_wait3A_93 : memref<10000xf32, #tpu.memory_space<hbm>>) dst(%arg9 : memref<10000xf32, #tpu.memory_space<vmem>>)
    %dma_wait3A_94 = arith.constant 0 : i32
    %dma_wait3A_95 = tpu.memref_slice %arg2[%add3A_67, %dma_wait3A_94] : memref<16x10000xf32, #tpu.memory_space<hbm>> -> memref<1x10000xf32, #tpu.memory_space<hbm>>
    %dma_wait3A_96 = tpu.memref_squeeze %dma_wait3A_95 : memref<1x10000xf32, #tpu.memory_space<hbm>> -> memref<10000xf32, #tpu.memory_space<hbm>>
    %dma_wait3A_97 = arith.constant 0 : i32
    %dma_wait3A_98 = tpu.memref_slice %arg2[%add3A_67, %dma_wait3A_97] : memref<16x10000xf32, #tpu.memory_space<hbm>> -> memref<1x10000xf32, #tpu.memory_space<hbm>>
    %dma_wait3A_99 = tpu.memref_squeeze %dma_wait3A_98 : memref<1x10000xf32, #tpu.memory_space<hbm>> -> memref<10000xf32, #tpu.memory_space<hbm>>
    tpu.wait_dma2 semaphore(%arg23 : memref<!tpu.dma_semaphore, #tpu.memory_space<semaphore_mem>>) src(%dma_wait3A_99 : memref<10000xf32, #tpu.memory_space<hbm>>) dst(%arg10 : memref<10000xf32, #tpu.memory_space<vmem>>)
    %add3A_100 = arith.constant 8000 : i32
    %add3A_101 = arith.addi %mul3A_34, %add3A_100 : i32
    %dma_start3A_102 = tpu.memref_slice %arg3[%add3A_101] : memref<320000xi32, #tpu.memory_space<hbm>> -> memref<8000xi32, #tpu.memory_space<hbm>>
    %dma_start3A_103 = tpu.memref_slice %arg3[%add3A_101] : memref<320000xi32, #tpu.memory_space<hbm>> -> memref<8000xi32, #tpu.memory_space<hbm>>
    tpu.enqueue_dma source(%dma_start3A_103 : memref<8000xi32, #tpu.memory_space<hbm>>) target(%arg16 : memref<8000xi32, #tpu.memory_space<vmem>>) target_semaphore(%arg22 : memref<!tpu.dma_semaphore, #tpu.memory_space<semaphore_mem>>)
    %dma_start3A_104 = tpu.memref_slice %arg4[%add3A_101] : memref<320000xi32, #tpu.memory_space<hbm>> -> memref<8000xi32, #tpu.memory_space<hbm>>
    %dma_start3A_105 = tpu.memref_slice %arg4[%add3A_101] : memref<320000xi32, #tpu.memory_space<hbm>> -> memref<8000xi32, #tpu.memory_space<hbm>>
    tpu.enqueue_dma source(%dma_start3A_105 : memref<8000xi32, #tpu.memory_space<hbm>>) target(%arg18 : memref<8000xi32, #tpu.memory_space<vmem>>) target_semaphore(%arg22 : memref<!tpu.dma_semaphore, #tpu.memory_space<semaphore_mem>>)
    %dma_start3A_106 = tpu.memref_slice %arg5[%add3A_101] : memref<320000xf32, #tpu.memory_space<hbm>> -> memref<8000xf32, #tpu.memory_space<hbm>>
    %dma_start3A_107 = tpu.memref_slice %arg5[%add3A_101] : memref<320000xf32, #tpu.memory_space<hbm>> -> memref<8000xf32, #tpu.memory_space<hbm>>
    tpu.enqueue_dma source(%dma_start3A_107 : memref<8000xf32, #tpu.memory_space<hbm>>) target(%arg20 : memref<8000xf32, #tpu.memory_space<vmem>>) target_semaphore(%arg22 : memref<!tpu.dma_semaphore, #tpu.memory_space<semaphore_mem>>)
    %dma_wait3A_108 = tpu.memref_slice %arg3[%add3A_36] : memref<320000xi32, #tpu.memory_space<hbm>> -> memref<8000xi32, #tpu.memory_space<hbm>>
    %dma_wait3A_109 = tpu.memref_slice %arg3[%add3A_36] : memref<320000xi32, #tpu.memory_space<hbm>> -> memref<8000xi32, #tpu.memory_space<hbm>>
    tpu.wait_dma2 semaphore(%arg21 : memref<!tpu.dma_semaphore, #tpu.memory_space<semaphore_mem>>) src(%dma_wait3A_109 : memref<8000xi32, #tpu.memory_space<hbm>>) dst(%arg15 : memref<8000xi32, #tpu.memory_space<vmem>>)
    %dma_wait3A_110 = tpu.memref_slice %arg4[%add3A_36] : memref<320000xi32, #tpu.memory_space<hbm>> -> memref<8000xi32, #tpu.memory_space<hbm>>
    %dma_wait3A_111 = tpu.memref_slice %arg4[%add3A_36] : memref<320000xi32, #tpu.memory_space<hbm>> -> memref<8000xi32, #tpu.memory_space<hbm>>
    tpu.wait_dma2 semaphore(%arg21 : memref<!tpu.dma_semaphore, #tpu.memory_space<semaphore_mem>>) src(%dma_wait3A_111 : memref<8000xi32, #tpu.memory_space<hbm>>) dst(%arg17 : memref<8000xi32, #tpu.memory_space<vmem>>)
    %dma_wait3A_112 = tpu.memref_slice %arg5[%add3A_36] : memref<320000xf32, #tpu.memory_space<hbm>> -> memref<8000xf32, #tpu.memory_space<hbm>>
    %dma_wait3A_113 = tpu.memref_slice %arg5[%add3A_36] : memref<320000xf32, #tpu.memory_space<hbm>> -> memref<8000xf32, #tpu.memory_space<hbm>>
    tpu.wait_dma2 semaphore(%arg21 : memref<!tpu.dma_semaphore, #tpu.memory_space<semaphore_mem>>) src(%dma_wait3A_113 : memref<8000xf32, #tpu.memory_space<hbm>>) dst(%arg19 : memref<8000xf32, #tpu.memory_space<vmem>>)
    %parallel_loop3A_114 = arith.constant 0 : i32
    %parallel_loop3A_115 = arith.constant 500 : i32
    %parallel_loop3A_116 = arith.constant 1 : i32
    scf.for %parallel_loop3A_185 = %parallel_loop3A_114 to %parallel_loop3A_115 step %parallel_loop3A_116  : i32 {
      %parallel_loop3A_186 = arith.constant 16 : i32
      %parallel_loop3A_187 = arith.muli %parallel_loop3A_185, %parallel_loop3A_186 : i32
      %parallel_loop3A_188 = arith.index_cast %parallel_loop3A_187 : i32 to index
      %parallel_loop3A_189 = tpu.vector_load %arg15[%parallel_loop3A_188] {strides = array<i32>} : memref<8000xi32, #tpu.memory_space<vmem>>, vector<16xi32>,
      %parallel_loop3A_190 = arith.index_cast %parallel_loop3A_187 : i32 to index
      %parallel_loop3A_191 = tpu.vector_load %arg17[%parallel_loop3A_190] {strides = array<i32>} : memref<8000xi32, #tpu.memory_space<vmem>>, vector<16xi32>,
      %parallel_loop3A_192 = arith.index_cast %parallel_loop3A_187 : i32 to index
      %parallel_loop3A_193 = tpu.vector_load %arg19[%parallel_loop3A_192] {strides = array<i32>} : memref<8000xf32, #tpu.memory_space<vmem>>, vector<16xf32>,
      %parallel_loop3A_194 = tpu.vector_load_idx %arg7[%parallel_loop3A_189] : memref<10000xf32, #tpu.memory_space<vmem>>[vector<16xi32>], vector<16xf32>,
      %parallel_loop3A_195 = arith.mulf %parallel_loop3A_194, %parallel_loop3A_193 : vector<16xf32>
      tpu.vector_store_idx %arg11[%parallel_loop3A_191], %parallel_loop3A_195 {add = true} : memref<10000xf32, #tpu.memory_space<vmem>>[vector<16xi32>], vector<16xf32>,
      %parallel_loop3A_196 = tpu.vector_load_idx %arg8[%parallel_loop3A_189] : memref<10000xf32, #tpu.memory_space<vmem>>[vector<16xi32>], vector<16xf32>,
      %parallel_loop3A_197 = arith.mulf %parallel_loop3A_196, %parallel_loop3A_193 : vector<16xf32>
      tpu.vector_store_idx %arg12[%parallel_loop3A_191], %parallel_loop3A_197 {add = true} : memref<10000xf32, #tpu.memory_space<vmem>>[vector<16xi32>], vector<16xf32>,
      %parallel_loop3A_198 = tpu.vector_load_idx %arg9[%parallel_loop3A_189] : memref<10000xf32, #tpu.memory_space<vmem>>[vector<16xi32>], vector<16xf32>,
      %parallel_loop3A_199 = arith.mulf %parallel_loop3A_198, %parallel_loop3A_193 : vector<16xf32>
      tpu.vector_store_idx %arg13[%parallel_loop3A_191], %parallel_loop3A_199 {add = true} : memref<10000xf32, #tpu.memory_space<vmem>>[vector<16xi32>], vector<16xf32>,
      %parallel_loop3A_200 = tpu.vector_load_idx %arg10[%parallel_loop3A_189] : memref<10000xf32, #tpu.memory_space<vmem>>[vector<16xi32>], vector<16xf32>,
      %parallel_loop3A_201 = arith.mulf %parallel_loop3A_200, %parallel_loop3A_193 : vector<16xf32>
      tpu.vector_store_idx %arg14[%parallel_loop3A_191], %parallel_loop3A_201 {add = true} : memref<10000xf32, #tpu.memory_space<vmem>>[vector<16xi32>], vector<16xf32>,
    } {sc.loop_unroll_factor = 2 : i64, sc.parallel_access}
    %add3A_117 = arith.constant 16000 : i32
    %add3A_118 = arith.addi %mul3A_34, %add3A_117 : i32
    %dma_start3A_119 = tpu.memref_slice %arg3[%add3A_118] : memref<320000xi32, #tpu.memory_space<hbm>> -> memref<8000xi32, #tpu.memory_space<hbm>>
    %dma_start3A_120 = tpu.memref_slice %arg3[%add3A_118] : memref<320000xi32, #tpu.memory_space<hbm>> -> memref<8000xi32, #tpu.memory_space<hbm>>
    tpu.enqueue_dma source(%dma_start3A_120 : memref<8000xi32, #tpu.memory_space<hbm>>) target(%arg15 : memref<8000xi32, #tpu.memory_space<vmem>>) target_semaphore(%arg21 : memref<!tpu.dma_semaphore, #tpu.memory_space<semaphore_mem>>)
    %dma_start3A_121 = tpu.memref_slice %arg4[%add3A_118] : memref<320000xi32, #tpu.memory_space<hbm>> -> memref<8000xi32, #tpu.memory_space<hbm>>
    %dma_start3A_122 = tpu.memref_slice %arg4[%add3A_118] : memref<320000xi32, #tpu.memory_space<hbm>> -> memref<8000xi32, #tpu.memory_space<hbm>>
    tpu.enqueue_dma source(%dma_start3A_122 : memref<8000xi32, #tpu.memory_space<hbm>>) target(%arg17 : memref<8000xi32, #tpu.memory_space<vmem>>) target_semaphore(%arg21 : memref<!tpu.dma_semaphore, #tpu.memory_space<semaphore_mem>>)
    %dma_start3A_123 = tpu.memref_slice %arg5[%add3A_118] : memref<320000xf32, #tpu.memory_space<hbm>> -> memref<8000xf32, #tpu.memory_space<hbm>>
    %dma_start3A_124 = tpu.memref_slice %arg5[%add3A_118] : memref<320000xf32, #tpu.memory_space<hbm>> -> memref<8000xf32, #tpu.memory_space<hbm>>
    tpu.enqueue_dma source(%dma_start3A_124 : memref<8000xf32, #tpu.memory_space<hbm>>) target(%arg19 : memref<8000xf32, #tpu.memory_space<vmem>>) target_semaphore(%arg21 : memref<!tpu.dma_semaphore, #tpu.memory_space<semaphore_mem>>)
    %dma_wait3A_125 = tpu.memref_slice %arg3[%add3A_101] : memref<320000xi32, #tpu.memory_space<hbm>> -> memref<8000xi32, #tpu.memory_space<hbm>>
    %dma_wait3A_126 = tpu.memref_slice %arg3[%add3A_101] : memref<320000xi32, #tpu.memory_space<hbm>> -> memref<8000xi32, #tpu.memory_space<hbm>>
    tpu.wait_dma2 semaphore(%arg22 : memref<!tpu.dma_semaphore, #tpu.memory_space<semaphore_mem>>) src(%dma_wait3A_126 : memref<8000xi32, #tpu.memory_space<hbm>>) dst(%arg16 : memref<8000xi32, #tpu.memory_space<vmem>>)
    %dma_wait3A_127 = tpu.memref_slice %arg4[%add3A_101] : memref<320000xi32, #tpu.memory_space<hbm>> -> memref<8000xi32, #tpu.memory_space<hbm>>
    %dma_wait3A_128 = tpu.memref_slice %arg4[%add3A_101] : memref<320000xi32, #tpu.memory_space<hbm>> -> memref<8000xi32, #tpu.memory_space<hbm>>
    tpu.wait_dma2 semaphore(%arg22 : memref<!tpu.dma_semaphore, #tpu.memory_space<semaphore_mem>>) src(%dma_wait3A_128 : memref<8000xi32, #tpu.memory_space<hbm>>) dst(%arg18 : memref<8000xi32, #tpu.memory_space<vmem>>)
    %dma_wait3A_129 = tpu.memref_slice %arg5[%add3A_101] : memref<320000xf32, #tpu.memory_space<hbm>> -> memref<8000xf32, #tpu.memory_space<hbm>>
    %dma_wait3A_130 = tpu.memref_slice %arg5[%add3A_101] : memref<320000xf32, #tpu.memory_space<hbm>> -> memref<8000xf32, #tpu.memory_space<hbm>>
    tpu.wait_dma2 semaphore(%arg22 : memref<!tpu.dma_semaphore, #tpu.memory_space<semaphore_mem>>) src(%dma_wait3A_130 : memref<8000xf32, #tpu.memory_space<hbm>>) dst(%arg20 : memref<8000xf32, #tpu.memory_space<vmem>>)
    %parallel_loop3A_131 = arith.constant 0 : i32
    %parallel_loop3A_132 = arith.constant 500 : i32
    %parallel_loop3A_133 = arith.constant 1 : i32
    scf.for %parallel_loop3A_185 = %parallel_loop3A_131 to %parallel_loop3A_132 step %parallel_loop3A_133  : i32 {
      %parallel_loop3A_186 = arith.constant 16 : i32
      %parallel_loop3A_187 = arith.muli %parallel_loop3A_185, %parallel_loop3A_186 : i32
      %parallel_loop3A_188 = arith.index_cast %parallel_loop3A_187 : i32 to index
      %parallel_loop3A_189 = tpu.vector_load %arg16[%parallel_loop3A_188] {strides = array<i32>} : memref<8000xi32, #tpu.memory_space<vmem>>, vector<16xi32>,
      %parallel_loop3A_190 = arith.index_cast %parallel_loop3A_187 : i32 to index
      %parallel_loop3A_191 = tpu.vector_load %arg18[%parallel_loop3A_190] {strides = array<i32>} : memref<8000xi32, #tpu.memory_space<vmem>>, vector<16xi32>,
      %parallel_loop3A_192 = arith.index_cast %parallel_loop3A_187 : i32 to index
      %parallel_loop3A_193 = tpu.vector_load %arg20[%parallel_loop3A_192] {strides = array<i32>} : memref<8000xf32, #tpu.memory_space<vmem>>, vector<16xf32>,
      %parallel_loop3A_194 = tpu.vector_load_idx %arg7[%parallel_loop3A_189] : memref<10000xf32, #tpu.memory_space<vmem>>[vector<16xi32>], vector<16xf32>,
      %parallel_loop3A_195 = arith.mulf %parallel_loop3A_194, %parallel_loop3A_193 : vector<16xf32>
      tpu.vector_store_idx %arg11[%parallel_loop3A_191], %parallel_loop3A_195 {add = true} : memref<10000xf32, #tpu.memory_space<vmem>>[vector<16xi32>], vector<16xf32>,
      %parallel_loop3A_196 = tpu.vector_load_idx %arg8[%parallel_loop3A_189] : memref<10000xf32, #tpu.memory_space<vmem>>[vector<16xi32>], vector<16xf32>,
      %parallel_loop3A_197 = arith.mulf %parallel_loop3A_196, %parallel_loop3A_193 : vector<16xf32>
      tpu.vector_store_idx %arg12[%parallel_loop3A_191], %parallel_loop3A_197 {add = true} : memref<10000xf32, #tpu.memory_space<vmem>>[vector<16xi32>], vector<16xf32>,
      %parallel_loop3A_198 = tpu.vector_load_idx %arg9[%parallel_loop3A_189] : memref<10000xf32, #tpu.memory_space<vmem>>[vector<16xi32>], vector<16xf32>,
      %parallel_loop3A_199 = arith.mulf %parallel_loop3A_198, %parallel_loop3A_193 : vector<16xf32>
      tpu.vector_store_idx %arg13[%parallel_loop3A_191], %parallel_loop3A_199 {add = true} : memref<10000xf32, #tpu.memory_space<vmem>>[vector<16xi32>], vector<16xf32>,
      %parallel_loop3A_200 = tpu.vector_load_idx %arg10[%parallel_loop3A_189] : memref<10000xf32, #tpu.memory_space<vmem>>[vector<16xi32>], vector<16xf32>,
      %parallel_loop3A_201 = arith.mulf %parallel_loop3A_200, %parallel_loop3A_193 : vector<16xf32>
      tpu.vector_store_idx %arg14[%parallel_loop3A_191], %parallel_loop3A_201 {add = true} : memref<10000xf32, #tpu.memory_space<vmem>>[vector<16xi32>], vector<16xf32>,
    } {sc.loop_unroll_factor = 2 : i64, sc.parallel_access}
    %add3A_134 = arith.constant 24000 : i32
    %add3A_135 = arith.addi %mul3A_34, %add3A_134 : i32
    %dma_start3A_136 = tpu.memref_slice %arg3[%add3A_135] : memref<320000xi32, #tpu.memory_space<hbm>> -> memref<8000xi32, #tpu.memory_space<hbm>>
    %dma_start3A_137 = tpu.memref_slice %arg3[%add3A_135] : memref<320000xi32, #tpu.memory_space<hbm>> -> memref<8000xi32, #tpu.memory_space<hbm>>
    tpu.enqueue_dma source(%dma_start3A_137 : memref<8000xi32, #tpu.memory_space<hbm>>) target(%arg16 : memref<8000xi32, #tpu.memory_space<vmem>>) target_semaphore(%arg22 : memref<!tpu.dma_semaphore, #tpu.memory_space<semaphore_mem>>)
    %dma_start3A_138 = tpu.memref_slice %arg4[%add3A_135] : memref<320000xi32, #tpu.memory_space<hbm>> -> memref<8000xi32, #tpu.memory_space<hbm>>
    %dma_start3A_139 = tpu.memref_slice %arg4[%add3A_135] : memref<320000xi32, #tpu.memory_space<hbm>> -> memref<8000xi32, #tpu.memory_space<hbm>>
    tpu.enqueue_dma source(%dma_start3A_139 : memref<8000xi32, #tpu.memory_space<hbm>>) target(%arg18 : memref<8000xi32, #tpu.memory_space<vmem>>) target_semaphore(%arg22 : memref<!tpu.dma_semaphore, #tpu.memory_space<semaphore_mem>>)
    %dma_start3A_140 = tpu.memref_slice %arg5[%add3A_135] : memref<320000xf32, #tpu.memory_space<hbm>> -> memref<8000xf32, #tpu.memory_space<hbm>>
    %dma_start3A_141 = tpu.memref_slice %arg5[%add3A_135] : memref<320000xf32, #tpu.memory_space<hbm>> -> memref<8000xf32, #tpu.memory_space<hbm>>
    tpu.enqueue_dma source(%dma_start3A_141 : memref<8000xf32, #tpu.memory_space<hbm>>) target(%arg20 : memref<8000xf32, #tpu.memory_space<vmem>>) target_semaphore(%arg22 : memref<!tpu.dma_semaphore, #tpu.memory_space<semaphore_mem>>)
    %dma_wait3A_142 = tpu.memref_slice %arg3[%add3A_118] : memref<320000xi32, #tpu.memory_space<hbm>> -> memref<8000xi32, #tpu.memory_space<hbm>>
    %dma_wait3A_143 = tpu.memref_slice %arg3[%add3A_118] : memref<320000xi32, #tpu.memory_space<hbm>> -> memref<8000xi32, #tpu.memory_space<hbm>>
    tpu.wait_dma2 semaphore(%arg21 : memref<!tpu.dma_semaphore, #tpu.memory_space<semaphore_mem>>) src(%dma_wait3A_143 : memref<8000xi32, #tpu.memory_space<hbm>>) dst(%arg15 : memref<8000xi32, #tpu.memory_space<vmem>>)
    %dma_wait3A_144 = tpu.memref_slice %arg4[%add3A_118] : memref<320000xi32, #tpu.memory_space<hbm>> -> memref<8000xi32, #tpu.memory_space<hbm>>
    %dma_wait3A_145 = tpu.memref_slice %arg4[%add3A_118] : memref<320000xi32, #tpu.memory_space<hbm>> -> memref<8000xi32, #tpu.memory_space<hbm>>
    tpu.wait_dma2 semaphore(%arg21 : memref<!tpu.dma_semaphore, #tpu.memory_space<semaphore_mem>>) src(%dma_wait3A_145 : memref<8000xi32, #tpu.memory_space<hbm>>) dst(%arg17 : memref<8000xi32, #tpu.memory_space<vmem>>)
    %dma_wait3A_146 = tpu.memref_slice %arg5[%add3A_118] : memref<320000xf32, #tpu.memory_space<hbm>> -> memref<8000xf32, #tpu.memory_space<hbm>>
    %dma_wait3A_147 = tpu.memref_slice %arg5[%add3A_118] : memref<320000xf32, #tpu.memory_space<hbm>> -> memref<8000xf32, #tpu.memory_space<hbm>>
    tpu.wait_dma2 semaphore(%arg21 : memref<!tpu.dma_semaphore, #tpu.memory_space<semaphore_mem>>) src(%dma_wait3A_147 : memref<8000xf32, #tpu.memory_space<hbm>>) dst(%arg19 : memref<8000xf32, #tpu.memory_space<vmem>>)
    %parallel_loop3A_148 = arith.constant 0 : i32
    %parallel_loop3A_149 = arith.constant 500 : i32
    %parallel_loop3A_150 = arith.constant 1 : i32
    scf.for %parallel_loop3A_185 = %parallel_loop3A_148 to %parallel_loop3A_149 step %parallel_loop3A_150  : i32 {
      %parallel_loop3A_186 = arith.constant 16 : i32
      %parallel_loop3A_187 = arith.muli %parallel_loop3A_185, %parallel_loop3A_186 : i32
      %parallel_loop3A_188 = arith.index_cast %parallel_loop3A_187 : i32 to index
      %parallel_loop3A_189 = tpu.vector_load %arg15[%parallel_loop3A_188] {strides = array<i32>} : memref<8000xi32, #tpu.memory_space<vmem>>, vector<16xi32>,
      %parallel_loop3A_190 = arith.index_cast %parallel_loop3A_187 : i32 to index
      %parallel_loop3A_191 = tpu.vector_load %arg17[%parallel_loop3A_190] {strides = array<i32>} : memref<8000xi32, #tpu.memory_space<vmem>>, vector<16xi32>,
      %parallel_loop3A_192 = arith.index_cast %parallel_loop3A_187 : i32 to index
      %parallel_loop3A_193 = tpu.vector_load %arg19[%parallel_loop3A_192] {strides = array<i32>} : memref<8000xf32, #tpu.memory_space<vmem>>, vector<16xf32>,
      %parallel_loop3A_194 = tpu.vector_load_idx %arg7[%parallel_loop3A_189] : memref<10000xf32, #tpu.memory_space<vmem>>[vector<16xi32>], vector<16xf32>,
      %parallel_loop3A_195 = arith.mulf %parallel_loop3A_194, %parallel_loop3A_193 : vector<16xf32>
      tpu.vector_store_idx %arg11[%parallel_loop3A_191], %parallel_loop3A_195 {add = true} : memref<10000xf32, #tpu.memory_space<vmem>>[vector<16xi32>], vector<16xf32>,
      %parallel_loop3A_196 = tpu.vector_load_idx %arg8[%parallel_loop3A_189] : memref<10000xf32, #tpu.memory_space<vmem>>[vector<16xi32>], vector<16xf32>,
      %parallel_loop3A_197 = arith.mulf %parallel_loop3A_196, %parallel_loop3A_193 : vector<16xf32>
      tpu.vector_store_idx %arg12[%parallel_loop3A_191], %parallel_loop3A_197 {add = true} : memref<10000xf32, #tpu.memory_space<vmem>>[vector<16xi32>], vector<16xf32>,
      %parallel_loop3A_198 = tpu.vector_load_idx %arg9[%parallel_loop3A_189] : memref<10000xf32, #tpu.memory_space<vmem>>[vector<16xi32>], vector<16xf32>,
      %parallel_loop3A_199 = arith.mulf %parallel_loop3A_198, %parallel_loop3A_193 : vector<16xf32>
      tpu.vector_store_idx %arg13[%parallel_loop3A_191], %parallel_loop3A_199 {add = true} : memref<10000xf32, #tpu.memory_space<vmem>>[vector<16xi32>], vector<16xf32>,
      %parallel_loop3A_200 = tpu.vector_load_idx %arg10[%parallel_loop3A_189] : memref<10000xf32, #tpu.memory_space<vmem>>[vector<16xi32>], vector<16xf32>,
      %parallel_loop3A_201 = arith.mulf %parallel_loop3A_200, %parallel_loop3A_193 : vector<16xf32>
      tpu.vector_store_idx %arg14[%parallel_loop3A_191], %parallel_loop3A_201 {add = true} : memref<10000xf32, #tpu.memory_space<vmem>>[vector<16xi32>], vector<16xf32>,
    } {sc.loop_unroll_factor = 2 : i64, sc.parallel_access}
    %add3A_151 = arith.constant 32000 : i32
    %add3A_152 = arith.addi %mul3A_34, %add3A_151 : i32
    %dma_start3A_153 = tpu.memref_slice %arg3[%add3A_152] : memref<320000xi32, #tpu.memory_space<hbm>> -> memref<8000xi32, #tpu.memory_space<hbm>>
    %dma_start3A_154 = tpu.memref_slice %arg3[%add3A_152] : memref<320000xi32, #tpu.memory_space<hbm>> -> memref<8000xi32, #tpu.memory_space<hbm>>
    tpu.enqueue_dma source(%dma_start3A_154 : memref<8000xi32, #tpu.memory_space<hbm>>) target(%arg15 : memref<8000xi32, #tpu.memory_space<vmem>>) target_semaphore(%arg21 : memref<!tpu.dma_semaphore, #tpu.memory_space<semaphore_mem>>)
    %dma_start3A_155 = tpu.memref_slice %arg4[%add3A_152] : memref<320000xi32, #tpu.memory_space<hbm>> -> memref<8000xi32, #tpu.memory_space<hbm>>
    %dma_start3A_156 = tpu.memref_slice %arg4[%add3A_152] : memref<320000xi32, #tpu.memory_space<hbm>> -> memref<8000xi32, #tpu.memory_space<hbm>>
    tpu.enqueue_dma source(%dma_start3A_156 : memref<8000xi32, #tpu.memory_space<hbm>>) target(%arg17 : memref<8000xi32, #tpu.memory_space<vmem>>) target_semaphore(%arg21 : memref<!tpu.dma_semaphore, #tpu.memory_space<semaphore_mem>>)
    %dma_start3A_157 = tpu.memref_slice %arg5[%add3A_152] : memref<320000xf32, #tpu.memory_space<hbm>> -> memref<8000xf32, #tpu.memory_space<hbm>>
    %dma_start3A_158 = tpu.memref_slice %arg5[%add3A_152] : memref<320000xf32, #tpu.memory_space<hbm>> -> memref<8000xf32, #tpu.memory_space<hbm>>
    tpu.enqueue_dma source(%dma_start3A_158 : memref<8000xf32, #tpu.memory_space<hbm>>) target(%arg19 : memref<8000xf32, #tpu.memory_space<vmem>>) target_semaphore(%arg21 : memref<!tpu.dma_semaphore, #tpu.memory_space<semaphore_mem>>)
    %dma_wait3A_159 = tpu.memref_slice %arg3[%add3A_135] : memref<320000xi32, #tpu.memory_space<hbm>> -> memref<8000xi32, #tpu.memory_space<hbm>>
    %dma_wait3A_160 = tpu.memref_slice %arg3[%add3A_135] : memref<320000xi32, #tpu.memory_space<hbm>> -> memref<8000xi32, #tpu.memory_space<hbm>>
    tpu.wait_dma2 semaphore(%arg22 : memref<!tpu.dma_semaphore, #tpu.memory_space<semaphore_mem>>) src(%dma_wait3A_160 : memref<8000xi32, #tpu.memory_space<hbm>>) dst(%arg16 : memref<8000xi32, #tpu.memory_space<vmem>>)
    %dma_wait3A_161 = tpu.memref_slice %arg4[%add3A_135] : memref<320000xi32, #tpu.memory_space<hbm>> -> memref<8000xi32, #tpu.memory_space<hbm>>
    %dma_wait3A_162 = tpu.memref_slice %arg4[%add3A_135] : memref<320000xi32, #tpu.memory_space<hbm>> -> memref<8000xi32, #tpu.memory_space<hbm>>
    tpu.wait_dma2 semaphore(%arg22 : memref<!tpu.dma_semaphore, #tpu.memory_space<semaphore_mem>>) src(%dma_wait3A_162 : memref<8000xi32, #tpu.memory_space<hbm>>) dst(%arg18 : memref<8000xi32, #tpu.memory_space<vmem>>)
    %dma_wait3A_163 = tpu.memref_slice %arg5[%add3A_135] : memref<320000xf32, #tpu.memory_space<hbm>> -> memref<8000xf32, #tpu.memory_space<hbm>>
    %dma_wait3A_164 = tpu.memref_slice %arg5[%add3A_135] : memref<320000xf32, #tpu.memory_space<hbm>> -> memref<8000xf32, #tpu.memory_space<hbm>>
    tpu.wait_dma2 semaphore(%arg22 : memref<!tpu.dma_semaphore, #tpu.memory_space<semaphore_mem>>) src(%dma_wait3A_164 : memref<8000xf32, #tpu.memory_space<hbm>>) dst(%arg20 : memref<8000xf32, #tpu.memory_space<vmem>>)
    %parallel_loop3A_165 = arith.constant 0 : i32
    %parallel_loop3A_166 = arith.constant 500 : i32
    %parallel_loop3A_167 = arith.constant 1 : i32
    scf.for %parallel_loop3A_185 = %parallel_loop3A_165 to %parallel_loop3A_166 step %parallel_loop3A_167  : i32 {
      %parallel_loop3A_186 = arith.constant 16 : i32
      %parallel_loop3A_187 = arith.muli %parallel_loop3A_185, %parallel_loop3A_186 : i32
      %parallel_loop3A_188 = arith.index_cast %parallel_loop3A_187 : i32 to index
      %parallel_loop3A_189 = tpu.vector_load %arg16[%parallel_loop3A_188] {strides = array<i32>} : memref<8000xi32, #tpu.memory_space<vmem>>, vector<16xi32>,
      %parallel_loop3A_190 = arith.index_cast %parallel_loop3A_187 : i32 to index
      %parallel_loop3A_191 = tpu.vector_load %arg18[%parallel_loop3A_190] {strides = array<i32>} : memref<8000xi32, #tpu.memory_space<vmem>>, vector<16xi32>,
      %parallel_loop3A_192 = arith.index_cast %parallel_loop3A_187 : i32 to index
      %parallel_loop3A_193 = tpu.vector_load %arg20[%parallel_loop3A_192] {strides = array<i32>} : memref<8000xf32, #tpu.memory_space<vmem>>, vector<16xf32>,
      %parallel_loop3A_194 = tpu.vector_load_idx %arg7[%parallel_loop3A_189] : memref<10000xf32, #tpu.memory_space<vmem>>[vector<16xi32>], vector<16xf32>,
      %parallel_loop3A_195 = arith.mulf %parallel_loop3A_194, %parallel_loop3A_193 : vector<16xf32>
      tpu.vector_store_idx %arg11[%parallel_loop3A_191], %parallel_loop3A_195 {add = true} : memref<10000xf32, #tpu.memory_space<vmem>>[vector<16xi32>], vector<16xf32>,
      %parallel_loop3A_196 = tpu.vector_load_idx %arg8[%parallel_loop3A_189] : memref<10000xf32, #tpu.memory_space<vmem>>[vector<16xi32>], vector<16xf32>,
      %parallel_loop3A_197 = arith.mulf %parallel_loop3A_196, %parallel_loop3A_193 : vector<16xf32>
      tpu.vector_store_idx %arg12[%parallel_loop3A_191], %parallel_loop3A_197 {add = true} : memref<10000xf32, #tpu.memory_space<vmem>>[vector<16xi32>], vector<16xf32>,
      %parallel_loop3A_198 = tpu.vector_load_idx %arg9[%parallel_loop3A_189] : memref<10000xf32, #tpu.memory_space<vmem>>[vector<16xi32>], vector<16xf32>,
      %parallel_loop3A_199 = arith.mulf %parallel_loop3A_198, %parallel_loop3A_193 : vector<16xf32>
      tpu.vector_store_idx %arg13[%parallel_loop3A_191], %parallel_loop3A_199 {add = true} : memref<10000xf32, #tpu.memory_space<vmem>>[vector<16xi32>], vector<16xf32>,
      %parallel_loop3A_200 = tpu.vector_load_idx %arg10[%parallel_loop3A_189] : memref<10000xf32, #tpu.memory_space<vmem>>[vector<16xi32>], vector<16xf32>,
      %parallel_loop3A_201 = arith.mulf %parallel_loop3A_200, %parallel_loop3A_193 : vector<16xf32>
      tpu.vector_store_idx %arg14[%parallel_loop3A_191], %parallel_loop3A_201 {add = true} : memref<10000xf32, #tpu.memory_space<vmem>>[vector<16xi32>], vector<16xf32>,
    } {sc.loop_unroll_factor = 2 : i64, sc.parallel_access}
    %dma_wait3A_168 = tpu.memref_slice %arg3[%add3A_152] : memref<320000xi32, #tpu.memory_space<hbm>> -> memref<8000xi32, #tpu.memory_space<hbm>>
    %dma_wait3A_169 = tpu.memref_slice %arg3[%add3A_152] : memref<320000xi32, #tpu.memory_space<hbm>> -> memref<8000xi32, #tpu.memory_space<hbm>>
    tpu.wait_dma2 semaphore(%arg21 : memref<!tpu.dma_semaphore, #tpu.memory_space<semaphore_mem>>) src(%dma_wait3A_169 : memref<8000xi32, #tpu.memory_space<hbm>>) dst(%arg15 : memref<8000xi32, #tpu.memory_space<vmem>>)
    %dma_wait3A_170 = tpu.memref_slice %arg4[%add3A_152] : memref<320000xi32, #tpu.memory_space<hbm>> -> memref<8000xi32, #tpu.memory_space<hbm>>
    %dma_wait3A_171 = tpu.memref_slice %arg4[%add3A_152] : memref<320000xi32, #tpu.memory_space<hbm>> -> memref<8000xi32, #tpu.memory_space<hbm>>
    tpu.wait_dma2 semaphore(%arg21 : memref<!tpu.dma_semaphore, #tpu.memory_space<semaphore_mem>>) src(%dma_wait3A_171 : memref<8000xi32, #tpu.memory_space<hbm>>) dst(%arg17 : memref<8000xi32, #tpu.memory_space<vmem>>)
    %dma_wait3A_172 = tpu.memref_slice %arg5[%add3A_152] : memref<320000xf32, #tpu.memory_space<hbm>> -> memref<8000xf32, #tpu.memory_space<hbm>>
    %dma_wait3A_173 = tpu.memref_slice %arg5[%add3A_152] : memref<320000xf32, #tpu.memory_space<hbm>> -> memref<8000xf32, #tpu.memory_space<hbm>>
    tpu.wait_dma2 semaphore(%arg21 : memref<!tpu.dma_semaphore, #tpu.memory_space<semaphore_mem>>) src(%dma_wait3A_173 : memref<8000xf32, #tpu.memory_space<hbm>>) dst(%arg19 : memref<8000xf32, #tpu.memory_space<vmem>>)
    %parallel_loop3A_174 = arith.constant 0 : i32
    %parallel_loop3A_175 = arith.constant 500 : i32
    %parallel_loop3A_176 = arith.constant 1 : i32
    scf.for %parallel_loop3A_185 = %parallel_loop3A_174 to %parallel_loop3A_175 step %parallel_loop3A_176  : i32 {
      %parallel_loop3A_186 = arith.constant 16 : i32
      %parallel_loop3A_187 = arith.muli %parallel_loop3A_185, %parallel_loop3A_186 : i32
      %parallel_loop3A_188 = arith.index_cast %parallel_loop3A_187 : i32 to index
      %parallel_loop3A_189 = tpu.vector_load %arg15[%parallel_loop3A_188] {strides = array<i32>} : memref<8000xi32, #tpu.memory_space<vmem>>, vector<16xi32>,
      %parallel_loop3A_190 = arith.index_cast %parallel_loop3A_187 : i32 to index
      %parallel_loop3A_191 = tpu.vector_load %arg17[%parallel_loop3A_190] {strides = array<i32>} : memref<8000xi32, #tpu.memory_space<vmem>>, vector<16xi32>,
      %parallel_loop3A_192 = arith.index_cast %parallel_loop3A_187 : i32 to index
      %parallel_loop3A_193 = tpu.vector_load %arg19[%parallel_loop3A_192] {strides = array<i32>} : memref<8000xf32, #tpu.memory_space<vmem>>, vector<16xf32>,
      %parallel_loop3A_194 = tpu.vector_load_idx %arg7[%parallel_loop3A_189] : memref<10000xf32, #tpu.memory_space<vmem>>[vector<16xi32>], vector<16xf32>,
      %parallel_loop3A_195 = arith.mulf %parallel_loop3A_194, %parallel_loop3A_193 : vector<16xf32>
      tpu.vector_store_idx %arg11[%parallel_loop3A_191], %parallel_loop3A_195 {add = true} : memref<10000xf32, #tpu.memory_space<vmem>>[vector<16xi32>], vector<16xf32>,
      %parallel_loop3A_196 = tpu.vector_load_idx %arg8[%parallel_loop3A_189] : memref<10000xf32, #tpu.memory_space<vmem>>[vector<16xi32>], vector<16xf32>,
      %parallel_loop3A_197 = arith.mulf %parallel_loop3A_196, %parallel_loop3A_193 : vector<16xf32>
      tpu.vector_store_idx %arg12[%parallel_loop3A_191], %parallel_loop3A_197 {add = true} : memref<10000xf32, #tpu.memory_space<vmem>>[vector<16xi32>], vector<16xf32>,
      %parallel_loop3A_198 = tpu.vector_load_idx %arg9[%parallel_loop3A_189] : memref<10000xf32, #tpu.memory_space<vmem>>[vector<16xi32>], vector<16xf32>,
      %parallel_loop3A_199 = arith.mulf %parallel_loop3A_198, %parallel_loop3A_193 : vector<16xf32>
      tpu.vector_store_idx %arg13[%parallel_loop3A_191], %parallel_loop3A_199 {add = true} : memref<10000xf32, #tpu.memory_space<vmem>>[vector<16xi32>], vector<16xf32>,
      %parallel_loop3A_200 = tpu.vector_load_idx %arg10[%parallel_loop3A_189] : memref<10000xf32, #tpu.memory_space<vmem>>[vector<16xi32>], vector<16xf32>,
      %parallel_loop3A_201 = arith.mulf %parallel_loop3A_200, %parallel_loop3A_193 : vector<16xf32>
      tpu.vector_store_idx %arg14[%parallel_loop3A_191], %parallel_loop3A_201 {add = true} : memref<10000xf32, #tpu.memory_space<vmem>>[vector<16xi32>], vector<16xf32>,
    } {sc.loop_unroll_factor = 2 : i64, sc.parallel_access}
    %add3A_177 = arith.constant 0 : i32
    %add3A_178 = arith.addi %mul3A_32, %add3A_177 : i32
    "tpu.region"() ({
      %run_scoped3A = tpu.sem_alloc : memref<!tpu.dma_semaphore, #tpu.memory_space<semaphore_mem>>
      %dma_start3A_185 = arith.constant 0 : i32
      %dma_start3A_186 = tpu.memref_slice %arg6[%add3A_30, %add3A_178, %dma_start3A_185] : memref<8x16x10000xf32, #tpu.memory_space<hbm>> -> memref<1x1x10000xf32, #tpu.memory_space<hbm>>
      %dma_start3A_187 = tpu.memref_squeeze %dma_start3A_186 : memref<1x1x10000xf32, #tpu.memory_space<hbm>> -> memref<10000xf32, #tpu.memory_space<hbm>>
      %dma_start3A_188 = arith.constant 0 : i32
      %dma_start3A_189 = tpu.memref_slice %arg6[%add3A_30, %add3A_178, %dma_start3A_188] : memref<8x16x10000xf32, #tpu.memory_space<hbm>> -> memref<1x1x10000xf32, #tpu.memory_space<hbm>>
      %dma_start3A_190 = tpu.memref_squeeze %dma_start3A_189 : memref<1x1x10000xf32, #tpu.memory_space<hbm>> -> memref<10000xf32, #tpu.memory_space<hbm>>
      tpu.enqueue_dma source(%arg11 : memref<10000xf32, #tpu.memory_space<vmem>>) target(%dma_start3A_190 : memref<10000xf32, #tpu.memory_space<hbm>>) target_semaphore(%run_scoped3A : memref<!tpu.dma_semaphore, #tpu.memory_space<semaphore_mem>>)
      %dma_wait3A_191 = arith.constant 0 : i32
      %dma_wait3A_192 = tpu.memref_slice %arg6[%add3A_30, %add3A_178, %dma_wait3A_191] : memref<8x16x10000xf32, #tpu.memory_space<hbm>> -> memref<1x1x10000xf32, #tpu.memory_space<hbm>>
      %dma_wait3A_193 = tpu.memref_squeeze %dma_wait3A_192 : memref<1x1x10000xf32, #tpu.memory_space<hbm>> -> memref<10000xf32, #tpu.memory_space<hbm>>
      %dma_wait3A_194 = arith.constant 0 : i32
      %dma_wait3A_195 = tpu.memref_slice %arg6[%add3A_30, %add3A_178, %dma_wait3A_194] : memref<8x16x10000xf32, #tpu.memory_space<hbm>> -> memref<1x1x10000xf32, #tpu.memory_space<hbm>>
      %dma_wait3A_196 = tpu.memref_squeeze %dma_wait3A_195 : memref<1x1x10000xf32, #tpu.memory_space<hbm>> -> memref<10000xf32, #tpu.memory_space<hbm>>
      tpu.wait_dma2 semaphore(%run_scoped3A : memref<!tpu.dma_semaphore, #tpu.memory_space<semaphore_mem>>) src(%arg11 : memref<10000xf32, #tpu.memory_space<vmem>>) dst(%dma_wait3A_196 : memref<10000xf32, #tpu.memory_space<hbm>>)
      tpu.yield
    }) : () -> ()
    %add3A_179 = arith.constant 1 : i32
    %add3A_180 = arith.addi %mul3A_32, %add3A_179 : i32
    "tpu.region"() ({
      %run_scoped3A = tpu.sem_alloc : memref<!tpu.dma_semaphore, #tpu.memory_space<semaphore_mem>>
      %dma_start3A_185 = arith.constant 0 : i32
      %dma_start3A_186 = tpu.memref_slice %arg6[%add3A_30, %add3A_180, %dma_start3A_185] : memref<8x16x10000xf32, #tpu.memory_space<hbm>> -> memref<1x1x10000xf32, #tpu.memory_space<hbm>>
      %dma_start3A_187 = tpu.memref_squeeze %dma_start3A_186 : memref<1x1x10000xf32, #tpu.memory_space<hbm>> -> memref<10000xf32, #tpu.memory_space<hbm>>
      %dma_start3A_188 = arith.constant 0 : i32
      %dma_start3A_189 = tpu.memref_slice %arg6[%add3A_30, %add3A_180, %dma_start3A_188] : memref<8x16x10000xf32, #tpu.memory_space<hbm>> -> memref<1x1x10000xf32, #tpu.memory_space<hbm>>
      %dma_start3A_190 = tpu.memref_squeeze %dma_start3A_189 : memref<1x1x10000xf32, #tpu.memory_space<hbm>> -> memref<10000xf32, #tpu.memory_space<hbm>>
      tpu.enqueue_dma source(%arg12 : memref<10000xf32, #tpu.memory_space<vmem>>) target(%dma_start3A_190 : memref<10000xf32, #tpu.memory_space<hbm>>) target_semaphore(%run_scoped3A : memref<!tpu.dma_semaphore, #tpu.memory_space<semaphore_mem>>)
      %dma_wait3A_191 = arith.constant 0 : i32
      %dma_wait3A_192 = tpu.memref_slice %arg6[%add3A_30, %add3A_180, %dma_wait3A_191] : memref<8x16x10000xf32, #tpu.memory_space<hbm>> -> memref<1x1x10000xf32, #tpu.memory_space<hbm>>
      %dma_wait3A_193 = tpu.memref_squeeze %dma_wait3A_192 : memref<1x1x10000xf32, #tpu.memory_space<hbm>> -> memref<10000xf32, #tpu.memory_space<hbm>>
      %dma_wait3A_194 = arith.constant 0 : i32
      %dma_wait3A_195 = tpu.memref_slice %arg6[%add3A_30, %add3A_180, %dma_wait3A_194] : memref<8x16x10000xf32, #tpu.memory_space<hbm>> -> memref<1x1x10000xf32, #tpu.memory_space<hbm>>
      %dma_wait3A_196 = tpu.memref_squeeze %dma_wait3A_195 : memref<1x1x10000xf32, #tpu.memory_space<hbm>> -> memref<10000xf32, #tpu.memory_space<hbm>>
      tpu.wait_dma2 semaphore(%run_scoped3A : memref<!tpu.dma_semaphore, #tpu.memory_space<semaphore_mem>>) src(%arg12 : memref<10000xf32, #tpu.memory_space<vmem>>) dst(%dma_wait3A_196 : memref<10000xf32, #tpu.memory_space<hbm>>)
      tpu.yield
    }) : () -> ()
    %add3A_181 = arith.constant 2 : i32
    %add3A_182 = arith.addi %mul3A_32, %add3A_181 : i32
    "tpu.region"() ({
      %run_scoped3A = tpu.sem_alloc : memref<!tpu.dma_semaphore, #tpu.memory_space<semaphore_mem>>
      %dma_start3A_185 = arith.constant 0 : i32
      %dma_start3A_186 = tpu.memref_slice %arg6[%add3A_30, %add3A_182, %dma_start3A_185] : memref<8x16x10000xf32, #tpu.memory_space<hbm>> -> memref<1x1x10000xf32, #tpu.memory_space<hbm>>
      %dma_start3A_187 = tpu.memref_squeeze %dma_start3A_186 : memref<1x1x10000xf32, #tpu.memory_space<hbm>> -> memref<10000xf32, #tpu.memory_space<hbm>>
      %dma_start3A_188 = arith.constant 0 : i32
      %dma_start3A_189 = tpu.memref_slice %arg6[%add3A_30, %add3A_182, %dma_start3A_188] : memref<8x16x10000xf32, #tpu.memory_space<hbm>> -> memref<1x1x10000xf32, #tpu.memory_space<hbm>>
      %dma_start3A_190 = tpu.memref_squeeze %dma_start3A_189 : memref<1x1x10000xf32, #tpu.memory_space<hbm>> -> memref<10000xf32, #tpu.memory_space<hbm>>
      tpu.enqueue_dma source(%arg13 : memref<10000xf32, #tpu.memory_space<vmem>>) target(%dma_start3A_190 : memref<10000xf32, #tpu.memory_space<hbm>>) target_semaphore(%run_scoped3A : memref<!tpu.dma_semaphore, #tpu.memory_space<semaphore_mem>>)
      %dma_wait3A_191 = arith.constant 0 : i32
      %dma_wait3A_192 = tpu.memref_slice %arg6[%add3A_30, %add3A_182, %dma_wait3A_191] : memref<8x16x10000xf32, #tpu.memory_space<hbm>> -> memref<1x1x10000xf32, #tpu.memory_space<hbm>>
      %dma_wait3A_193 = tpu.memref_squeeze %dma_wait3A_192 : memref<1x1x10000xf32, #tpu.memory_space<hbm>> -> memref<10000xf32, #tpu.memory_space<hbm>>
      %dma_wait3A_194 = arith.constant 0 : i32
      %dma_wait3A_195 = tpu.memref_slice %arg6[%add3A_30, %add3A_182, %dma_wait3A_194] : memref<8x16x10000xf32, #tpu.memory_space<hbm>> -> memref<1x1x10000xf32, #tpu.memory_space<hbm>>
      %dma_wait3A_196 = tpu.memref_squeeze %dma_wait3A_195 : memref<1x1x10000xf32, #tpu.memory_space<hbm>> -> memref<10000xf32, #tpu.memory_space<hbm>>
      tpu.wait_dma2 semaphore(%run_scoped3A : memref<!tpu.dma_semaphore, #tpu.memory_space<semaphore_mem>>) src(%arg13 : memref<10000xf32, #tpu.memory_space<vmem>>) dst(%dma_wait3A_196 : memref<10000xf32, #tpu.memory_space<hbm>>)
      tpu.yield
    }) : () -> ()
    %add3A_183 = arith.constant 3 : i32
    %add3A_184 = arith.addi %mul3A_32, %add3A_183 : i32
    "tpu.region"() ({
      %run_scoped3A = tpu.sem_alloc : memref<!tpu.dma_semaphore, #tpu.memory_space<semaphore_mem>>
      %dma_start3A_185 = arith.constant 0 : i32
      %dma_start3A_186 = tpu.memref_slice %arg6[%add3A_30, %add3A_184, %dma_start3A_185] : memref<8x16x10000xf32, #tpu.memory_space<hbm>> -> memref<1x1x10000xf32, #tpu.memory_space<hbm>>
      %dma_start3A_187 = tpu.memref_squeeze %dma_start3A_186 : memref<1x1x10000xf32, #tpu.memory_space<hbm>> -> memref<10000xf32, #tpu.memory_space<hbm>>
      %dma_start3A_188 = arith.constant 0 : i32
      %dma_start3A_189 = tpu.memref_slice %arg6[%add3A_30, %add3A_184, %dma_start3A_188] : memref<8x16x10000xf32, #tpu.memory_space<hbm>> -> memref<1x1x10000xf32, #tpu.memory_space<hbm>>
      %dma_start3A_190 = tpu.memref_squeeze %dma_start3A_189 : memref<1x1x10000xf32, #tpu.memory_space<hbm>> -> memref<10000xf32, #tpu.memory_space<hbm>>
      tpu.enqueue_dma source(%arg14 : memref<10000xf32, #tpu.memory_space<vmem>>) target(%dma_start3A_190 : memref<10000xf32, #tpu.memory_space<hbm>>) target_semaphore(%run_scoped3A : memref<!tpu.dma_semaphore, #tpu.memory_space<semaphore_mem>>)
      %dma_wait3A_191 = arith.constant 0 : i32
      %dma_wait3A_192 = tpu.memref_slice %arg6[%add3A_30, %add3A_184, %dma_wait3A_191] : memref<8x16x10000xf32, #tpu.memory_space<hbm>> -> memref<1x1x10000xf32, #tpu.memory_space<hbm>>
      %dma_wait3A_193 = tpu.memref_squeeze %dma_wait3A_192 : memref<1x1x10000xf32, #tpu.memory_space<hbm>> -> memref<10000xf32, #tpu.memory_space<hbm>>
      %dma_wait3A_194 = arith.constant 0 : i32
      %dma_wait3A_195 = tpu.memref_slice %arg6[%add3A_30, %add3A_184, %dma_wait3A_194] : memref<8x16x10000xf32, #tpu.memory_space<hbm>> -> memref<1x1x10000xf32, #tpu.memory_space<hbm>>
      %dma_wait3A_196 = tpu.memref_squeeze %dma_wait3A_195 : memref<1x1x10000xf32, #tpu.memory_space<hbm>> -> memref<10000xf32, #tpu.memory_space<hbm>>
      tpu.wait_dma2 semaphore(%run_scoped3A : memref<!tpu.dma_semaphore, #tpu.memory_space<semaphore_mem>>) src(%arg14 : memref<10000xf32, #tpu.memory_space<vmem>>) dst(%dma_wait3A_196 : memref<10000xf32, #tpu.memory_space<hbm>>)
      tpu.yield
    }) : () -> ()
    return
  }
}

module attributes {stable_mosaic.version = 14 : i64} {
  func.func @_mm1_prep_body(%arg0: memref<10000x128xf32, #tpu.memory_space<vmem>>, %arg1: memref<128x16xf32, #tpu.memory_space<vmem>>, %arg2: memref<32x10000xf32, #tpu.memory_space<vmem>>, %arg3: memref<16x10000xf32, #tpu.memory_space<vmem>>, %arg4: memref<16x10000xf32, #tpu.memory_space<vmem>>, %arg5: memref<1x10000xf32, #tpu.memory_space<vmem>>, %arg6: memref<1x10000xf32, #tpu.memory_space<vmem>>) attributes {dimension_semantics = [], scalar_prefetch = 0 : i64, scratch_operands = 0 : i64, tpu.core_type = #tpu.core_type<tc>} {
    %get3A = arith.constant 0 : index
    %get3A_0 = arith.constant 0 : index
    %get3A_1 = vector.load %arg1[%get3A, %get3A_0] : memref<128x16xf32, #tpu.memory_space<vmem>>, vector<128x16xf32>
    %get3A_2 = arith.constant 0 : index
    %get3A_3 = arith.constant 0 : index
    %get3A_4 = vector.load %arg0[%get3A_2, %get3A_3] : memref<10000x128xf32, #tpu.memory_space<vmem>>, vector<10000x128xf32>
    %dot_general3A = arith.constant dense<0.000000e+00> : vector<16x10000xf32>
    %dot_general3A_5 = tpu.matmul %get3A_1, %get3A_4, %dot_general3A {dimension_numbers = #tpu.dot_dimension_numbers<[0], [1], [1], [0], [0, 1, 1, 0], [], []>, transpose_lhs_hint = false} : vector<128x16xf32>, vector<10000x128xf32>, vector<16x10000xf32> -> vector<16x10000xf32>
    %get3A_6 = arith.constant 0 : index
    %get3A_7 = arith.constant 0 : index
    %get3A_8 = vector.load %arg2[%get3A_6, %get3A_7] : memref<32x10000xf32, #tpu.memory_space<vmem>>, vector<32x10000xf32>
    %reduce_sum3A = arith.constant dense<0.000000e+00> : vector<10000xf32>
    %reduce_sum3A_9 = vector.multi_reduction <add>, %get3A_8, %reduce_sum3A [0] : vector<32x10000xf32> to vector<10000xf32>
    %broadcast_in_dim3A = vector.shape_cast %reduce_sum3A_9 : vector<10000xf32> to vector<1x10000xf32>
    %add3A = arith.constant 1.000000e+00 : f32
    %add3A_10 = vector.broadcast %add3A : f32 to vector<1x10000xf32>
    %add3A_11 = arith.addf %add3A_10, %broadcast_in_dim3A : vector<1x10000xf32>
    %rsqrt3A = math.rsqrt %add3A_11 : vector<1x10000xf32>
    %swap3A = arith.constant 0 : index
    %swap3A_12 = arith.constant 0 : index
    %swap3A_13 = vector.load %arg3[%swap3A, %swap3A_12] : memref<16x10000xf32, #tpu.memory_space<vmem>>, vector<16x10000xf32>
    tpu.vector_store %arg3[%swap3A, %swap3A_12], %dot_general3A_5 {strides = array<i32>} : memref<16x10000xf32, #tpu.memory_space<vmem>>, vector<16x10000xf32>,
    %mul3A = vector.broadcast %rsqrt3A : vector<1x10000xf32> to vector<16x10000xf32>
    %mul3A_14 = arith.mulf %dot_general3A_5, %mul3A : vector<16x10000xf32>
    %swap3A_15 = arith.constant 0 : index
    %swap3A_16 = arith.constant 0 : index
    %swap3A_17 = vector.load %arg4[%swap3A_15, %swap3A_16] : memref<16x10000xf32, #tpu.memory_space<vmem>>, vector<16x10000xf32>
    tpu.vector_store %arg4[%swap3A_15, %swap3A_16], %mul3A_14 {strides = array<i32>} : memref<16x10000xf32, #tpu.memory_space<vmem>>, vector<16x10000xf32>,
    %swap3A_18 = arith.constant 0 : index
    %swap3A_19 = arith.constant 0 : index
    %swap3A_20 = vector.load %arg5[%swap3A_18, %swap3A_19] : memref<1x10000xf32, #tpu.memory_space<vmem>>, vector<1x10000xf32>
    tpu.vector_store %arg5[%swap3A_18, %swap3A_19], %rsqrt3A {strides = array<i32>} : memref<1x10000xf32, #tpu.memory_space<vmem>>, vector<1x10000xf32>,
    %div3A = arith.constant 1.000000e+00 : f32
    %div3A_21 = vector.broadcast %div3A : f32 to vector<1x10000xf32>
    %div3A_22 = arith.divf %div3A_21, %add3A_11 : vector<1x10000xf32>
    %swap3A_23 = arith.constant 0 : index
    %swap3A_24 = arith.constant 0 : index
    %swap3A_25 = vector.load %arg6[%swap3A_23, %swap3A_24] : memref<1x10000xf32, #tpu.memory_space<vmem>>, vector<1x10000xf32>
    tpu.vector_store %arg6[%swap3A_23, %swap3A_24], %div3A_22 {strides = array<i32>} : memref<1x10000xf32, #tpu.memory_space<vmem>>, vector<1x10000xf32>,
    return
  }
}

module attributes {stable_mosaic.version = 14 : i64} {
  func.func @_layer_body(%arg0: memref<8x16x10000xf32, #tpu.memory_space<vmem>>, %arg1: memref<16x10000xf32, #tpu.memory_space<vmem>>, %arg2: memref<1x10000xf32, #tpu.memory_space<vmem>>, %arg3: memref<1x10000xf32, #tpu.memory_space<vmem>>, %arg4: memref<16x1xf32, #tpu.memory_space<vmem>>, %arg5: memref<16x16xf32, #tpu.memory_space<vmem>>, %arg6: memref<16x10000xf32, #tpu.memory_space<vmem>>, %arg7: memref<16x10000xf32, #tpu.memory_space<vmem>>) attributes {dimension_semantics = [], scalar_prefetch = 0 : i64, scratch_operands = 0 : i64, tpu.core_type = #tpu.core_type<tc>} {
    %get3A = arith.constant 0 : index
    %get3A_0 = arith.constant 0 : index
    %get3A_1 = arith.constant 0 : index
    %get3A_2 = vector.load %arg0[%get3A, %get3A_0, %get3A_1] : memref<8x16x10000xf32, #tpu.memory_space<vmem>>, vector<8x16x10000xf32>
    %reduce_sum3A = arith.constant dense<0.000000e+00> : vector<16x10000xf32>
    %reduce_sum3A_3 = vector.multi_reduction <add>, %get3A_2, %reduce_sum3A [0] : vector<8x16x10000xf32> to vector<16x10000xf32>
    %get3A_4 = arith.constant 0 : index
    %get3A_5 = arith.constant 0 : index
    %get3A_6 = vector.load %arg2[%get3A_4, %get3A_5] : memref<1x10000xf32, #tpu.memory_space<vmem>>, vector<1x10000xf32>
    %mul3A = vector.broadcast %get3A_6 : vector<1x10000xf32> to vector<16x10000xf32>
    %mul3A_7 = arith.mulf %reduce_sum3A_3, %mul3A : vector<16x10000xf32>
    %get3A_8 = arith.constant 0 : index
    %get3A_9 = arith.constant 0 : index
    %get3A_10 = vector.load %arg1[%get3A_8, %get3A_9] : memref<16x10000xf32, #tpu.memory_space<vmem>>, vector<16x10000xf32>
    %get3A_11 = arith.constant 0 : index
    %get3A_12 = arith.constant 0 : index
    %get3A_13 = vector.load %arg3[%get3A_11, %get3A_12] : memref<1x10000xf32, #tpu.memory_space<vmem>>, vector<1x10000xf32>
    %mul3A_14 = vector.broadcast %get3A_13 : vector<1x10000xf32> to vector<16x10000xf32>
    %mul3A_15 = arith.mulf %get3A_10, %mul3A_14 : vector<16x10000xf32>
    %add3A = arith.addf %mul3A_7, %mul3A_15 : vector<16x10000xf32>
    %get3A_16 = arith.constant 0 : index
    %get3A_17 = arith.constant 0 : index
    %get3A_18 = vector.load %arg4[%get3A_16, %get3A_17] : memref<16x1xf32, #tpu.memory_space<vmem>>, vector<16x1xf32>
    %add3A_19 = vector.broadcast %get3A_18 : vector<16x1xf32> to vector<16x10000xf32>
    %add3A_20 = arith.addf %add3A, %add3A_19 : vector<16x10000xf32>
    %max3A = arith.constant 0.000000e+00 : f32
    %max3A_21 = vector.broadcast %max3A : f32 to vector<16x10000xf32>
    %max3A_22 = arith.maximumf %add3A_20, %max3A_21 : vector<16x10000xf32>
    %get3A_23 = arith.constant 0 : index
    %get3A_24 = arith.constant 0 : index
    %get3A_25 = vector.load %arg5[%get3A_23, %get3A_24] : memref<16x16xf32, #tpu.memory_space<vmem>>, vector<16x16xf32>
    %dot_general3A = arith.constant dense<0.000000e+00> : vector<16x10000xf32>
    %dot_general3A_26 = tpu.matmul %get3A_25, %max3A_22, %dot_general3A {dimension_numbers = #tpu.dot_dimension_numbers<[0], [0], [1], [1], [0, 1, 1, 1], [], []>, transpose_lhs_hint = false} : vector<16x16xf32>, vector<16x10000xf32>, vector<16x10000xf32> -> vector<16x10000xf32>
    %swap3A = arith.constant 0 : index
    %swap3A_27 = arith.constant 0 : index
    %swap3A_28 = vector.load %arg6[%swap3A, %swap3A_27] : memref<16x10000xf32, #tpu.memory_space<vmem>>, vector<16x10000xf32>
    tpu.vector_store %arg6[%swap3A, %swap3A_27], %dot_general3A_26 {strides = array<i32>} : memref<16x10000xf32, #tpu.memory_space<vmem>>, vector<16x10000xf32>,
    %mul3A_29 = vector.broadcast %get3A_6 : vector<1x10000xf32> to vector<16x10000xf32>
    %mul3A_30 = arith.mulf %dot_general3A_26, %mul3A_29 : vector<16x10000xf32>
    %swap3A_31 = arith.constant 0 : index
    %swap3A_32 = arith.constant 0 : index
    %swap3A_33 = vector.load %arg7[%swap3A_31, %swap3A_32] : memref<16x10000xf32, #tpu.memory_space<vmem>>, vector<16x10000xf32>
    tpu.vector_store %arg7[%swap3A_31, %swap3A_32], %mul3A_30 {strides = array<i32>} : memref<16x10000xf32, #tpu.memory_space<vmem>>, vector<16x10000xf32>,
    return
  }
}

module attributes {stable_mosaic.version = 14 : i64} {
  func.func @_head_body(%arg0: memref<8x16x10000xf32, #tpu.memory_space<vmem>>, %arg1: memref<16x10000xf32, #tpu.memory_space<vmem>>, %arg2: memref<1x10000xf32, #tpu.memory_space<vmem>>, %arg3: memref<1x10000xf32, #tpu.memory_space<vmem>>, %arg4: memref<16x1xf32, #tpu.memory_space<vmem>>, %arg5: memref<16x1xf32, #tpu.memory_space<vmem>>, %arg6: memref<1x1xf32, #tpu.memory_space<vmem>>, %arg7: memref<10000x1xf32, #tpu.memory_space<vmem>>) attributes {dimension_semantics = [], scalar_prefetch = 0 : i64, scratch_operands = 0 : i64, tpu.core_type = #tpu.core_type<tc>} {
    %get3A = arith.constant 0 : index
    %get3A_0 = arith.constant 0 : index
    %get3A_1 = arith.constant 0 : index
    %get3A_2 = vector.load %arg0[%get3A, %get3A_0, %get3A_1] : memref<8x16x10000xf32, #tpu.memory_space<vmem>>, vector<8x16x10000xf32>
    %reduce_sum3A = arith.constant dense<0.000000e+00> : vector<16x10000xf32>
    %reduce_sum3A_3 = vector.multi_reduction <add>, %get3A_2, %reduce_sum3A [0] : vector<8x16x10000xf32> to vector<16x10000xf32>
    %get3A_4 = arith.constant 0 : index
    %get3A_5 = arith.constant 0 : index
    %get3A_6 = vector.load %arg2[%get3A_4, %get3A_5] : memref<1x10000xf32, #tpu.memory_space<vmem>>, vector<1x10000xf32>
    %mul3A = vector.broadcast %get3A_6 : vector<1x10000xf32> to vector<16x10000xf32>
    %mul3A_7 = arith.mulf %reduce_sum3A_3, %mul3A : vector<16x10000xf32>
    %get3A_8 = arith.constant 0 : index
    %get3A_9 = arith.constant 0 : index
    %get3A_10 = vector.load %arg1[%get3A_8, %get3A_9] : memref<16x10000xf32, #tpu.memory_space<vmem>>, vector<16x10000xf32>
    %get3A_11 = arith.constant 0 : index
    %get3A_12 = arith.constant 0 : index
    %get3A_13 = vector.load %arg3[%get3A_11, %get3A_12] : memref<1x10000xf32, #tpu.memory_space<vmem>>, vector<1x10000xf32>
    %mul3A_14 = vector.broadcast %get3A_13 : vector<1x10000xf32> to vector<16x10000xf32>
    %mul3A_15 = arith.mulf %get3A_10, %mul3A_14 : vector<16x10000xf32>
    %add3A = arith.addf %mul3A_7, %mul3A_15 : vector<16x10000xf32>
    %get3A_16 = arith.constant 0 : index
    %get3A_17 = arith.constant 0 : index
    %get3A_18 = vector.load %arg4[%get3A_16, %get3A_17] : memref<16x1xf32, #tpu.memory_space<vmem>>, vector<16x1xf32>
    %add3A_19 = vector.broadcast %get3A_18 : vector<16x1xf32> to vector<16x10000xf32>
    %add3A_20 = arith.addf %add3A, %add3A_19 : vector<16x10000xf32>
    %max3A = arith.constant 0.000000e+00 : f32
    %max3A_21 = vector.broadcast %max3A : f32 to vector<16x10000xf32>
    %max3A_22 = arith.maximumf %add3A_20, %max3A_21 : vector<16x10000xf32>
    %get3A_23 = arith.constant 0 : index
    %get3A_24 = arith.constant 0 : index
    %get3A_25 = vector.load %arg5[%get3A_23, %get3A_24] : memref<16x1xf32, #tpu.memory_space<vmem>>, vector<16x1xf32>
    %dot_general3A = arith.constant dense<0.000000e+00> : vector<10000x1xf32>
    %dot_general3A_26 = tpu.matmul %max3A_22, %get3A_25, %dot_general3A {dimension_numbers = #tpu.dot_dimension_numbers<[0], [0], [1], [1], [0, 1, 1, 1], [], []>, transpose_lhs_hint = false} : vector<16x10000xf32>, vector<16x1xf32>, vector<10000x1xf32> -> vector<10000x1xf32>
    %get3A_27 = arith.constant 0 : index
    %get3A_28 = arith.constant 0 : index
    %get3A_29 = vector.load %arg6[%get3A_27, %get3A_28] : memref<1x1xf32, #tpu.memory_space<vmem>>, vector<1x1xf32>
    %add3A_30 = vector.broadcast %get3A_29 : vector<1x1xf32> to vector<10000x1xf32>
    %add3A_31 = arith.addf %dot_general3A_26, %add3A_30 : vector<10000x1xf32>
    %swap3A = arith.constant 0 : index
    %swap3A_32 = arith.constant 0 : index
    %swap3A_33 = vector.load %arg7[%swap3A, %swap3A_32] : memref<10000x1xf32, #tpu.memory_space<vmem>>, vector<10000x1xf32>
    tpu.vector_store %arg7[%swap3A, %swap3A_32], %add3A_31 {strides = array<i32>} : memref<10000x1xf32, #tpu.memory_space<vmem>>, vector<10000x1xf32>,
    return
  }
}

</mosaic_0001>

<sc_bundles>
// kernel: kernel.11.cloned.1.call-start
scs
__scs_entry_jumppad:
0x0: {  	(pc) =	sbr.rel $0x88, $3  }
0x1: {  	(tag) =	ssettag $0x0;
	lr =	simm.s32 $0x1  }
0x2: {  	[smem:$0x3F98] =	sst lr;
	_ =	strace $0xD0000000  }
0x3: {  	_ = 	snop  }
0x4: {  	_ = 	snop  }
0x5: {  	_ = 	snop  }
0x6: {  	_ = 	snop  }
0x7: {  	_ = 	snop  }
__scs_overlays_trampoline_lowered:
0x8: {  	[smem:$0x3FA7] =	sst s0  }
0x9: {  	[smem:$0x3FA8] =	sst s1  }
0xa: {  	[smem:$0x3FA9] =	sst s2  }
0xb: {  	[smem:$0x3FAA] =	sst s3  }
0xc: {  	[smem:$0x3FAB] =	sst s4  }
0xd: {  	[smem:$0x3FAC] =	sst s5  }
0xe: {  	[smem:$0x3FAD] =	sst s6  }
0xf: {  	[smem:$0x3FAE] =	sst s7  }
0x10: {  	[smem:$0x3FAF] =	sst s8  }
0x11: {  	[smem:$0x3FB0] =	sst s9;
	s0 =	simm.s32 @!p0 $0x0  }
0x12: {  	s1 =	sld [smem:$0x3F96];
	s0 =	simm.s32 @p0 $0x1  }
0x13: {  	[smem:$0x3FB1] =	sst s0;
	s0 =	simm.s32 @!p1 $0x0  }
0x14: {  	s2 =	sld [smem:$0x3F95];
	s0 =	simm.s32 @p1 $0x1  }
0x15: {  	[smem:$0x3FB2] =	sst s0;
	s0 =	simm.s32 @!p2 $0x0  }
0x16: {  	s3 =	sld [smem:$0x3FDB];
	s0 =	simm.s32 @p2 $0x1  }
0x17: {  	s4 =	simm.s32 $0x1BF5;
	[smem:$0x3FB4] =	sst s0  }
0x18: {  	s0 =	sld [smem:$0x3F97];
	_ =	swait.ge [sflag:s4], $0x0  }
0x19: {  	s7 =	sld [smem:$0x3F98]  }
0x1a: {  	s8 =	sadd.s32 $0xFFFFE003, lr  }
0x1b: {  	s9 =	sadd.s32 $0xFFFFFEF7, lr;
	s5 =	simm.s32 $0xFFFFFFFF;
	p2 =	slt.u32 s8, $0xFFFFF086  }
0x1c: {  	p1 =	slt.u32 s9, $0xF7A;
	s5 =	simm.s32 @!p2 $0x0  }
0x1d: {  	s5 =	simm.s32 @p1 $0x1;
	p0 =	seq.s32 s7, s2  }
0x1e: {  	s7 =	smul.u32 @!p0 $0xF7A, s2;
	p2 =	seq.s32 @!p0 s5, $0x0  }
0x1f: {  	s9 =	smul.u32 $0xF7A, s1;
	s8 =	simm.s32 @!p0 $0x1BF5;
	p2 =	por !p2, p0  }
0x20: {  	[sflag:s8] =	ssyncset.s32 @!p0 $0xFFFFF086;
	s6 =	sadd.s32 @!p0 s3, s7;
	s7 =	simm.s32 @!p0 $0x108  }
0x21: {  	s3 =	sadd.s32 s3, s9;
	s6 =	sadd.s32 @!p0 $0x88, s6;
	s7 =	simm.s32 @p2 $0x1082  }
0x22: {  	[simem:s7], [sflag:s8] =	dma.local @!p0 [hbm:s6], $0xF7A  }
0x23: {  	s9 =	sor.u32 $0xD0000000, s2;
	s6 =	simm.s32 $0x108;
	_ =	swait.ge @!p0 [sflag:s8], $0x0  }
0x24: {  	s3 =	sadd.s32 $0x88, s3;
	s6 =	simm.s32 @!p1 $0x1082;
	[sflag:s4] =	ssyncset.s32 $0xFFFFF086  }
0x25: {  	[simem:s6], [sflag:s4] =	dma.local [hbm:s3], $0xF7A  }
0x26: {  	[smem:$0x3F98] =	sst s1;
	(tag) =	ssettag s2;
	_ =	strace s9  }
0x27: {  	s1 =	sld [smem:$0x3FA8]  }
0x28: {  	s2 =	sld [smem:$0x3FA9]  }
0x29: {  	s4 =	sld [smem:$0x3FAB]  }
0x2a: {  	p0 =	seq.s32 s5, $0x0;
	s5 =	sld [smem:$0x3FAC]  }
0x2b: {  	s6 =	sld [smem:$0x3FAD]  }
0x2c: {  	s7 =	sld [smem:$0x3FAE]  }
0x2d: {  	s3 =	simm.s32 $0x108;
	s8 =	sld [smem:$0x3FAF]  }
0x2e: {  	s3 =	simm.s32 @!p0 $0x1082;
	s9 =	sld [smem:$0x3FB0]  }
0x2f: {  	lr =	sadd.s32 s0, s3;
	s0 =	sld [smem:$0x3FA7]  }
0x30: {  	s3 =	sld [smem:$0x3FAA]  }
0x31: {  	[smem:$0x3FB3] =	sst s10  }
0x32: {  	s10 =	sld [smem:$0x3FB1];
	_ =	sdelay $0x3  }
0x33: {  	p0 =	seq.s32 s10, $0x1;
	s10 =	sld [smem:$0x3FB3];
	_ =	sdelay $0x3  }
0x34: {  	[smem:$0x3FB3] =	sst s10  }
0x35: {  	s10 =	sld [smem:$0x3FB2];
	_ =	sdelay $0x3  }
0x36: {  	p1 =	seq.s32 s10, $0x1;
	s10 =	sld [smem:$0x3FB3];
	_ =	sdelay $0x3  }
0x37: {  	[smem:$0x3FB3] =	sst s10  }
0x38: {  	s10 =	sld [smem:$0x3FB4]  }
0x39: {  	_ = 	snop;
	(pc) =	sbr.ind lr, $3  }
0x3a: {  	_ = 	snop  }
0x3b: {  	_ = 	snop  }
0x3c: {  	p2 =	seq.s32 s10, $0x1;
	s10 =	sld [smem:$0x3FB3]  }
0x3d: {  	_ =	shalt  }
0x3e: {  	_ =	shalt  }
0x3f: {  	_ =	shalt  }
0x40: {  	_ =	shalt  }
0x41: {  	_ =	shalt  }
0x42: {  	_ =	shalt  }
0x43: {  	_ =	shalt  }
0x44: {  	_ =	shalt  }
0x45: {  	_ =	shalt  }
0x46: {  	_ =	shalt  }
0x47: {  	_ =	shalt  }
0x48: {  	_ =	shalt  }
0x49: {  	_ =	shalt  }
0x4a: {  	_ =	shalt  }
0x4b: {  	_ =	shalt  }
0x4c: {  	_ =	shalt  }
0x4d: {  	_ =	shalt  }
0x4e: {  	_ =	shalt  }
0x4f: {  	_ =	shalt  }
0x50: {  	_ =	shalt  }
0x51: {  	_ =	shalt  }
0x52: {  	_ =	shalt  }
0x53: {  	_ =	shalt  }
0x54: {  	_ =	shalt  }
0x55: {  	_ =	shalt  }
0x56: {  	_ =	shalt  }
0x57: {  	_ =	shalt  }
0x58: {  	_ =	shalt  }
0x59: {  	_ =	shalt  }
0x5a: {  	_ =	shalt  }
0x5b: {  	_ =	shalt  }
0x5c: {  	_ =	shalt  }
0x5d: {  	_ =	shalt  }
0x5e: {  	_ =	shalt  }
0x5f: {  	_ =	shalt  }
0x60: {  	_ =	shalt  }
0x61: {  	_ =	shalt  }
0x62: {  	_ =	shalt  }
0x63: {  	_ =	shalt  }
0x64: {  	_ =	shalt  }
0x65: {  	_ =	shalt  }
0x66: {  	_ =	shalt  }
0x67: {  	_ =	shalt  }
0x68: {  	_ =	shalt  }
0x69: {  	_ =	shalt  }
0x6a: {  	_ =	shalt  }
0x6b: {  	_ =	shalt  }
0x6c: {  	_ =	shalt  }
0x6d: {  	_ =	shalt  }
0x6e: {  	_ =	shalt  }
0x6f: {  	_ =	shalt  }
0x70: {  	_ =	shalt  }
0x71: {  	_ =	shalt  }
0x72: {  	_ =	shalt  }
0x73: {  	_ =	shalt  }
0x74: {  	_ =	shalt  }
0x75: {  	_ =	shalt  }
0x76: {  	_ =	shalt  }
0x77: {  	_ =	shalt  }
0x78: {  	_ =	shalt  }
0x79: {  	_ =	shalt  }
0x7a: {  	_ =	shalt  }
0x7b: {  	_ =	shalt  }
0x7c: {  	_ =	shalt  }
0x7d: {  	_ =	shalt  }
0x7e: {  	_ =	shalt  }
0x7f: {  	_ =	shalt  }
0x80: {  	_ =	shalt  }
0x81: {  	_ =	shalt  }
0x82: {  	_ =	shalt  }
0x83: {  	_ =	shalt  }
0x84: {  	_ =	shalt  }
0x85: {  	_ =	shalt  }
0x86: {  	_ =	shalt  }
0x87: {  	_ =	shalt  }
.Lfunc_end0:
.L_simem_size_0:
called_computation.1_lowered:
.L_overlay_start_0:
0x88: {  	s2 =	sld [smem:$0x3FD9]  }
0x89: {  	s3 =	sld [smem:$0x3FFE];
	_ =	sdelay $0x1  }
0x8a: {  	s1 =	srdreg.scid  }
0x8b: {  	s0 =	sand.u32 $0x1, s1  }
0x8c: {  	s17 =	sshll.u32 s0, $0xA;
	s2 =	sadd.s32 s3, s2  }
0x8d: {  	s2 =	sadd.s32 s2, s17  }
0x8e: {  	[smem:$0x3FBF] =	sst s2  }
0x8f: {  	_ = 	snop  }
0x90: {  	s2 =	sld [smem:$0x3FC7];
	(tm) =	ssettm $0x1  }
0x91: {  	s18 =	sld [smem:$0x3FFB];
	_ =	sdelay $0x3  }
0x92: {  	_ =	strace s18  }
0x93: {  	s3 =	sld [smem:$0x3FFC];
	_ =	sdelay $0x3  }
0x94: {  	_ =	strace s3  }
0x95: {  	s3 =	sld [smem:$0x3FFD];
	_ =	sdelay $0x3  }
0x96: {  	_ =	strace s3  }
0x97: {  	_ =	strace $0x8FFFFFFF  }
0x98: {  	s19 =	sld [smem:$0x3FDB];
	_ =	sdelay $0x1  }
0x99: {  	s4 =	simm.s32 $_scs_section_size  }
0x9a: {  	s5 =	simm.s32 $_size__tile_overlayer_lowered;
	s6 =	simm.s32 $_tile_overlayer_lowered  }
0x9b: {  	s22 =	simm.s32 $0x1BFF;
	s21 =	sshll.u32 s6, $0x1;
	s3 =	sadd.s32 s4, s19  }
0x9c: {  	s7 =	simm.s32 $0x0;
	s20 =	sshll.u32 s5, $0x1;
	s5 =	sadd.s32 s21, s3  }
0x9d: {  	[timem:s7], [sflag:s22] =	dma.local [hbm:s5], s20  }
0x9e: {  	_ =	swait.ge [sflag:s22], s20  }
0x9f: {  	s4 =	ssub.s32 $0x0, s20;
	[sflag:s22] =	ssyncset.done $0x0  }
0xa0: {  	[sflag:s22] =	ssyncadd.s32 s4;
	_ =	sdelay $0x1  }
0xa1: {  	s23 =	simm.s32 $0x1B8B  }
0xa2: {  	_ =	swait.ge [sflag:s23], $0x1  }
0xa3: {  	[sflag:s23] =	ssyncset.done $0x0  }
0xa4: {  	s25 =	simm.s32 $0x1B8E;
	s24 =	sld [smem:$0x3FFE];
	[sflag:s23] =	ssyncadd.s32 $0xFFFFFFFF  }
0xa5: {  	s26 =	simm.s32 $execute0_lowered;
	[smem:$0x3FD2] =	sst s25  }
0xa6: {  	s5 =	sshll.u32 s26, $0x1;
	_ =	strace $0x80000049;
	[dreg:$0x1] =	wrdreg $0xFFFFFFFF  }
0xa7: {  	s28 =	simm.s32 $_size_execute0_lowered;
	s3 =	sadd.s32 s3, s5;
	[dreg:$0x0] =	wrdreg $0x0  }
0xa8: {  	s5 =	sshll.u32 s28, $0x1;
	[dreg:$0x2] =	wrdreg s3  }
0xa9: {  	[dreg:$0x3] =	wrdreg s5  }
0xaa: {  	[dreg:$0x4] =	wrdreg $0xC0  }
0xab: {  	_ =	task [dreg:s7], $0x5FFFF  }
0xac: {  	[dreg:$0x1] =	wrdreg $0xFFFFFFFF  }
0xad: {  	[dreg:$0x0] =	wrdreg $0x60  }
0xae: {  	[dreg:$0x2] =	wrdreg s24  }
0xaf: {  	[dreg:$0x3] =	wrdreg s2  }
0xb0: {  	[dreg:$0x4] =	wrdreg $0x9  }
0xb1: {  	_ =	task.clear_ibuf [dreg:s7], $0x5FFFF;
	_ =	strace $0x90000049  }
0xb2: {  	s29 =	simm.s32 $0x9;
	_ =	strace $0x8000004B  }
0xb3: {  	_ =	swait.ge [sflag:s29], $0x1  }
0xb4: {  	[sflag:s29] =	ssyncadd.s32 $0xFFFFFFFF  }
0xb5: {  	_ =	strace $0x9000004B  }
0xb6: {  	_ =	sfence  }
0xb7: {  	s30 =	sld [smem:$0x0];
	_ =	sdelay $0x2  }
0xb8: {  	s31 =	sshll.u32 s1, $0xD;
	s1 =	sshrl.u32 s1, $0x2  }
0xb9: {  	s3 =	sand.u32 $0x4000, s31;
	s1 =	sadd.s32 s1, s30  }
0xba: {  	s0 =	sor.u32 s3, s0;
	s1 =	sshll.u32 s1, $0x11  }
0xbb: {  	s0 =	sor.u32 s1, s0  }
0xbc: {  	s0 =	sadd.s32 $0x8F2B, s0  }
0xbd: {  	[sflag:s0] =	ssyncadd.remote.s32 $0x1  }
0xbe: {  	_ =	sfence.sel $0xFFFF  }
0xbf: {  	[dreg:$0x0] =	wrdreg $0xFFFFFFFF;
	(pc) =	sbr.abs _section_cstart, $3  }
0xc0: {  	[dreg:$0x1] =	wrdreg $0xFFFFFFFF  }
0xc1: {  	_ =	task.clear_ibuf [dreg:s7], $0x2FFFF;
	_ =	strace $0x9FFFFFFF  }
0xc2: {  	(tm) =	ssettm $0x7FFFFFFF  }
0xc3: {  	_ =	shalt  }
tec
execute0_lowered:
.L_overlay_start_1:
0x0: {  	(tag) =	ssettag $0x1  }
0x1: {  	s0 =	rddreg [dreg:$0x0];
	s10 =	stileid.u32  }
0x2: {  	s1 =	rddreg [dreg:$0x1];
	s2 =	srdreg.scid;
	s28 =	simm.s32 $0x13C00  }
0x3: {  	s29 =	simm.s32 $0x17B00;
	s30 =	simm.s32 $0x1BA00;
	s31 =	simm.s32 $0x80  }
0x4: {  	s3 =	sshrl.u32 s10, $0x1;
	s4 =	sadd.s32 $0x16000, s0;
	s2 =	sand.u32 $0x1, s2  }
0x5: {  	s5 =	sadd.s32 $0x2400, s0;
	s6 =	sadd.s32 $0xC200, s0;
	s8 =	sshll.u32 s10, $0x1E  }
0x6: {  	s10 =	sshll.u32 s10, $0x9;
	s0 =	sadd.s32 $0x1B000, s0;
	s3 =	sand.u32 $0x6, s3  }
0x7: {  	s8 =	sshra.s32 s8, $0x1F;
	s10 =	sand.u32 $0x200, s10;
	s3 =	sor.u32 s2, s3  }
0x8: {  	s2 =	ssub.s32 $0x2, s2;
	s8 =	sand.u32 $0x13C00, s8;
	s13 =	sor.u32 $0x180, s10  }
0x9: {  	s7 =	smul.u32 $0x9C40, s3;
	s9 =	sshrl.u32 s2, $0x1;
	s23 =	sor.u32 s10, s8  }
0xa: {  	s14 =	sor.u32 s13, s8;
	s3 =	smul.u32 $0x27800, s3;
	s2 =	ssub.s32 s2, s9  }
0xb: {  	s9 =	sshrl.u32 s23, $0x3;
	s14 =	sshrl.u32 s14, $0x3;
	s7 =	sshrl.u32 s7, $0x3  }
0xc: {  	s9 =	sadd.s32 s4, s9;
	s3 =	sadd.s32 s8, s3;
	s22 =	sadd.s32 s5, s7  }
0xd: {  	s11 =	sadd.s32 s6, s7;
	s12 =	sadd.s32 s1, s7;
	[dreg:$0x6] =	wrdreg s9  }
0xe: {  	s15 =	sadd.s32 $0x3E8, s7;
	s18 =	sadd.s32 $0xBB8, s7;
	[dreg:$0x3] =	wrdreg s22  }
0xf: {  	s23 =	sor.u32 s10, s3;
	[dreg:$0x4] =	wrdreg s11;
	s11 =	sor.u32 $0x80, s10  }
0x10: {  	[dreg:$0x5] =	wrdreg s12;
	s12 =	sor.u32 $0x100, s10;
	s26 =	sadd.s32 s5, s15  }
0x11: {  	s19 =	sadd.s32 s5, s18;
	s20 =	sadd.s32 s6, s18;
	[dreg:$0xa] =	wrdreg s26  }
0x12: {  	s10 =	simm.s32 $0xED00;
	s24 =	sor.u32 s11, s8;
	[dreg:$0x10] =	wrdreg s19  }
0x13: {  	s25 =	sor.u32 s12, s8;
	[dreg:$0x11] =	wrdreg s20;
	s9 =	sshrl.u32 s24, $0x3  }
0x14: {  	s20 =	simm.s32 $0x400;
	s8 =	simm.s32 $0x9E00;
	s9 =	sadd.s32 s4, s9  }
0x15: {  	s24 =	sor.u32 s11, s3;
	s11 =	simm.s32 $0x11480;
	[dreg:$0x7] =	wrdreg s9  }
0x16: {  	s9 =	sshrl.u32 s25, $0x3;
	s25 =	sor.u32 s12, s3;
	s3 =	sor.u32 s13, s3  }
0x17: {  	s12 =	simm.s32 $0x2;
	s13 =	simm.s32 $0x4;
	s9 =	sadd.s32 s4, s9  }
0x18: {  	s4 =	sadd.s32 s4, s14;
	s14 =	sadd.s32 $0x7D0, s7;
	[dreg:$0x8] =	wrdreg s9  }
0x19: {  	s7 =	sadd.s32 $0xFA0, s7;
	[dreg:$0x9] =	wrdreg s4;
	s9 =	sadd.s32 s6, s15  }
0x1a: {  	s26 =	sshrl.u32 s25, $0x3;
	s15 =	sadd.s32 s1, s15;
	[dreg:$0xb] =	wrdreg s9  }
0x1b: {  	s3 =	sshrl.u32 s3, $0x3;
	s16 =	sadd.s32 s5, s14;
	[dreg:$0xc] =	wrdreg s15  }
0x1c: {  	s17 =	sadd.s32 s6, s14;
	s4 =	sadd.s32 s1, s14;
	[dreg:$0xd] =	wrdreg s16  }
0x1d: {  	s21 =	sadd.s32 s5, s7;
	s22 =	sadd.s32 s6, s7;
	[dreg:$0xe] =	wrdreg s17  }
0x1e: {  	s25 =	sadd.s32 s0, s3;
	s3 =	simm.s32 $0x3;
	[dreg:$0xf] =	wrdreg s4  }
0x1f: {  	s5 =	simm.s32 $0x19A80;
	s6 =	simm.s32 $0x1D980;
	[dreg:$0x13] =	wrdreg s21  }
0x20: {  	s14 =	simm.s32 $0x0;
	s4 =	sadd.s32 s1, s18;
	[dreg:$0x14] =	wrdreg s22  }
0x21: {  	s1 =	sadd.s32 s1, s7;
	s21 =	simm.s32 $0x0;
	[dreg:$0x12] =	wrdreg s4  }
0x22: {  	s7 =	simm.s32 $0x1;
	s9 =	simm.s32 $0xC580;
	[dreg:$0x15] =	wrdreg s1  }
0x23: {  	s1 =	sshrl.u32 s23, $0x3;
	s4 =	sshrl.u32 s24, $0x3;
	[smem:$0x7FF] =	sst s21  }
0x24: {  	s24 =	sadd.s32 s0, s26;
	s26 =	smax.u32 s2, $0x1;
	s1 =	sadd.s32 s0, s1  }
0x25: {  	s2 =	simm.s32 $0x7680;
	s23 =	sadd.s32 s0, s4;
	[dreg:$0x16] =	wrdreg s1  }
0x26: {  	v0 =	vimm.f32 $0.0e+00;
	s0 =	simm.s32 $0x2780;
	s1 =	simm.s32 $0x4F00;
	_ =	strace $0x8000004A  }
.LBB2_1:
0x27: {  	s4 =	rddreg [dreg:$0x3]  }
0x28: {  	[tilespmem:s28], [sflag:$0x1] =	stream.linear.gather [hbm4b:s4+s21], $0x1F40, $0x38;
	[tilespmem:$0x1F900] =	vst v63  }
0x29: {  	s15 =	rddreg [dreg:$0x4]  }
0x2a: {  	[tilespmem:s29], [sflag:$0x1] =	stream.linear.gather [hbm4b:s15+s21], $0x1F40, $0x38;
	[tilespmem:$0x1F900] =	vst v63  }
0x2b: {  	s16 =	rddreg [dreg:$0x5]  }
0x2c: {  	[tilespmem:s30], [sflag:$0x1] =	stream.linear.gather [hbm4b:s16+s21], $0x1F40, $0x38;
	[tilespmem:$0x1F900] =	vst v63  }
0x2d: {  	s17 =	rddreg [dreg:$0x6]  }
0x2e: {  	[tilespmem:s21], [sflag:$0x3] =	stream.strided.gather [hbm4b:s17+s31], $0x2780, s20, s31, $0x38;
	[tilespmem:$0x1F900] =	vst v63  }
0x2f: {  	s18 =	rddreg [dreg:$0x7]  }
0x30: {  	[tilespmem:s0], [sflag:$0x3] =	stream.strided.gather [hbm4b:s18+s31], $0x2780, s20, s31, $0x38;
	[tilespmem:$0x1F900] =	vst v63  }
0x31: {  	s19 =	rddreg [dreg:$0x8]  }
0x32: {  	[tilespmem:s1], [sflag:$0x3] =	stream.strided.gather [hbm4b:s19+s31], $0x2780, s20, s31, $0x38;
	[tilespmem:$0x1F900] =	vst v63  }
0x33: {  	s22 =	rddreg [dreg:$0x9];
	s17 =	simm.s32 $0x9E40  }
0x34: {  	[tilespmem:s2], [sflag:$0x3] =	stream.strided.gather [hbm4b:s22+s31], $0x2780, s20, s31, $0x38;
	[tilespmem:$0x1F900] =	vst v63  }
0x35: {  	[tilespmem:s17+$0x30] =	vst v0  }
0x36: {  	[tilespmem:s17+$0xFFFFFFE0] =	vst v0  }
0x37: {  	[tilespmem:s17+$0xFFFFFFF0] =	vst v0  }
0x38: {  	[tilespmem:s17+$0x0] =	vst v0  }
0x39: {  	[tilespmem:s17+$0xFFFFFFC0] =	vst v0  }
0x3a: {  	[tilespmem:s17+$0x10] =	vst v0  }
0x3b: {  	[tilespmem:s17+$0x20] =	vst v0  }
0x3c: {  	s16 =	simm.s32 $0xC5C0;
	[tilespmem:s17+$0xFFFFFFD0] =	vst v0  }
0x3d: {  	[tilespmem:s16+$0x30] =	vst v0  }
0x3e: {  	[tilespmem:s16+$0xFFFFFFC0] =	vst v0  }
0x3f: {  	[tilespmem:s16+$0x10] =	vst v0  }
0x40: {  	[tilespmem:s16+$0xFFFFFFD0] =	vst v0  }
0x41: {  	[tilespmem:s16+$0x20] =	vst v0  }
0x42: {  	[tilespmem:s16+$0x0] =	vst v0  }
0x43: {  	s15 =	simm.s32 $0xED40;
	[tilespmem:s16+$0xFFFFFFF0] =	vst v0  }
0x44: {  	[tilespmem:s15+$0x30] =	vst v0  }
0x45: {  	[tilespmem:s15+$0xFFFFFFC0] =	vst v0  }
0x46: {  	[tilespmem:s15+$0x10] =	vst v0  }
0x47: {  	[tilespmem:s15+$0xFFFFFFD0] =	vst v0  }
0x48: {  	[tilespmem:s15+$0x20] =	vst v0  }
0x49: {  	[tilespmem:s15+$0x0] =	vst v0  }
0x4a: {  	s18 =	simm.s32 $0x114C0;
	[tilespmem:s15+$0xFFFFFFF0] =	vst v0  }
0x4b: {  	[tilespmem:s18+$0x30] =	vst v0  }
0x4c: {  	[tilespmem:s18+$0xFFFFFFC0] =	vst v0  }
0x4d: {  	[tilespmem:s18+$0x10] =	vst v0  }
0x4e: {  	[tilespmem:s18+$0xFFFFFFD0] =	vst v0  }
0x4f: {  	s4 =	simm.s32 $0x11540;
	s19 =	simm.s32 $0x0;
	s22 =	simm.s32 $0xEDC0;
	[tilespmem:s18+$0x20] =	vst v0  }
.LBB2_2:
0x50: {  	s19 =	sadd.s32 $0x8, s19;
	[tilespmem:s16+$0xFFFFFFE0] =	vst v0;
	s17 =	sadd.s32 $0x80, s17;
	s16 =	sadd.s32 $0x80, s16  }
0x51: {  	[tilespmem:s17+$0x30] =	vst v0;
	p0 =	slt.u32 s19, $0x268  }
0x52: {  	[tilespmem:s16+$0x30] =	vst v0  }
0x53: {  	[tilespmem:s22+$0x30] =	vst v0  }
0x54: {  	[tilespmem:s18+$0xFFFFFFF0] =	vst v0  }
0x55: {  	[tilespmem:s18+$0x0] =	vst v0  }
0x56: {  	[tilespmem:s15+$0xFFFFFFE0] =	vst v0;
	s15 =	smov.u32 s22  }
0x57: {  	[tilespmem:s18+$0xFFFFFFE0] =	vst v0;
	s18 =	smov.u32 s4  }
0x58: {  	[tilespmem:s4+$0x30] =	vst v0  }
0x59: {  	[tilespmem:s17+$0xFFFFFFE0] =	vst v0  }
0x5a: {  	[tilespmem:s17+$0xFFFFFFF0] =	vst v0  }
0x5b: {  	[tilespmem:s17+$0x0] =	vst v0  }
0x5c: {  	[tilespmem:s17+$0xFFFFFFC0] =	vst v0  }
0x5d: {  	[tilespmem:s16+$0xFFFFFFC0] =	vst v0  }
0x5e: {  	[tilespmem:s22+$0xFFFFFFC0] =	vst v0  }
0x5f: {  	[tilespmem:s4+$0xFFFFFFC0] =	vst v0  }
0x60: {  	[tilespmem:s17+$0x10] =	vst v0  }
0x61: {  	[tilespmem:s16+$0x10] =	vst v0  }
0x62: {  	[tilespmem:s22+$0x10] =	vst v0  }
0x63: {  	[tilespmem:s4+$0x10] =	vst v0  }
0x64: {  	[tilespmem:s17+$0x20] =	vst v0  }
0x65: {  	[tilespmem:s17+$0xFFFFFFD0] =	vst v0  }
0x66: {  	[tilespmem:s16+$0xFFFFFFD0] =	vst v0  }
0x67: {  	[tilespmem:s22+$0xFFFFFFD0] =	vst v0  }
0x68: {  	[tilespmem:s4+$0xFFFFFFD0] =	vst v0  }
0x69: {  	[tilespmem:s16+$0x20] =	vst v0  }
0x6a: {  	[tilespmem:s22+$0x20] =	vst v0  }
.Ltmp0:
0x6b: {  	[tilespmem:s4+$0x20] =	vst v0;
	(pc) =	sbr.rel @p0 .LBB2_2-.Ltmp0, $4  }
0x6c: {  	[tilespmem:s16+$0x0] =	vst v0  }
0x6d: {  	[tilespmem:s22+$0x0] =	vst v0  }
0x6e: {  	[tilespmem:s16+$0xFFFFFFF0] =	vst v0  }
0x6f: {  	s4 =	sadd.s32 $0x80, s4;
	s22 =	sadd.s32 $0x80, s22;
	[tilespmem:s15+$0xFFFFFFF0] =	vst v0  }
0x70: {  	[tilespmem:s16+$0xFFFFFFE0] =	vst v0  }
0x71: {  	[tilespmem:s18+$0xFFFFFFF0] =	vst v0  }
0x72: {  	[tilespmem:s18+$0x0] =	vst v0  }
0x73: {  	[tilespmem:s15+$0xFFFFFFE0] =	vst v0  }
0x74: {  	[tilespmem:s18+$0xFFFFFFE0] =	vst v0  }
0x75: {  	[tilespmem:$0xC500] =	vst v0  }
0x76: {  	[tilespmem:$0xEC80] =	vst v0  }
0x77: {  	[tilespmem:$0x11400] =	vst v0  }
0x78: {  	[tilespmem:$0x13B80] =	vst v0  }
0x79: {  	_ =	swait.ge [sflag:s3], $0x2780  }
0x7a: {  	[sflag:s3] =	ssyncset.done $0x0  }
0x7b: {  	[sflag:s3] =	ssyncadd.s32 $0xFFFFD880  }
0x7c: {  	_ =	swait.ge [sflag:s3], $0x2780  }
0x7d: {  	[sflag:s3] =	ssyncset.done $0x0  }
0x7e: {  	[sflag:s3] =	ssyncadd.s32 $0xFFFFD880  }
0x7f: {  	_ =	swait.ge [sflag:s3], $0x2780  }
0x80: {  	[sflag:s3] =	ssyncset.done $0x0  }
0x81: {  	[sflag:s3] =	ssyncadd.s32 $0xFFFFD880  }
0x82: {  	_ =	swait.ge [sflag:s3], $0x2780  }
0x83: {  	[sflag:s3] =	ssyncset.done $0x0  }
0x84: {  	s18 =	simm.s32 $0x15B80;
	s4 =	rddreg [dreg:$0xa];
	[sflag:s3] =	ssyncadd.s32 $0xFFFFD880  }
0x85: {  	[tilespmem:s18], [sflag:$0x2] =	stream.linear.gather [hbm4b:s4+s21], $0x1F40, $0x38;
	[tilespmem:$0x1F900] =	vst v63  }
0x86: {  	s15 =	rddreg [dreg:$0xb]  }
0x87: {  	[tilespmem:s5], [sflag:$0x2] =	stream.linear.gather [hbm4b:s15+s21], $0x1F40, $0x38;
	[tilespmem:$0x1F900] =	vst v63  }
0x88: {  	s16 =	rddreg [dreg:$0xc]  }
0x89: {  	[tilespmem:s6], [sflag:$0x2] =	stream.linear.gather [hbm4b:s16+s21], $0x1F40, $0x38;
	[tilespmem:$0x1F900] =	vst v63  }
0x8a: {  	_ =	swait.ge [sflag:s7], $0x1F40  }
0x8b: {  	[sflag:s7] =	ssyncset.done $0x0  }
0x8c: {  	[sflag:s7] =	ssyncadd.s32 $0xFFFFE0C0  }
0x8d: {  	_ =	swait.ge [sflag:s7], $0x1F40  }
0x8e: {  	[sflag:s7] =	ssyncset.done $0x0  }
0x8f: {  	[sflag:s7] =	ssyncadd.s32 $0xFFFFE0C0  }
0x90: {  	_ =	swait.ge [sflag:s7], $0x1F40  }
0x91: {  	[sflag:s7] =	ssyncset.done $0x0  }
0x92: {  	s17 =	simm.s32 $0x13C10;
	[sflag:s7] =	ssyncadd.s32 $0xFFFFE0C0  }
0x93: {  	v4 =	vld [tilespmem:s17+$0x0];
	_ =	sdelay $0x4  }
0x94: {  	s19 =	simm.s32 $0x17B10  }
0x95: {  	s22 =	simm.s32 $0x1BA10;
	v6 =	vld [tilespmem:s19+$0x0]  }
0x96: {  	v7 =	vld [tilespmem:s22+$0x0]  }
0x97: {  	v1 =	vld.idx.msk [tilespmem:v4+s21+$0x0], $0xffff;
	_ =	sdelay $0x1  }
0x98: {  	v9 =	vld [tilespmem:s17+$0xFFFFFFF0]  }
0x99: {  	s16 =	simm.s32 $0x13C30  }
0x9a: {  	v10 =	vld [tilespmem:s16+$0x0]  }
0x9b: {  	v1 =	vmul.f32 v1, v7  }
0x9c: {  	v2 =	vld [tilespmem:s22+$0xFFFFFFF0]  }
0x9d: {  	[tilespmem:v6+s8+$0x0] =	vst.idx.add.f32.msk $0xffff, v1  }
0x9e: {  	s17 =	simm.s32 $0x17B30;
	v3 =	vld.idx.msk [tilespmem:v4+s0+$0x0], $0xffff  }
0x9f: {  	v18 =	vld [tilespmem:s17+$0x0]  }
0xa0: {  	v5 =	vld.idx.msk [tilespmem:v9+s21+$0x0], $0xffff  }
0xa1: {  	v1 =	vld [tilespmem:s19+$0xFFFFFFF0]  }
0xa2: {  	v11 =	vld.idx.msk [tilespmem:v10+s21+$0x0], $0xffff;
	s19 =	simm.s32 $0x1BA30  }
0xa3: {  	v13 =	vld [tilespmem:s19+$0x0];
	v8 =	vmul.f32 v3, v7;
	_ =	sdelay $0x1  }
0xa4: {  	[tilespmem:v6+s9+$0x0] =	vst.idx.add.f32.msk $0xffff, v8  }
0xa5: {  	v8 =	vld.idx.msk [tilespmem:v4+s1+$0x0], $0xffff  }
0xa6: {  	v5 =	vmul.f32 v5, v2;
	v3 =	vld [tilespmem:s16+$0xFFFFFFF0]  }
0xa7: {  	v11 =	vmul.f32 v11, v13  }
0xa8: {  	[tilespmem:v1+s8+$0x0] =	vst.idx.add.f32.msk $0xffff, v5  }
0xa9: {  	[tilespmem:v18+s8+$0x0] =	vst.idx.add.f32.msk $0xffff, v11  }
0xaa: {  	v12 =	vld.idx.msk [tilespmem:v9+s0+$0x0], $0xffff;
	v5 =	vmul.f32 v8, v7  }
0xab: {  	v11 =	vld.idx.msk [tilespmem:v10+s0+$0x0], $0xffff  }
0xac: {  	[tilespmem:v6+s10+$0x0] =	vst.idx.add.f32.msk $0xffff, v5  }
0xad: {  	v14 =	vld.idx.msk [tilespmem:v4+s2+$0x0], $0xffff  }
0xae: {  	v8 =	vld.idx.msk [tilespmem:v3+s21+$0x0], $0xffff  }
0xaf: {  	v12 =	vmul.f32 v12, v2;
	v5 =	vld [tilespmem:s19+$0xFFFFFFF0]  }
0xb0: {  	v11 =	vmul.f32 v11, v13;
	v4 =	vld [tilespmem:s17+$0xFFFFFFF0]  }
0xb1: {  	[tilespmem:v1+s9+$0x0] =	vst.idx.add.f32.msk $0xffff, v12  }
0xb2: {  	[tilespmem:v18+s9+$0x0] =	vst.idx.add.f32.msk $0xffff, v11;
	v7 =	vmul.f32 v14, v7  }
0xb3: {  	v12 =	vld.idx.msk [tilespmem:v9+s1+$0x0], $0xffff  }
0xb4: {  	s22 =	simm.s32 $0x13C50;
	[tilespmem:v6+s11+$0x0] =	vst.idx.add.f32.msk $0xffff, v7  }
0xb5: {  	v7 =	vld [tilespmem:s22+$0x0]  }
0xb6: {  	v11 =	vld.idx.msk [tilespmem:v10+s1+$0x0], $0xffff;
	v8 =	vmul.f32 v8, v5  }
0xb7: {  	v6 =	vld [tilespmem:s22+$0xFFFFFFF0]  }
0xb8: {  	s15 =	simm.s32 $0x17B50;
	[tilespmem:v4+s8+$0x0] =	vst.idx.add.f32.msk $0xffff, v8  }
0xb9: {  	v8 =	vmul.f32 v12, v2;
	v12 =	vld [tilespmem:s15+$0x0]  }
0xba: {  	v14 =	vld.idx.msk [tilespmem:v3+s0+$0x0], $0xffff  }
0xbb: {  	s16 =	simm.s32 $0x1BA50;
	[tilespmem:v1+s10+$0x0] =	vst.idx.add.f32.msk $0xffff, v8  }
0xbc: {  	v16 =	vmul.f32 v11, v13;
	v8 =	vld [tilespmem:s16+$0x0]  }
0xbd: {  	v15 =	vld.idx.msk [tilespmem:v7+s21+$0x0], $0xffff  }
0xbe: {  	[tilespmem:v18+s10+$0x0] =	vst.idx.add.f32.msk $0xffff, v16  }
0xbf: {  	v10 =	vld.idx.msk [tilespmem:v10+s2+$0x0], $0xffff  }
0xc0: {  	v11 =	vld [tilespmem:s16+$0xFFFFFFF0]  }
0xc1: {  	v16 =	vmul.f32 v14, v5;
	v14 =	vld [tilespmem:s15+$0xFFFFFFF0]  }
0xc2: {  	v17 =	vld.idx.msk [tilespmem:v6+s21+$0x0], $0xffff;
	v15 =	vmul.f32 v15, v8  }
0xc3: {  	[tilespmem:v4+s9+$0x0] =	vst.idx.add.f32.msk $0xffff, v16  }
0xc4: {  	v10 =	vmul.f32 v10, v13;
	[tilespmem:v12+s8+$0x0] =	vst.idx.add.f32.msk $0xffff, v15  }
0xc5: {  	v16 =	vld.idx.msk [tilespmem:v7+s0+$0x0], $0xffff  }
0xc6: {  	v15 =	vld.idx.msk [tilespmem:v3+s1+$0x0], $0xffff  }
0xc7: {  	v13 =	vld.idx.msk [tilespmem:v9+s2+$0x0], $0xffff  }
0xc8: {  	s4 =	simm.s32 $0x4;
	s17 =	simm.s32 $0x13C70;
	[tilespmem:v18+s11+$0x0] =	vst.idx.add.f32.msk $0xffff, v10;
	v10 =	vmov v12;
	v9 =	vmov v14;
	v17 =	vmul.f32 v17, v11  }
.LBB2_4:
0xc9: {  	v18 =	vld [tilespmem:s17+$0x0];
	s4 =	sadd.s32 $0x2, s4  }
0xca: {  	v16 =	vmul.f32 v16, v8;
	v19 =	vld [tilespmem:s17+$0xFFFFFFF0];
	p0 =	slt.u32 s4, $0x1F2  }
0xcb: {  	[tilespmem:v14+s8+$0x0] =	vst.idx.add.f32.msk $0xffff, v17;
	v14 =	vmul.f32 v15, v5  }
0xcc: {  	v20 =	vmul.f32 v13, v2;
	v2 =	vmov v5;
	v5 =	vmov v11;
	[tilespmem:v12+s9+$0x0] =	vst.idx.add.f32.msk $0xffff, v16  }
0xcd: {  	v11 =	vld.idx.msk [tilespmem:v7+s1+$0x0], $0xffff  }
0xce: {  	v13 =	vld.idx.msk [tilespmem:v6+s0+$0x0], $0xffff  }
0xcf: {  	s15 =	sadd.s32 $0x20, s15;
	[tilespmem:v4+s10+$0x0] =	vst.idx.add.f32.msk $0xffff, v14  }
0xd0: {  	v12 =	vld [tilespmem:s15+$0x0]  }
0xd1: {  	s16 =	sadd.s32 $0x20, s16;
	v15 =	vld.idx.msk [tilespmem:v18+s21+$0x0], $0xffff  }
0xd2: {  	v21 =	vld [tilespmem:s16+$0x0]  }
0xd3: {  	v14 =	vmul.f32 v11, v8;
	v16 =	vld.idx.msk [tilespmem:v19+s21+$0x0], $0xffff  }
0xd4: {  	v13 =	vmul.f32 v13, v5;
	v11 =	vld [tilespmem:s16+$0xFFFFFFF0]  }
0xd5: {  	[tilespmem:v10+s10+$0x0] =	vst.idx.add.f32.msk $0xffff, v14  }
0xd6: {  	v22 =	vld.idx.msk [tilespmem:v7+s2+$0x0], $0xffff;
	v7 =	vmov v18  }
0xd7: {  	v14 =	vld [tilespmem:s15+$0xFFFFFFF0];
	v15 =	vmul.f32 v15, v21  }
0xd8: {  	[tilespmem:v9+s9+$0x0] =	vst.idx.add.f32.msk $0xffff, v13  }
0xd9: {  	v17 =	vmul.f32 v16, v11;
	[tilespmem:v12+s8+$0x0] =	vst.idx.add.f32.msk $0xffff, v15  }
.Ltmp1:
0xda: {  	v16 =	vld.idx.msk [tilespmem:v18+s0+$0x0], $0xffff;
	(pc) =	sbr.rel @p0 .LBB2_4-.Ltmp1, $4  }
0xdb: {  	v15 =	vld.idx.msk [tilespmem:v6+s1+$0x0], $0xffff  }
0xdc: {  	v18 =	vmul.f32 v22, v8;
	v8 =	vmovc v21;
	v13 =	vld.idx.msk [tilespmem:v3+s2+$0x0], $0xffff;
	v3 =	vmov v6;
	v6 =	vmov v19  }
0xdd: {  	[tilespmem:v1+s11+$0x0] =	vst.idx.add.f32.msk $0xffff, v20;
	v1 =	vmov v4;
	v4 =	vmov v9;
	v9 =	vmov v14  }
0xde: {  	s17 =	sadd.s32 $0x20, s17;
	[tilespmem:v10+s11+$0x0] =	vst.idx.add.f32.msk $0xffff, v18;
	v10 =	vmov v12  }
0xdf: {  	_ =	sdelay $0x3  }
0xe0: {  	[tilespmem:v14+s8+$0x0] =	vst.idx.add.f32.msk $0xffff, v17  }
0xe1: {  	v14 =	vld.idx.msk [tilespmem:v6+s0+$0x0], $0xffff;
	_ =	sdelay $0x2  }
0xe2: {  	v16 =	vmul.f32 v16, v8;
	_ =	sdelay $0x1  }
0xe3: {  	[tilespmem:v12+s9+$0x0] =	vst.idx.add.f32.msk $0xffff, v16;
	v14 =	vmul.f32 v14, v11  }
0xe4: {  	v12 =	vld.idx.msk [tilespmem:v7+s1+$0x0], $0xffff  }
0xe5: {  	[tilespmem:v9+s9+$0x0] =	vst.idx.add.f32.msk $0xffff, v14  }
0xe6: {  	v14 =	vld.idx.msk [tilespmem:v6+s1+$0x0], $0xffff  }
0xe7: {  	v15 =	vmul.f32 v15, v5;
	_ =	sdelay $0x1  }
0xe8: {  	[tilespmem:v4+s10+$0x0] =	vst.idx.add.f32.msk $0xffff, v15;
	v12 =	vmul.f32 v12, v8  }
0xe9: {  	v3 =	vld.idx.msk [tilespmem:v3+s2+$0x0], $0xffff  }
0xea: {  	[tilespmem:v10+s10+$0x0] =	vst.idx.add.f32.msk $0xffff, v12;
	v12 =	vmul.f32 v14, v11  }
0xeb: {  	v7 =	vld.idx.msk [tilespmem:v7+s2+$0x0], $0xffff  }
0xec: {  	[tilespmem:v9+s10+$0x0] =	vst.idx.add.f32.msk $0xffff, v12  }
0xed: {  	v6 =	vld.idx.msk [tilespmem:v6+s2+$0x0], $0xffff  }
0xee: {  	v2 =	vmul.f32 v13, v2;
	_ =	sdelay $0x1  }
0xef: {  	[tilespmem:v1+s11+$0x0] =	vst.idx.add.f32.msk $0xffff, v2;
	v1 =	vmul.f32 v3, v5  }
0xf0: {  	v7 =	vmul.f32 v7, v8  }
0xf1: {  	[tilespmem:v4+s11+$0x0] =	vst.idx.add.f32.msk $0xffff, v1;
	v2 =	vmul.f32 v6, v11  }
0xf2: {  	[tilespmem:v10+s11+$0x0] =	vst.idx.add.f32.msk $0xffff, v7  }
0xf3: {  	[tilespmem:v9+s11+$0x0] =	vst.idx.add.f32.msk $0xffff, v2  }
0xf4: {  	s4 =	rddreg [dreg:$0xd]  }
0xf5: {  	[tilespmem:s28], [sflag:$0x1] =	stream.linear.gather [hbm4b:s4+s21], $0x1F40, $0x38;
	[tilespmem:$0x1F900] =	vst v63  }
0xf6: {  	s16 =	rddreg [dreg:$0xe]  }
0xf7: {  	[tilespmem:s29], [sflag:$0x1] =	stream.linear.gather [hbm4b:s16+s21], $0x1F40, $0x38;
	[tilespmem:$0x1F900] =	vst v63  }
0xf8: {  	s17 =	rddreg [dreg:$0xf]  }
0xf9: {  	[tilespmem:s30], [sflag:$0x1] =	stream.linear.gather [hbm4b:s17+s21], $0x1F40, $0x38;
	[tilespmem:$0x1F900] =	vst v63  }
0xfa: {  	_ =	swait.ge [sflag:s12], $0x1F40  }
0xfb: {  	[sflag:s12] =	ssyncset.done $0x0  }
0xfc: {  	[sflag:s12] =	ssyncadd.s32 $0xFFFFE0C0  }
0xfd: {  	_ =	swait.ge [sflag:s12], $0x1F40  }
0xfe: {  	[sflag:s12] =	ssyncset.done $0x0  }
0xff: {  	[sflag:s12] =	ssyncadd.s32 $0xFFFFE0C0  }
0x100: {  	_ =	swait.ge [sflag:s12], $0x1F40  }
0x101: {  	[sflag:s12] =	ssyncset.done $0x0  }
0x102: {  	s19 =	simm.s32 $0x15B90;
	[sflag:s12] =	ssyncadd.s32 $0xFFFFE0C0  }
0x103: {  	v4 =	vld [tilespmem:s19+$0x0];
	_ =	sdelay $0x3  }
0x104: {  	s15 =	simm.s32 $0x19A90  }
0x105: {  	s16 =	simm.s32 $0x15BB0;
	v6 =	vld [tilespmem:s15+$0x0]  }
0x106: {  	s22 =	simm.s32 $0x1D990;
	v10 =	vld [tilespmem:s16+$0x0]  }
0x107: {  	v7 =	vld [tilespmem:s22+$0x0]  }
0x108: {  	v1 =	vld.idx.msk [tilespmem:v4+s21+$0x0], $0xffff;
	_ =	sdelay $0x2  }
0x109: {  	s17 =	simm.s32 $0x19AB0;
	v9 =	vld [tilespmem:s19+$0xFFFFFFF0]  }
0x10a: {  	v18 =	vld [tilespmem:s17+$0x0];
	s19 =	simm.s32 $0x1D9B0  }
0x10b: {  	v13 =	vld [tilespmem:s19+$0x0];
	v1 =	vmul.f32 v1, v7  }
0x10c: {  	v11 =	vld.idx.msk [tilespmem:v10+s21+$0x0], $0xffff  }
0x10d: {  	[tilespmem:v6+s8+$0x0] =	vst.idx.add.f32.msk $0xffff, v1  }
0x10e: {  	v3 =	vld.idx.msk [tilespmem:v4+s0+$0x0], $0xffff;
	_ =	sdelay $0x2  }
0x10f: {  	v2 =	vld [tilespmem:s22+$0xFFFFFFF0]  }
0x110: {  	v5 =	vld.idx.msk [tilespmem:v9+s21+$0x0], $0xffff;
	v11 =	vmul.f32 v11, v13  }
0x111: {  	v1 =	vld [tilespmem:s15+$0xFFFFFFF0];
	v8 =	vmul.f32 v3, v7  }
0x112: {  	[tilespmem:v18+s8+$0x0] =	vst.idx.add.f32.msk $0xffff, v11  }
0x113: {  	[tilespmem:v6+s9+$0x0] =	vst.idx.add.f32.msk $0xffff, v8  }
0x114: {  	v8 =	vld.idx.msk [tilespmem:v4+s1+$0x0], $0xffff  }
0x115: {  	v11 =	vld.idx.msk [tilespmem:v10+s0+$0x0], $0xffff  }
0x116: {  	v3 =	vld [tilespmem:s16+$0xFFFFFFF0]  }
0x117: {  	v5 =	vmul.f32 v5, v2;
	_ =	sdelay $0x1  }
0x118: {  	[tilespmem:v1+s8+$0x0] =	vst.idx.add.f32.msk $0xffff, v5;
	v5 =	vmul.f32 v8, v7  }
0x119: {  	v12 =	vld.idx.msk [tilespmem:v9+s0+$0x0], $0xffff  }
0x11a: {  	v11 =	vmul.f32 v11, v13;
	[tilespmem:v6+s10+$0x0] =	vst.idx.add.f32.msk $0xffff, v5  }
0x11b: {  	v14 =	vld.idx.msk [tilespmem:v4+s2+$0x0], $0xffff  }
0x11c: {  	[tilespmem:v18+s9+$0x0] =	vst.idx.add.f32.msk $0xffff, v11  }
0x11d: {  	v8 =	vld.idx.msk [tilespmem:v3+s21+$0x0], $0xffff  }
0x11e: {  	v12 =	vmul.f32 v12, v2;
	v4 =	vld [tilespmem:s17+$0xFFFFFFF0]  }
0x11f: {  	v5 =	vld [tilespmem:s19+$0xFFFFFFF0]  }
0x120: {  	[tilespmem:v1+s9+$0x0] =	vst.idx.add.f32.msk $0xffff, v12;
	v7 =	vmul.f32 v14, v7  }
0x121: {  	v12 =	vld.idx.msk [tilespmem:v9+s1+$0x0], $0xffff  }
0x122: {  	s22 =	simm.s32 $0x15BD0;
	[tilespmem:v6+s11+$0x0] =	vst.idx.add.f32.msk $0xffff, v7  }
0x123: {  	v7 =	vld [tilespmem:s22+$0x0]  }
0x124: {  	v11 =	vld.idx.msk [tilespmem:v10+s1+$0x0], $0xffff;
	v8 =	vmul.f32 v8, v5  }
0x125: {  	v6 =	vld [tilespmem:s22+$0xFFFFFFF0]  }
0x126: {  	s15 =	simm.s32 $0x19AD0;
	[tilespmem:v4+s8+$0x0] =	vst.idx.add.f32.msk $0xffff, v8  }
0x127: {  	v8 =	vmul.f32 v12, v2;
	v12 =	vld [tilespmem:s15+$0x0]  }
0x128: {  	v14 =	vld.idx.msk [tilespmem:v3+s0+$0x0], $0xffff  }
0x129: {  	s16 =	simm.s32 $0x1D9D0;
	[tilespmem:v1+s10+$0x0] =	vst.idx.add.f32.msk $0xffff, v8  }
0x12a: {  	v16 =	vmul.f32 v11, v13;
	v8 =	vld [tilespmem:s16+$0x0]  }
0x12b: {  	v15 =	vld.idx.msk [tilespmem:v7+s21+$0x0], $0xffff  }
0x12c: {  	[tilespmem:v18+s10+$0x0] =	vst.idx.add.f32.msk $0xffff, v16  }
0x12d: {  	v10 =	vld.idx.msk [tilespmem:v10+s2+$0x0], $0xffff  }
0x12e: {  	v11 =	vld [tilespmem:s16+$0xFFFFFFF0]  }
0x12f: {  	v16 =	vmul.f32 v14, v5;
	v14 =	vld [tilespmem:s15+$0xFFFFFFF0]  }
0x130: {  	v17 =	vld.idx.msk [tilespmem:v6+s21+$0x0], $0xffff;
	v15 =	vmul.f32 v15, v8  }
0x131: {  	[tilespmem:v4+s9+$0x0] =	vst.idx.add.f32.msk $0xffff, v16  }
0x132: {  	v10 =	vmul.f32 v10, v13;
	[tilespmem:v12+s8+$0x0] =	vst.idx.add.f32.msk $0xffff, v15  }
0x133: {  	v16 =	vld.idx.msk [tilespmem:v7+s0+$0x0], $0xffff  }
0x134: {  	v15 =	vld.idx.msk [tilespmem:v3+s1+$0x0], $0xffff  }
0x135: {  	v13 =	vld.idx.msk [tilespmem:v9+s2+$0x0], $0xffff  }
0x136: {  	s4 =	simm.s32 $0x4;
	s17 =	simm.s32 $0x15BF0;
	[tilespmem:v18+s11+$0x0] =	vst.idx.add.f32.msk $0xffff, v10;
	v10 =	vmov v12;
	v9 =	vmov v14;
	v17 =	vmul.f32 v17, v11  }
.LBB2_6:
0x137: {  	v18 =	vld [tilespmem:s17+$0x0];
	s4 =	sadd.s32 $0x2, s4  }
0x138: {  	v16 =	vmul.f32 v16, v8;
	v19 =	vld [tilespmem:s17+$0xFFFFFFF0];
	p0 =	slt.u32 s4, $0x1F2  }
0x139: {  	[tilespmem:v14+s8+$0x0] =	vst.idx.add.f32.msk $0xffff, v17;
	v14 =	vmul.f32 v15, v5  }
0x13a: {  	v20 =	vmul.f32 v13, v2;
	v2 =	vmov v5;
	v5 =	vmov v11;
	[tilespmem:v12+s9+$0x0] =	vst.idx.add.f32.msk $0xffff, v16  }
0x13b: {  	v11 =	vld.idx.msk [tilespmem:v7+s1+$0x0], $0xffff  }
0x13c: {  	v13 =	vld.idx.msk [tilespmem:v6+s0+$0x0], $0xffff  }
0x13d: {  	s15 =	sadd.s32 $0x20, s15;
	[tilespmem:v4+s10+$0x0] =	vst.idx.add.f32.msk $0xffff, v14  }
0x13e: {  	v12 =	vld [tilespmem:s15+$0x0]  }
0x13f: {  	s16 =	sadd.s32 $0x20, s16;
	v15 =	vld.idx.msk [tilespmem:v18+s21+$0x0], $0xffff  }
0x140: {  	v21 =	vld [tilespmem:s16+$0x0]  }
0x141: {  	v14 =	vmul.f32 v11, v8;
	v16 =	vld.idx.msk [tilespmem:v19+s21+$0x0], $0xffff  }
0x142: {  	v13 =	vmul.f32 v13, v5;
	v11 =	vld [tilespmem:s16+$0xFFFFFFF0]  }
0x143: {  	[tilespmem:v10+s10+$0x0] =	vst.idx.add.f32.msk $0xffff, v14  }
0x144: {  	v22 =	vld.idx.msk [tilespmem:v7+s2+$0x0], $0xffff;
	v7 =	vmov v18  }
0x145: {  	v14 =	vld [tilespmem:s15+$0xFFFFFFF0];
	v15 =	vmul.f32 v15, v21  }
0x146: {  	[tilespmem:v9+s9+$0x0] =	vst.idx.add.f32.msk $0xffff, v13  }
0x147: {  	v17 =	vmul.f32 v16, v11;
	[tilespmem:v12+s8+$0x0] =	vst.idx.add.f32.msk $0xffff, v15  }
.Ltmp2:
0x148: {  	v16 =	vld.idx.msk [tilespmem:v18+s0+$0x0], $0xffff;
	(pc) =	sbr.rel @p0 .LBB2_6-.Ltmp2, $4  }
0x149: {  	v15 =	vld.idx.msk [tilespmem:v6+s1+$0x0], $0xffff  }
0x14a: {  	v18 =	vmul.f32 v22, v8;
	v8 =	vmovc v21;
	v13 =	vld.idx.msk [tilespmem:v3+s2+$0x0], $0xffff;
	v3 =	vmov v6;
	v6 =	vmov v19  }
0x14b: {  	[tilespmem:v1+s11+$0x0] =	vst.idx.add.f32.msk $0xffff, v20;
	v1 =	vmov v4;
	v4 =	vmov v9;
	v9 =	vmov v14  }
0x14c: {  	s17 =	sadd.s32 $0x20, s17;
	[tilespmem:v10+s11+$0x0] =	vst.idx.add.f32.msk $0xffff, v18;
	v10 =	vmov v12  }
0x14d: {  	_ =	sdelay $0x3  }
0x14e: {  	[tilespmem:v14+s8+$0x0] =	vst.idx.add.f32.msk $0xffff, v17  }
0x14f: {  	v14 =	vld.idx.msk [tilespmem:v6+s0+$0x0], $0xffff;
	_ =	sdelay $0x2  }
0x150: {  	v16 =	vmul.f32 v16, v8;
	_ =	sdelay $0x1  }
0x151: {  	[tilespmem:v12+s9+$0x0] =	vst.idx.add.f32.msk $0xffff, v16;
	v14 =	vmul.f32 v14, v11  }
0x152: {  	v12 =	vld.idx.msk [tilespmem:v7+s1+$0x0], $0xffff  }
0x153: {  	[tilespmem:v9+s9+$0x0] =	vst.idx.add.f32.msk $0xffff, v14  }
0x154: {  	v14 =	vld.idx.msk [tilespmem:v6+s1+$0x0], $0xffff  }
0x155: {  	v15 =	vmul.f32 v15, v5;
	_ =	sdelay $0x1  }
0x156: {  	[tilespmem:v4+s10+$0x0] =	vst.idx.add.f32.msk $0xffff, v15;
	v12 =	vmul.f32 v12, v8  }
0x157: {  	v3 =	vld.idx.msk [tilespmem:v3+s2+$0x0], $0xffff  }
0x158: {  	[tilespmem:v10+s10+$0x0] =	vst.idx.add.f32.msk $0xffff, v12;
	v12 =	vmul.f32 v14, v11  }
0x159: {  	v7 =	vld.idx.msk [tilespmem:v7+s2+$0x0], $0xffff  }
0x15a: {  	[tilespmem:v9+s10+$0x0] =	vst.idx.add.f32.msk $0xffff, v12  }
0x15b: {  	v6 =	vld.idx.msk [tilespmem:v6+s2+$0x0], $0xffff  }
0x15c: {  	v2 =	vmul.f32 v13, v2;
	_ =	sdelay $0x1  }
0x15d: {  	[tilespmem:v1+s11+$0x0] =	vst.idx.add.f32.msk $0xffff, v2;
	v1 =	vmul.f32 v3, v5  }
0x15e: {  	v7 =	vmul.f32 v7, v8  }
0x15f: {  	[tilespmem:v4+s11+$0x0] =	vst.idx.add.f32.msk $0xffff, v1;
	v2 =	vmul.f32 v6, v11  }
0x160: {  	[tilespmem:v10+s11+$0x0] =	vst.idx.add.f32.msk $0xffff, v7  }
0x161: {  	[tilespmem:v9+s11+$0x0] =	vst.idx.add.f32.msk $0xffff, v2  }
0x162: {  	s4 =	rddreg [dreg:$0x10]  }
0x163: {  	[tilespmem:s18], [sflag:$0x2] =	stream.linear.gather [hbm4b:s4+s21], $0x1F40, $0x38;
	[tilespmem:$0x1F900] =	vst v63  }
0x164: {  	s18 =	rddreg [dreg:$0x11]  }
0x165: {  	[tilespmem:s5], [sflag:$0x2] =	stream.linear.gather [hbm4b:s18+s21], $0x1F40, $0x38;
	[tilespmem:$0x1F900] =	vst v63  }
0x166: {  	s19 =	rddreg [dreg:$0x12]  }
0x167: {  	[tilespmem:s6], [sflag:$0x2] =	stream.linear.gather [hbm4b:s19+s21], $0x1F40, $0x38;
	[tilespmem:$0x1F900] =	vst v63  }
0x168: {  	_ =	swait.ge [sflag:s7], $0x1F40  }
0x169: {  	[sflag:s7] =	ssyncset.done $0x0  }
0x16a: {  	[sflag:s7] =	ssyncadd.s32 $0xFFFFE0C0  }
0x16b: {  	_ =	swait.ge [sflag:s7], $0x1F40  }
0x16c: {  	[sflag:s7] =	ssyncset.done $0x0  }
0x16d: {  	[sflag:s7] =	ssyncadd.s32 $0xFFFFE0C0  }
0x16e: {  	_ =	swait.ge [sflag:s7], $0x1F40  }
0x16f: {  	[sflag:s7] =	ssyncset.done $0x0  }
0x170: {  	s22 =	simm.s32 $0x13C10;
	[sflag:s7] =	ssyncadd.s32 $0xFFFFE0C0  }
0x171: {  	v4 =	vld [tilespmem:s22+$0x0];
	_ =	sdelay $0x3  }
0x172: {  	s15 =	simm.s32 $0x17B10  }
0x173: {  	s17 =	simm.s32 $0x13C30;
	v6 =	vld [tilespmem:s15+$0x0]  }
0x174: {  	s16 =	simm.s32 $0x1BA10;
	v10 =	vld [tilespmem:s17+$0x0]  }
0x175: {  	v7 =	vld [tilespmem:s16+$0x0]  }
0x176: {  	v1 =	vld.idx.msk [tilespmem:v4+s21+$0x0], $0xffff;
	_ =	sdelay $0x2  }
0x177: {  	s18 =	simm.s32 $0x17B30;
	v9 =	vld [tilespmem:s22+$0xFFFFFFF0]  }
0x178: {  	s19 =	simm.s32 $0x1BA30;
	v18 =	vld [tilespmem:s18+$0x0]  }
0x179: {  	v13 =	vld [tilespmem:s19+$0x0];
	v1 =	vmul.f32 v1, v7  }
0x17a: {  	v11 =	vld.idx.msk [tilespmem:v10+s21+$0x0], $0xffff  }
0x17b: {  	[tilespmem:v6+s8+$0x0] =	vst.idx.add.f32.msk $0xffff, v1  }
0x17c: {  	v3 =	vld.idx.msk [tilespmem:v4+s0+$0x0], $0xffff;
	_ =	sdelay $0x2  }
0x17d: {  	v2 =	vld [tilespmem:s16+$0xFFFFFFF0]  }
0x17e: {  	v5 =	vld.idx.msk [tilespmem:v9+s21+$0x0], $0xffff;
	v11 =	vmul.f32 v11, v13  }
0x17f: {  	v1 =	vld [tilespmem:s15+$0xFFFFFFF0];
	v8 =	vmul.f32 v3, v7  }
0x180: {  	[tilespmem:v18+s8+$0x0] =	vst.idx.add.f32.msk $0xffff, v11  }
0x181: {  	[tilespmem:v6+s9+$0x0] =	vst.idx.add.f32.msk $0xffff, v8  }
0x182: {  	v8 =	vld.idx.msk [tilespmem:v4+s1+$0x0], $0xffff  }
0x183: {  	v11 =	vld.idx.msk [tilespmem:v10+s0+$0x0], $0xffff  }
0x184: {  	v3 =	vld [tilespmem:s17+$0xFFFFFFF0]  }
0x185: {  	v5 =	vmul.f32 v5, v2;
	_ =	sdelay $0x1  }
0x186: {  	[tilespmem:v1+s8+$0x0] =	vst.idx.add.f32.msk $0xffff, v5;
	v5 =	vmul.f32 v8, v7  }
0x187: {  	v12 =	vld.idx.msk [tilespmem:v9+s0+$0x0], $0xffff  }
0x188: {  	v11 =	vmul.f32 v11, v13;
	[tilespmem:v6+s10+$0x0] =	vst.idx.add.f32.msk $0xffff, v5  }
0x189: {  	v14 =	vld.idx.msk [tilespmem:v4+s2+$0x0], $0xffff  }
0x18a: {  	[tilespmem:v18+s9+$0x0] =	vst.idx.add.f32.msk $0xffff, v11  }
0x18b: {  	v8 =	vld.idx.msk [tilespmem:v3+s21+$0x0], $0xffff  }
0x18c: {  	v12 =	vmul.f32 v12, v2;
	v4 =	vld [tilespmem:s18+$0xFFFFFFF0]  }
0x18d: {  	v5 =	vld [tilespmem:s19+$0xFFFFFFF0]  }
0x18e: {  	[tilespmem:v1+s9+$0x0] =	vst.idx.add.f32.msk $0xffff, v12;
	v7 =	vmul.f32 v14, v7  }
0x18f: {  	v12 =	vld.idx.msk [tilespmem:v9+s1+$0x0], $0xffff  }
0x190: {  	s22 =	simm.s32 $0x13C50;
	[tilespmem:v6+s11+$0x0] =	vst.idx.add.f32.msk $0xffff, v7  }
0x191: {  	v7 =	vld [tilespmem:s22+$0x0]  }
0x192: {  	v11 =	vld.idx.msk [tilespmem:v10+s1+$0x0], $0xffff;
	v8 =	vmul.f32 v8, v5  }
0x193: {  	v6 =	vld [tilespmem:s22+$0xFFFFFFF0]  }
0x194: {  	s15 =	simm.s32 $0x17B50;
	[tilespmem:v4+s8+$0x0] =	vst.idx.add.f32.msk $0xffff, v8  }
0x195: {  	v8 =	vmul.f32 v12, v2;
	v12 =	vld [tilespmem:s15+$0x0]  }
0x196: {  	v14 =	vld.idx.msk [tilespmem:v3+s0+$0x0], $0xffff  }
0x197: {  	s16 =	simm.s32 $0x1BA50;
	[tilespmem:v1+s10+$0x0] =	vst.idx.add.f32.msk $0xffff, v8  }
0x198: {  	v16 =	vmul.f32 v11, v13;
	v8 =	vld [tilespmem:s16+$0x0]  }
0x199: {  	v15 =	vld.idx.msk [tilespmem:v7+s21+$0x0], $0xffff  }
0x19a: {  	[tilespmem:v18+s10+$0x0] =	vst.idx.add.f32.msk $0xffff, v16  }
0x19b: {  	v10 =	vld.idx.msk [tilespmem:v10+s2+$0x0], $0xffff  }
0x19c: {  	v11 =	vld [tilespmem:s16+$0xFFFFFFF0]  }
0x19d: {  	v16 =	vmul.f32 v14, v5;
	v14 =	vld [tilespmem:s15+$0xFFFFFFF0]  }
0x19e: {  	v17 =	vld.idx.msk [tilespmem:v6+s21+$0x0], $0xffff;
	v15 =	vmul.f32 v15, v8  }
0x19f: {  	[tilespmem:v4+s9+$0x0] =	vst.idx.add.f32.msk $0xffff, v16  }
0x1a0: {  	v10 =	vmul.f32 v10, v13;
	[tilespmem:v12+s8+$0x0] =	vst.idx.add.f32.msk $0xffff, v15  }
0x1a1: {  	v16 =	vld.idx.msk [tilespmem:v7+s0+$0x0], $0xffff  }
0x1a2: {  	v15 =	vld.idx.msk [tilespmem:v3+s1+$0x0], $0xffff  }
0x1a3: {  	v13 =	vld.idx.msk [tilespmem:v9+s2+$0x0], $0xffff  }
0x1a4: {  	s4 =	simm.s32 $0x4;
	s17 =	simm.s32 $0x13C70;
	[tilespmem:v18+s11+$0x0] =	vst.idx.add.f32.msk $0xffff, v10;
	v10 =	vmov v12;
	v9 =	vmov v14;
	v17 =	vmul.f32 v17, v11  }
.LBB2_8:
0x1a5: {  	v18 =	vld [tilespmem:s17+$0x0];
	s4 =	sadd.s32 $0x2, s4  }
0x1a6: {  	v16 =	vmul.f32 v16, v8;
	v19 =	vld [tilespmem:s17+$0xFFFFFFF0];
	p0 =	slt.u32 s4, $0x1F2  }
0x1a7: {  	[tilespmem:v14+s8+$0x0] =	vst.idx.add.f32.msk $0xffff, v17;
	v14 =	vmul.f32 v15, v5  }
0x1a8: {  	v20 =	vmul.f32 v13, v2;
	v2 =	vmov v5;
	v5 =	vmov v11;
	[tilespmem:v12+s9+$0x0] =	vst.idx.add.f32.msk $0xffff, v16  }
0x1a9: {  	v11 =	vld.idx.msk [tilespmem:v7+s1+$0x0], $0xffff  }
0x1aa: {  	v13 =	vld.idx.msk [tilespmem:v6+s0+$0x0], $0xffff  }
0x1ab: {  	s15 =	sadd.s32 $0x20, s15;
	[tilespmem:v4+s10+$0x0] =	vst.idx.add.f32.msk $0xffff, v14  }
0x1ac: {  	v12 =	vld [tilespmem:s15+$0x0]  }
0x1ad: {  	s16 =	sadd.s32 $0x20, s16;
	v15 =	vld.idx.msk [tilespmem:v18+s21+$0x0], $0xffff  }
0x1ae: {  	v21 =	vld [tilespmem:s16+$0x0]  }
0x1af: {  	v14 =	vmul.f32 v11, v8;
	v16 =	vld.idx.msk [tilespmem:v19+s21+$0x0], $0xffff  }
0x1b0: {  	v13 =	vmul.f32 v13, v5;
	v11 =	vld [tilespmem:s16+$0xFFFFFFF0]  }
0x1b1: {  	[tilespmem:v10+s10+$0x0] =	vst.idx.add.f32.msk $0xffff, v14  }
0x1b2: {  	v22 =	vld.idx.msk [tilespmem:v7+s2+$0x0], $0xffff;
	v7 =	vmov v18  }
0x1b3: {  	v14 =	vld [tilespmem:s15+$0xFFFFFFF0];
	v15 =	vmul.f32 v15, v21  }
0x1b4: {  	[tilespmem:v9+s9+$0x0] =	vst.idx.add.f32.msk $0xffff, v13  }
0x1b5: {  	v17 =	vmul.f32 v16, v11;
	[tilespmem:v12+s8+$0x0] =	vst.idx.add.f32.msk $0xffff, v15  }
.Ltmp3:
0x1b6: {  	v16 =	vld.idx.msk [tilespmem:v18+s0+$0x0], $0xffff;
	(pc) =	sbr.rel @p0 .LBB2_8-.Ltmp3, $4  }
0x1b7: {  	v15 =	vld.idx.msk [tilespmem:v6+s1+$0x0], $0xffff  }
0x1b8: {  	v18 =	vmul.f32 v22, v8;
	v8 =	vmovc v21;
	v13 =	vld.idx.msk [tilespmem:v3+s2+$0x0], $0xffff;
	v3 =	vmov v6;
	v6 =	vmov v19  }
0x1b9: {  	[tilespmem:v1+s11+$0x0] =	vst.idx.add.f32.msk $0xffff, v20;
	v1 =	vmov v4;
	v4 =	vmov v9;
	v9 =	vmov v14  }
0x1ba: {  	s17 =	sadd.s32 $0x20, s17;
	[tilespmem:v10+s11+$0x0] =	vst.idx.add.f32.msk $0xffff, v18;
	v10 =	vmov v12  }
0x1bb: {  	_ =	sdelay $0x3  }
0x1bc: {  	[tilespmem:v14+s8+$0x0] =	vst.idx.add.f32.msk $0xffff, v17  }
0x1bd: {  	v14 =	vld.idx.msk [tilespmem:v6+s0+$0x0], $0xffff;
	_ =	sdelay $0x2  }
0x1be: {  	v16 =	vmul.f32 v16, v8;
	_ =	sdelay $0x1  }
0x1bf: {  	[tilespmem:v12+s9+$0x0] =	vst.idx.add.f32.msk $0xffff, v16;
	v14 =	vmul.f32 v14, v11  }
0x1c0: {  	v12 =	vld.idx.msk [tilespmem:v7+s1+$0x0], $0xffff  }
0x1c1: {  	[tilespmem:v9+s9+$0x0] =	vst.idx.add.f32.msk $0xffff, v14  }
0x1c2: {  	v14 =	vld.idx.msk [tilespmem:v6+s1+$0x0], $0xffff  }
0x1c3: {  	v15 =	vmul.f32 v15, v5;
	_ =	sdelay $0x1  }
0x1c4: {  	[tilespmem:v4+s10+$0x0] =	vst.idx.add.f32.msk $0xffff, v15;
	v12 =	vmul.f32 v12, v8  }
0x1c5: {  	v3 =	vld.idx.msk [tilespmem:v3+s2+$0x0], $0xffff  }
0x1c6: {  	[tilespmem:v10+s10+$0x0] =	vst.idx.add.f32.msk $0xffff, v12;
	v12 =	vmul.f32 v14, v11  }
0x1c7: {  	v7 =	vld.idx.msk [tilespmem:v7+s2+$0x0], $0xffff  }
0x1c8: {  	[tilespmem:v9+s10+$0x0] =	vst.idx.add.f32.msk $0xffff, v12  }
0x1c9: {  	v6 =	vld.idx.msk [tilespmem:v6+s2+$0x0], $0xffff  }
0x1ca: {  	v2 =	vmul.f32 v13, v2;
	_ =	sdelay $0x1  }
0x1cb: {  	[tilespmem:v1+s11+$0x0] =	vst.idx.add.f32.msk $0xffff, v2;
	v1 =	vmul.f32 v3, v5  }
0x1cc: {  	v7 =	vmul.f32 v7, v8  }
0x1cd: {  	[tilespmem:v4+s11+$0x0] =	vst.idx.add.f32.msk $0xffff, v1;
	v2 =	vmul.f32 v6, v11  }
0x1ce: {  	[tilespmem:v10+s11+$0x0] =	vst.idx.add.f32.msk $0xffff, v7  }
0x1cf: {  	[tilespmem:v9+s11+$0x0] =	vst.idx.add.f32.msk $0xffff, v2  }
0x1d0: {  	s4 =	rddreg [dreg:$0x13]  }
0x1d1: {  	[tilespmem:s28], [sflag:$0x1] =	stream.linear.gather [hbm4b:s4+s21], $0x1F40, $0x38;
	[tilespmem:$0x1F900] =	vst v63  }
0x1d2: {  	s18 =	rddreg [dreg:$0x14]  }
0x1d3: {  	[tilespmem:s29], [sflag:$0x1] =	stream.linear.gather [hbm4b:s18+s21], $0x1F40, $0x38;
	[tilespmem:$0x1F900] =	vst v63  }
0x1d4: {  	s19 =	rddreg [dreg:$0x15]  }
0x1d5: {  	[tilespmem:s30], [sflag:$0x1] =	stream.linear.gather [hbm4b:s19+s21], $0x1F40, $0x38;
	[tilespmem:$0x1F900] =	vst v63  }
0x1d6: {  	_ =	swait.ge [sflag:s12], $0x1F40  }
0x1d7: {  	[sflag:s12] =	ssyncset.done $0x0  }
0x1d8: {  	[sflag:s12] =	ssyncadd.s32 $0xFFFFE0C0  }
0x1d9: {  	_ =	swait.ge [sflag:s12], $0x1F40  }
0x1da: {  	[sflag:s12] =	ssyncset.done $0x0  }
0x1db: {  	[sflag:s12] =	ssyncadd.s32 $0xFFFFE0C0  }
0x1dc: {  	_ =	swait.ge [sflag:s12], $0x1F40  }
0x1dd: {  	[sflag:s12] =	ssyncset.done $0x0  }
0x1de: {  	s22 =	simm.s32 $0x15B90;
	[sflag:s12] =	ssyncadd.s32 $0xFFFFE0C0  }
0x1df: {  	v4 =	vld [tilespmem:s22+$0x0];
	_ =	sdelay $0x3  }
0x1e0: {  	s15 =	simm.s32 $0x19A90  }
0x1e1: {  	s17 =	simm.s32 $0x15BB0;
	v6 =	vld [tilespmem:s15+$0x0]  }
0x1e2: {  	s16 =	simm.s32 $0x1D990;
	v10 =	vld [tilespmem:s17+$0x0]  }
0x1e3: {  	v7 =	vld [tilespmem:s16+$0x0]  }
0x1e4: {  	v1 =	vld.idx.msk [tilespmem:v4+s21+$0x0], $0xffff;
	_ =	sdelay $0x2  }
0x1e5: {  	s18 =	simm.s32 $0x19AB0;
	v9 =	vld [tilespmem:s22+$0xFFFFFFF0]  }
0x1e6: {  	s19 =	simm.s32 $0x1D9B0;
	v18 =	vld [tilespmem:s18+$0x0]  }
0x1e7: {  	v13 =	vld [tilespmem:s19+$0x0];
	v1 =	vmul.f32 v1, v7  }
0x1e8: {  	v11 =	vld.idx.msk [tilespmem:v10+s21+$0x0], $0xffff  }
0x1e9: {  	[tilespmem:v6+s8+$0x0] =	vst.idx.add.f32.msk $0xffff, v1  }
0x1ea: {  	v3 =	vld.idx.msk [tilespmem:v4+s0+$0x0], $0xffff;
	_ =	sdelay $0x2  }
0x1eb: {  	v2 =	vld [tilespmem:s16+$0xFFFFFFF0]  }
0x1ec: {  	v5 =	vld.idx.msk [tilespmem:v9+s21+$0x0], $0xffff;
	v11 =	vmul.f32 v11, v13  }
0x1ed: {  	v1 =	vld [tilespmem:s15+$0xFFFFFFF0];
	v8 =	vmul.f32 v3, v7  }
0x1ee: {  	[tilespmem:v18+s8+$0x0] =	vst.idx.add.f32.msk $0xffff, v11  }
0x1ef: {  	[tilespmem:v6+s9+$0x0] =	vst.idx.add.f32.msk $0xffff, v8  }
0x1f0: {  	v8 =	vld.idx.msk [tilespmem:v4+s1+$0x0], $0xffff  }
0x1f1: {  	v11 =	vld.idx.msk [tilespmem:v10+s0+$0x0], $0xffff  }
0x1f2: {  	v3 =	vld [tilespmem:s17+$0xFFFFFFF0]  }
0x1f3: {  	v5 =	vmul.f32 v5, v2;
	_ =	sdelay $0x1  }
0x1f4: {  	[tilespmem:v1+s8+$0x0] =	vst.idx.add.f32.msk $0xffff, v5;
	v5 =	vmul.f32 v8, v7  }
0x1f5: {  	v12 =	vld.idx.msk [tilespmem:v9+s0+$0x0], $0xffff  }
0x1f6: {  	v11 =	vmul.f32 v11, v13;
	[tilespmem:v6+s10+$0x0] =	vst.idx.add.f32.msk $0xffff, v5  }
0x1f7: {  	v14 =	vld.idx.msk [tilespmem:v4+s2+$0x0], $0xffff  }
0x1f8: {  	[tilespmem:v18+s9+$0x0] =	vst.idx.add.f32.msk $0xffff, v11  }
0x1f9: {  	v8 =	vld.idx.msk [tilespmem:v3+s21+$0x0], $0xffff  }
0x1fa: {  	v12 =	vmul.f32 v12, v2;
	v4 =	vld [tilespmem:s18+$0xFFFFFFF0]  }
0x1fb: {  	v5 =	vld [tilespmem:s19+$0xFFFFFFF0]  }
0x1fc: {  	[tilespmem:v1+s9+$0x0] =	vst.idx.add.f32.msk $0xffff, v12;
	v7 =	vmul.f32 v14, v7  }
0x1fd: {  	v12 =	vld.idx.msk [tilespmem:v9+s1+$0x0], $0xffff  }
0x1fe: {  	s22 =	simm.s32 $0x15BD0;
	[tilespmem:v6+s11+$0x0] =	vst.idx.add.f32.msk $0xffff, v7  }
0x1ff: {  	v7 =	vld [tilespmem:s22+$0x0]  }
0x200: {  	v11 =	vld.idx.msk [tilespmem:v10+s1+$0x0], $0xffff;
	v8 =	vmul.f32 v8, v5  }
0x201: {  	v6 =	vld [tilespmem:s22+$0xFFFFFFF0]  }
0x202: {  	s15 =	simm.s32 $0x19AD0;
	[tilespmem:v4+s8+$0x0] =	vst.idx.add.f32.msk $0xffff, v8  }
0x203: {  	v8 =	vmul.f32 v12, v2;
	v12 =	vld [tilespmem:s15+$0x0]  }
0x204: {  	v14 =	vld.idx.msk [tilespmem:v3+s0+$0x0], $0xffff  }
0x205: {  	s16 =	simm.s32 $0x1D9D0;
	[tilespmem:v1+s10+$0x0] =	vst.idx.add.f32.msk $0xffff, v8  }
0x206: {  	v16 =	vmul.f32 v11, v13;
	v8 =	vld [tilespmem:s16+$0x0]  }
0x207: {  	v15 =	vld.idx.msk [tilespmem:v7+s21+$0x0], $0xffff  }
0x208: {  	[tilespmem:v18+s10+$0x0] =	vst.idx.add.f32.msk $0xffff, v16  }
0x209: {  	v10 =	vld.idx.msk [tilespmem:v10+s2+$0x0], $0xffff  }
0x20a: {  	v11 =	vld [tilespmem:s16+$0xFFFFFFF0]  }
0x20b: {  	v16 =	vmul.f32 v14, v5;
	v14 =	vld [tilespmem:s15+$0xFFFFFFF0]  }
0x20c: {  	v17 =	vld.idx.msk [tilespmem:v6+s21+$0x0], $0xffff;
	v15 =	vmul.f32 v15, v8  }
0x20d: {  	[tilespmem:v4+s9+$0x0] =	vst.idx.add.f32.msk $0xffff, v16  }
0x20e: {  	v10 =	vmul.f32 v10, v13;
	[tilespmem:v12+s8+$0x0] =	vst.idx.add.f32.msk $0xffff, v15  }
0x20f: {  	v16 =	vld.idx.msk [tilespmem:v7+s0+$0x0], $0xffff  }
0x210: {  	v15 =	vld.idx.msk [tilespmem:v3+s1+$0x0], $0xffff  }
0x211: {  	v13 =	vld.idx.msk [tilespmem:v9+s2+$0x0], $0xffff  }
0x212: {  	s4 =	simm.s32 $0x4;
	s17 =	simm.s32 $0x15BF0;
	[tilespmem:v18+s11+$0x0] =	vst.idx.add.f32.msk $0xffff, v10;
	v10 =	vmov v12;
	v9 =	vmov v14;
	v17 =	vmul.f32 v17, v11  }
.LBB2_10:
0x213: {  	v18 =	vld [tilespmem:s17+$0x0];
	s4 =	sadd.s32 $0x2, s4  }
0x214: {  	v16 =	vmul.f32 v16, v8;
	v19 =	vld [tilespmem:s17+$0xFFFFFFF0];
	p0 =	slt.u32 s4, $0x1F2  }
0x215: {  	[tilespmem:v14+s8+$0x0] =	vst.idx.add.f32.msk $0xffff, v17;
	v14 =	vmul.f32 v15, v5  }
0x216: {  	v20 =	vmul.f32 v13, v2;
	v2 =	vmov v5;
	v5 =	vmov v11;
	[tilespmem:v12+s9+$0x0] =	vst.idx.add.f32.msk $0xffff, v16  }
0x217: {  	v11 =	vld.idx.msk [tilespmem:v7+s1+$0x0], $0xffff  }
0x218: {  	v13 =	vld.idx.msk [tilespmem:v6+s0+$0x0], $0xffff  }
0x219: {  	s15 =	sadd.s32 $0x20, s15;
	[tilespmem:v4+s10+$0x0] =	vst.idx.add.f32.msk $0xffff, v14  }
0x21a: {  	v12 =	vld [tilespmem:s15+$0x0]  }
0x21b: {  	s16 =	sadd.s32 $0x20, s16;
	v15 =	vld.idx.msk [tilespmem:v18+s21+$0x0], $0xffff  }
0x21c: {  	v21 =	vld [tilespmem:s16+$0x0]  }
0x21d: {  	v14 =	vmul.f32 v11, v8;
	v16 =	vld.idx.msk [tilespmem:v19+s21+$0x0], $0xffff  }
0x21e: {  	v13 =	vmul.f32 v13, v5;
	v11 =	vld [tilespmem:s16+$0xFFFFFFF0]  }
0x21f: {  	[tilespmem:v10+s10+$0x0] =	vst.idx.add.f32.msk $0xffff, v14  }
0x220: {  	v22 =	vld.idx.msk [tilespmem:v7+s2+$0x0], $0xffff;
	v7 =	vmov v18  }
0x221: {  	v14 =	vld [tilespmem:s15+$0xFFFFFFF0];
	v15 =	vmul.f32 v15, v21  }
0x222: {  	[tilespmem:v9+s9+$0x0] =	vst.idx.add.f32.msk $0xffff, v13  }
0x223: {  	v17 =	vmul.f32 v16, v11;
	[tilespmem:v12+s8+$0x0] =	vst.idx.add.f32.msk $0xffff, v15  }
.Ltmp4:
0x224: {  	v16 =	vld.idx.msk [tilespmem:v18+s0+$0x0], $0xffff;
	(pc) =	sbr.rel @p0 .LBB2_10-.Ltmp4, $4  }
0x225: {  	v15 =	vld.idx.msk [tilespmem:v6+s1+$0x0], $0xffff  }
0x226: {  	v18 =	vmul.f32 v22, v8;
	v8 =	vmovc v21;
	v13 =	vld.idx.msk [tilespmem:v3+s2+$0x0], $0xffff;
	v3 =	vmov v6;
	v6 =	vmov v19  }
0x227: {  	[tilespmem:v1+s11+$0x0] =	vst.idx.add.f32.msk $0xffff, v20;
	v1 =	vmov v4;
	v4 =	vmov v9;
	v9 =	vmov v14  }
0x228: {  	s17 =	sadd.s32 $0x20, s17;
	[tilespmem:v10+s11+$0x0] =	vst.idx.add.f32.msk $0xffff, v18;
	v10 =	vmov v12  }
0x229: {  	_ =	sdelay $0x3  }
0x22a: {  	[tilespmem:v14+s8+$0x0] =	vst.idx.add.f32.msk $0xffff, v17  }
0x22b: {  	v14 =	vld.idx.msk [tilespmem:v6+s0+$0x0], $0xffff;
	_ =	sdelay $0x2  }
0x22c: {  	v16 =	vmul.f32 v16, v8;
	_ =	sdelay $0x1  }
0x22d: {  	[tilespmem:v12+s9+$0x0] =	vst.idx.add.f32.msk $0xffff, v16;
	v14 =	vmul.f32 v14, v11  }
0x22e: {  	v12 =	vld.idx.msk [tilespmem:v7+s1+$0x0], $0xffff  }
0x22f: {  	[tilespmem:v9+s9+$0x0] =	vst.idx.add.f32.msk $0xffff, v14  }
0x230: {  	v14 =	vld.idx.msk [tilespmem:v6+s1+$0x0], $0xffff  }
0x231: {  	v15 =	vmul.f32 v15, v5;
	_ =	sdelay $0x1  }
0x232: {  	[tilespmem:v4+s10+$0x0] =	vst.idx.add.f32.msk $0xffff, v15;
	v12 =	vmul.f32 v12, v8  }
0x233: {  	v3 =	vld.idx.msk [tilespmem:v3+s2+$0x0], $0xffff  }
0x234: {  	[tilespmem:v10+s10+$0x0] =	vst.idx.add.f32.msk $0xffff, v12;
	v12 =	vmul.f32 v14, v11  }
0x235: {  	v7 =	vld.idx.msk [tilespmem:v7+s2+$0x0], $0xffff  }
0x236: {  	[tilespmem:v9+s10+$0x0] =	vst.idx.add.f32.msk $0xffff, v12  }
0x237: {  	v6 =	vld.idx.msk [tilespmem:v6+s2+$0x0], $0xffff  }
0x238: {  	v2 =	vmul.f32 v13, v2;
	_ =	sdelay $0x1  }
0x239: {  	[tilespmem:v1+s11+$0x0] =	vst.idx.add.f32.msk $0xffff, v2;
	v1 =	vmul.f32 v3, v5  }
0x23a: {  	v7 =	vmul.f32 v7, v8  }
0x23b: {  	[tilespmem:v4+s11+$0x0] =	vst.idx.add.f32.msk $0xffff, v1;
	v2 =	vmul.f32 v6, v11  }
0x23c: {  	[tilespmem:v10+s11+$0x0] =	vst.idx.add.f32.msk $0xffff, v7  }
0x23d: {  	[tilespmem:v9+s11+$0x0] =	vst.idx.add.f32.msk $0xffff, v2  }
0x23e: {  	_ =	swait.ge [sflag:s7], $0x1F40  }
0x23f: {  	[sflag:s7] =	ssyncset.done $0x0  }
0x240: {  	[sflag:s7] =	ssyncadd.s32 $0xFFFFE0C0  }
0x241: {  	_ =	swait.ge [sflag:s7], $0x1F40  }
0x242: {  	[sflag:s7] =	ssyncset.done $0x0  }
0x243: {  	[sflag:s7] =	ssyncadd.s32 $0xFFFFE0C0  }
0x244: {  	_ =	swait.ge [sflag:s7], $0x1F40  }
0x245: {  	[sflag:s7] =	ssyncset.done $0x0  }
0x246: {  	s4 =	simm.s32 $0x13C10;
	[sflag:s7] =	ssyncadd.s32 $0xFFFFE0C0  }
0x247: {  	v4 =	vld [tilespmem:s4+$0x0];
	_ =	sdelay $0x3  }
0x248: {  	s15 =	simm.s32 $0x17B10  }
0x249: {  	s17 =	simm.s32 $0x13C30;
	v6 =	vld [tilespmem:s15+$0x0]  }
0x24a: {  	s16 =	simm.s32 $0x1BA10;
	v10 =	vld [tilespmem:s17+$0x0]  }
0x24b: {  	v7 =	vld [tilespmem:s16+$0x0]  }
0x24c: {  	v1 =	vld.idx.msk [tilespmem:v4+s21+$0x0], $0xffff;
	_ =	sdelay $0x2  }
0x24d: {  	s18 =	simm.s32 $0x17B30;
	v9 =	vld [tilespmem:s4+$0xFFFFFFF0]  }
0x24e: {  	s19 =	simm.s32 $0x1BA30;
	v18 =	vld [tilespmem:s18+$0x0]  }
0x24f: {  	v13 =	vld [tilespmem:s19+$0x0];
	v1 =	vmul.f32 v1, v7  }
0x250: {  	v11 =	vld.idx.msk [tilespmem:v10+s21+$0x0], $0xffff  }
0x251: {  	[tilespmem:v6+s8+$0x0] =	vst.idx.add.f32.msk $0xffff, v1  }
0x252: {  	v3 =	vld.idx.msk [tilespmem:v4+s0+$0x0], $0xffff;
	_ =	sdelay $0x2  }
0x253: {  	v2 =	vld [tilespmem:s16+$0xFFFFFFF0]  }
0x254: {  	v5 =	vld.idx.msk [tilespmem:v9+s21+$0x0], $0xffff;
	v11 =	vmul.f32 v11, v13  }
0x255: {  	v1 =	vld [tilespmem:s15+$0xFFFFFFF0];
	v8 =	vmul.f32 v3, v7  }
0x256: {  	[tilespmem:v18+s8+$0x0] =	vst.idx.add.f32.msk $0xffff, v11  }
0x257: {  	[tilespmem:v6+s9+$0x0] =	vst.idx.add.f32.msk $0xffff, v8  }
0x258: {  	v8 =	vld.idx.msk [tilespmem:v4+s1+$0x0], $0xffff  }
0x259: {  	v11 =	vld.idx.msk [tilespmem:v10+s0+$0x0], $0xffff  }
0x25a: {  	v3 =	vld [tilespmem:s17+$0xFFFFFFF0]  }
0x25b: {  	v5 =	vmul.f32 v5, v2;
	_ =	sdelay $0x1  }
0x25c: {  	[tilespmem:v1+s8+$0x0] =	vst.idx.add.f32.msk $0xffff, v5;
	v5 =	vmul.f32 v8, v7  }
0x25d: {  	v12 =	vld.idx.msk [tilespmem:v9+s0+$0x0], $0xffff  }
0x25e: {  	v11 =	vmul.f32 v11, v13;
	[tilespmem:v6+s10+$0x0] =	vst.idx.add.f32.msk $0xffff, v5  }
0x25f: {  	v14 =	vld.idx.msk [tilespmem:v4+s2+$0x0], $0xffff  }
0x260: {  	[tilespmem:v18+s9+$0x0] =	vst.idx.add.f32.msk $0xffff, v11  }
0x261: {  	v8 =	vld.idx.msk [tilespmem:v3+s21+$0x0], $0xffff  }
0x262: {  	v12 =	vmul.f32 v12, v2;
	v4 =	vld [tilespmem:s18+$0xFFFFFFF0]  }
0x263: {  	v5 =	vld [tilespmem:s19+$0xFFFFFFF0]  }
0x264: {  	[tilespmem:v1+s9+$0x0] =	vst.idx.add.f32.msk $0xffff, v12;
	v7 =	vmul.f32 v14, v7  }
0x265: {  	v12 =	vld.idx.msk [tilespmem:v9+s1+$0x0], $0xffff  }
0x266: {  	s22 =	simm.s32 $0x13C50;
	[tilespmem:v6+s11+$0x0] =	vst.idx.add.f32.msk $0xffff, v7  }
0x267: {  	v7 =	vld [tilespmem:s22+$0x0]  }
0x268: {  	v11 =	vld.idx.msk [tilespmem:v10+s1+$0x0], $0xffff;
	v8 =	vmul.f32 v8, v5  }
0x269: {  	v6 =	vld [tilespmem:s22+$0xFFFFFFF0]  }
0x26a: {  	s15 =	simm.s32 $0x17B50;
	[tilespmem:v4+s8+$0x0] =	vst.idx.add.f32.msk $0xffff, v8  }
0x26b: {  	v8 =	vmul.f32 v12, v2;
	v12 =	vld [tilespmem:s15+$0x0]  }
0x26c: {  	v14 =	vld.idx.msk [tilespmem:v3+s0+$0x0], $0xffff  }
0x26d: {  	s16 =	simm.s32 $0x1BA50;
	[tilespmem:v1+s10+$0x0] =	vst.idx.add.f32.msk $0xffff, v8  }
0x26e: {  	v16 =	vmul.f32 v11, v13;
	v8 =	vld [tilespmem:s16+$0x0]  }
0x26f: {  	v15 =	vld.idx.msk [tilespmem:v7+s21+$0x0], $0xffff  }
0x270: {  	[tilespmem:v18+s10+$0x0] =	vst.idx.add.f32.msk $0xffff, v16  }
0x271: {  	v10 =	vld.idx.msk [tilespmem:v10+s2+$0x0], $0xffff  }
0x272: {  	v11 =	vld [tilespmem:s16+$0xFFFFFFF0]  }
0x273: {  	v16 =	vmul.f32 v14, v5;
	v14 =	vld [tilespmem:s15+$0xFFFFFFF0]  }
0x274: {  	v17 =	vld.idx.msk [tilespmem:v6+s21+$0x0], $0xffff;
	v15 =	vmul.f32 v15, v8  }
0x275: {  	[tilespmem:v4+s9+$0x0] =	vst.idx.add.f32.msk $0xffff, v16  }
0x276: {  	v10 =	vmul.f32 v10, v13;
	[tilespmem:v12+s8+$0x0] =	vst.idx.add.f32.msk $0xffff, v15  }
0x277: {  	v16 =	vld.idx.msk [tilespmem:v7+s0+$0x0], $0xffff  }
0x278: {  	v15 =	vld.idx.msk [tilespmem:v3+s1+$0x0], $0xffff  }
0x279: {  	v13 =	vld.idx.msk [tilespmem:v9+s2+$0x0], $0xffff  }
0x27a: {  	s4 =	simm.s32 $0x4;
	s17 =	simm.s32 $0x13C70;
	[tilespmem:v18+s11+$0x0] =	vst.idx.add.f32.msk $0xffff, v10;
	v10 =	vmov v12;
	v9 =	vmov v14;
	v17 =	vmul.f32 v17, v11  }
.LBB2_12:
0x27b: {  	v18 =	vld [tilespmem:s17+$0x0];
	s4 =	sadd.s32 $0x2, s4  }
0x27c: {  	v16 =	vmul.f32 v16, v8;
	v19 =	vld [tilespmem:s17+$0xFFFFFFF0];
	p0 =	slt.u32 s4, $0x1F2  }
0x27d: {  	[tilespmem:v14+s8+$0x0] =	vst.idx.add.f32.msk $0xffff, v17;
	v14 =	vmul.f32 v15, v5  }
0x27e: {  	v20 =	vmul.f32 v13, v2;
	v2 =	vmov v5;
	v5 =	vmov v11;
	[tilespmem:v12+s9+$0x0] =	vst.idx.add.f32.msk $0xffff, v16  }
0x27f: {  	v11 =	vld.idx.msk [tilespmem:v7+s1+$0x0], $0xffff  }
0x280: {  	v13 =	vld.idx.msk [tilespmem:v6+s0+$0x0], $0xffff  }
0x281: {  	s15 =	sadd.s32 $0x20, s15;
	[tilespmem:v4+s10+$0x0] =	vst.idx.add.f32.msk $0xffff, v14  }
0x282: {  	v12 =	vld [tilespmem:s15+$0x0]  }
0x283: {  	s16 =	sadd.s32 $0x20, s16;
	v15 =	vld.idx.msk [tilespmem:v18+s21+$0x0], $0xffff  }
0x284: {  	v21 =	vld [tilespmem:s16+$0x0]  }
0x285: {  	v14 =	vmul.f32 v11, v8;
	v16 =	vld.idx.msk [tilespmem:v19+s21+$0x0], $0xffff  }
0x286: {  	v13 =	vmul.f32 v13, v5;
	v11 =	vld [tilespmem:s16+$0xFFFFFFF0]  }
0x287: {  	[tilespmem:v10+s10+$0x0] =	vst.idx.add.f32.msk $0xffff, v14  }
0x288: {  	v22 =	vld.idx.msk [tilespmem:v7+s2+$0x0], $0xffff;
	v7 =	vmov v18  }
0x289: {  	v14 =	vld [tilespmem:s15+$0xFFFFFFF0];
	v15 =	vmul.f32 v15, v21  }
0x28a: {  	[tilespmem:v9+s9+$0x0] =	vst.idx.add.f32.msk $0xffff, v13  }
0x28b: {  	v17 =	vmul.f32 v16, v11;
	[tilespmem:v12+s8+$0x0] =	vst.idx.add.f32.msk $0xffff, v15  }
.Ltmp5:
0x28c: {  	v16 =	vld.idx.msk [tilespmem:v18+s0+$0x0], $0xffff;
	(pc) =	sbr.rel @p0 .LBB2_12-.Ltmp5, $4  }
0x28d: {  	v15 =	vld.idx.msk [tilespmem:v6+s1+$0x0], $0xffff  }
0x28e: {  	v18 =	vmul.f32 v22, v8;
	v8 =	vmovc v21;
	v13 =	vld.idx.msk [tilespmem:v3+s2+$0x0], $0xffff;
	v3 =	vmov v6;
	v6 =	vmov v19  }
0x28f: {  	[tilespmem:v1+s11+$0x0] =	vst.idx.add.f32.msk $0xffff, v20;
	v1 =	vmov v4;
	v4 =	vmov v9;
	v9 =	vmov v14  }
0x290: {  	s17 =	sadd.s32 $0x20, s17;
	[tilespmem:v10+s11+$0x0] =	vst.idx.add.f32.msk $0xffff, v18;
	v10 =	vmov v12  }
0x291: {  	_ =	sdelay $0x3  }
0x292: {  	[tilespmem:v14+s8+$0x0] =	vst.idx.add.f32.msk $0xffff, v17  }
0x293: {  	v14 =	vld.idx.msk [tilespmem:v6+s0+$0x0], $0xffff;
	_ =	sdelay $0x2  }
0x294: {  	v16 =	vmul.f32 v16, v8;
	_ =	sdelay $0x1  }
0x295: {  	[tilespmem:v12+s9+$0x0] =	vst.idx.add.f32.msk $0xffff, v16;
	v14 =	vmul.f32 v14, v11  }
0x296: {  	v12 =	vld.idx.msk [tilespmem:v7+s1+$0x0], $0xffff  }
0x297: {  	[tilespmem:v9+s9+$0x0] =	vst.idx.add.f32.msk $0xffff, v14  }
0x298: {  	v14 =	vld.idx.msk [tilespmem:v6+s1+$0x0], $0xffff  }
0x299: {  	v15 =	vmul.f32 v15, v5;
	_ =	sdelay $0x1  }
0x29a: {  	[tilespmem:v4+s10+$0x0] =	vst.idx.add.f32.msk $0xffff, v15;
	v12 =	vmul.f32 v12, v8  }
0x29b: {  	v3 =	vld.idx.msk [tilespmem:v3+s2+$0x0], $0xffff  }
0x29c: {  	[tilespmem:v10+s10+$0x0] =	vst.idx.add.f32.msk $0xffff, v12;
	v62 =	vmul.f32 v14, v11  }
0x29d: {  	v61 =	vld.idx.msk [tilespmem:v7+s2+$0x0], $0xffff  }
0x29e: {  	[tilespmem:v9+s10+$0x0] =	vst.idx.add.f32.msk $0xffff, v62  }
0x29f: {  	v63 =	vld.idx.msk [tilespmem:v6+s2+$0x0], $0xffff  }
0x2a0: {  	v2 =	vmul.f32 v13, v2;
	_ =	sdelay $0x1  }
0x2a1: {  	[tilespmem:v1+s11+$0x0] =	vst.idx.add.f32.msk $0xffff, v2;
	v1 =	vmul.f32 v3, v5  }
0x2a2: {  	v7 =	vmul.f32 v61, v8  }
0x2a3: {  	[tilespmem:v4+s11+$0x0] =	vst.idx.add.f32.msk $0xffff, v1;
	v2 =	vmul.f32 v63, v11  }
0x2a4: {  	[tilespmem:v10+s11+$0x0] =	vst.idx.add.f32.msk $0xffff, v7  }
0x2a5: {  	[tilespmem:v9+s11+$0x0] =	vst.idx.add.f32.msk $0xffff, v2  }
0x2a6: {  	s4 =	rddreg [dreg:$0x16]  }
0x2a7: {  	[hbm4b:s4+s31] =	stream.strided.scatter [tilespmem:s8], [sflag:$0x4], $0x2780, s20, s31, $0x38;
	[tilespmem:$0x1F900] =	vst v63  }
0x2a8: {  	_ =	swait.ge [sflag:s13], $0x2780  }
0x2a9: {  	[sflag:s13] =	ssyncset.done $0x0  }
0x2aa: {  	[sflag:s13] =	ssyncadd.s32 $0xFFFFD880  }
0x2ab: {  	[hbm4b:s23+s31] =	stream.strided.scatter [tilespmem:s9], [sflag:$0x4], $0x2780, s20, s31, $0x38;
	[tilespmem:$0x1F900] =	vst v63  }
0x2ac: {  	_ =	swait.ge [sflag:s13], $0x2780  }
0x2ad: {  	[sflag:s13] =	ssyncset.done $0x0  }
0x2ae: {  	[sflag:s13] =	ssyncadd.s32 $0xFFFFD880  }
0x2af: {  	[hbm4b:s24+s31] =	stream.strided.scatter [tilespmem:s10], [sflag:$0x4], $0x2780, s20, s31, $0x38;
	[tilespmem:$0x1F900] =	vst v63  }
0x2b0: {  	s14 =	sadd.s32 $0x1, s14;
	_ =	swait.ge [sflag:s13], $0x2780  }
0x2b1: {  	p0 =	sne.s32 s14, s26;
	[sflag:s13] =	ssyncset.done $0x0  }
.Ltmp6:
0x2b2: {  	[sflag:s13] =	ssyncadd.s32 $0xFFFFD880;
	(pc) =	sbr.rel @p0 .LBB2_1-.Ltmp6, $4  }
0x2b3: {  	[hbm4b:s25+s31] =	stream.strided.scatter [tilespmem:s11], [sflag:$0x4], $0x2780, s20, s31, $0x38;
	[tilespmem:$0x1F900] =	vst v63  }
0x2b4: {  	_ =	swait.ge [sflag:s13], $0x2780  }
0x2b5: {  	[sflag:s13] =	ssyncset.done $0x0  }
0x2b6: {  	[sflag:s13] =	ssyncadd.s32 $0xFFFFD880  }
0x2b7: {  	_ =	sfence.sel $0x180000  }
0x2b8: {  	[bflag:$0x0] =	sbarrier.arrive $0xFFFF  }
0x2b9: {  	_ =	strace $0x9000004A  }
0x2ba: {  	s0 =	stileid.u32;
	[bflag:$0x2] =	sbarrier.arrive $0xFFFF  }
0x2bb: {  	p0 =	sne.s32 s0, $0x0;
	s0 =	rddreg [dreg:$0x2]  }
0x2bc: {  	s0 =	sadd.s32 @!p0 $0x100000, s0  }
0x2bd: {  	[sflag:s0] =	ssyncadd.tile.s32 @!p0 $0x1;
	_ =	shalt  }
.Lfunc_end2:
_tile_overlayer_lowered:
.L_overlay_start_2:
0x2be: {  	(tag) =	ssettag $0x2  }
0x2bf: {  	s0 =	rddreg [dreg:$0x0];
	s2 =	stileid.u32  }
0x2c0: {  	s1 =	rddreg [dreg:$0x1];
	p0 =	sne.s32 s2, $0x0  }
0x2c1: {  	s3 =	rddreg [dreg:$0x2];
	[bflag:$0x3] =	sbarrier.arrive $0xFFFF;
	s2 =	simm.s32 @!p0 $0x1C04  }
0x2c2: {  	[timem:s3], [sflag:s2] =	dma.local @!p0 [hbm:s0], s1  }
0x2c3: {  	s0 =	simm.s32 @!p0 $0x4  }
0x2c4: {  	_ =	swait.ge @!p0 [sflag:s0], s1  }
0x2c5: {  	s1 =	ssub.s32 @!p0 $0x0, s1;
	[sflag:s0] =	ssyncset.done @!p0 $0x0  }
0x2c6: {  	[sflag:s0] =	ssyncadd.s32 @!p0 s1  }
0x2c7: {  	[bflag:$0x3] =	sbarrier.arrive $0xFFFF  }
0x2c8: {  	_ =	shalt  }

// kernel: kernel.14.cloned.1.call-start
scs
__scs_entry_jumppad:
0x0: {  	(pc) =	sbr.rel $0x88, $3  }
0x1: {  	(tag) =	ssettag $0x0;
	lr =	simm.s32 $0x1  }
0x2: {  	[smem:$0x3F98] =	sst lr;
	_ =	strace $0xD0000000  }
0x3: {  	_ = 	snop  }
0x4: {  	_ = 	snop  }
0x5: {  	_ = 	snop  }
0x6: {  	_ = 	snop  }
0x7: {  	_ = 	snop  }
__scs_overlays_trampoline_lowered:
0x8: {  	[smem:$0x3FA7] =	sst s0  }
0x9: {  	[smem:$0x3FA8] =	sst s1  }
0xa: {  	[smem:$0x3FA9] =	sst s2  }
0xb: {  	[smem:$0x3FAA] =	sst s3  }
0xc: {  	[smem:$0x3FAB] =	sst s4  }
0xd: {  	[smem:$0x3FAC] =	sst s5  }
0xe: {  	[smem:$0x3FAD] =	sst s6  }
0xf: {  	[smem:$0x3FAE] =	sst s7  }
0x10: {  	[smem:$0x3FAF] =	sst s8  }
0x11: {  	[smem:$0x3FB0] =	sst s9;
	s0 =	simm.s32 @!p0 $0x0  }
0x12: {  	s1 =	sld [smem:$0x3F96];
	s0 =	simm.s32 @p0 $0x1  }
0x13: {  	[smem:$0x3FB1] =	sst s0;
	s0 =	simm.s32 @!p1 $0x0  }
0x14: {  	s2 =	sld [smem:$0x3F95];
	s0 =	simm.s32 @p1 $0x1  }
0x15: {  	[smem:$0x3FB2] =	sst s0;
	s0 =	simm.s32 @!p2 $0x0  }
0x16: {  	s3 =	sld [smem:$0x3FDB];
	s0 =	simm.s32 @p2 $0x1  }
0x17: {  	s4 =	simm.s32 $0x1BF5;
	[smem:$0x3FB4] =	sst s0  }
0x18: {  	s0 =	sld [smem:$0x3F97];
	_ =	swait.ge [sflag:s4], $0x0  }
0x19: {  	s7 =	sld [smem:$0x3F98]  }
0x1a: {  	s8 =	sadd.s32 $0xFFFFE003, lr  }
0x1b: {  	s9 =	sadd.s32 $0xFFFFFEF7, lr;
	s5 =	simm.s32 $0xFFFFFFFF;
	p2 =	slt.u32 s8, $0xFFFFF086  }
0x1c: {  	p1 =	slt.u32 s9, $0xF7A;
	s5 =	simm.s32 @!p2 $0x0  }
0x1d: {  	s5 =	simm.s32 @p1 $0x1;
	p0 =	seq.s32 s7, s2  }
0x1e: {  	s7 =	smul.u32 @!p0 $0xF7A, s2;
	p2 =	seq.s32 @!p0 s5, $0x0  }
0x1f: {  	s9 =	smul.u32 $0xF7A, s1;
	s8 =	simm.s32 @!p0 $0x1BF5;
	p2 =	por !p2, p0  }
0x20: {  	[sflag:s8] =	ssyncset.s32 @!p0 $0xFFFFF086;
	s6 =	sadd.s32 @!p0 s3, s7;
	s7 =	simm.s32 @!p0 $0x108  }
0x21: {  	s3 =	sadd.s32 s3, s9;
	s6 =	sadd.s32 @!p0 $0x88, s6;
	s7 =	simm.s32 @p2 $0x1082  }
0x22: {  	[simem:s7], [sflag:s8] =	dma.local @!p0 [hbm:s6], $0xF7A  }
0x23: {  	s9 =	sor.u32 $0xD0000000, s2;
	s6 =	simm.s32 $0x108;
	_ =	swait.ge @!p0 [sflag:s8], $0x0  }
0x24: {  	s3 =	sadd.s32 $0x88, s3;
	s6 =	simm.s32 @!p1 $0x1082;
	[sflag:s4] =	ssyncset.s32 $0xFFFFF086  }
0x25: {  	[simem:s6], [sflag:s4] =	dma.local [hbm:s3], $0xF7A  }
0x26: {  	[smem:$0x3F98] =	sst s1;
	(tag) =	ssettag s2;
	_ =	strace s9  }
0x27: {  	s1 =	sld [smem:$0x3FA8]  }
0x28: {  	s2 =	sld [smem:$0x3FA9]  }
0x29: {  	s4 =	sld [smem:$0x3FAB]  }
0x2a: {  	p0 =	seq.s32 s5, $0x0;
	s5 =	sld [smem:$0x3FAC]  }
0x2b: {  	s6 =	sld [smem:$0x3FAD]  }
0x2c: {  	s7 =	sld [smem:$0x3FAE]  }
0x2d: {  	s3 =	simm.s32 $0x108;
	s8 =	sld [smem:$0x3FAF]  }
0x2e: {  	s3 =	simm.s32 @!p0 $0x1082;
	s9 =	sld [smem:$0x3FB0]  }
0x2f: {  	lr =	sadd.s32 s0, s3;
	s0 =	sld [smem:$0x3FA7]  }
0x30: {  	s3 =	sld [smem:$0x3FAA]  }
0x31: {  	[smem:$0x3FB3] =	sst s10  }
0x32: {  	s10 =	sld [smem:$0x3FB1];
	_ =	sdelay $0x3  }
0x33: {  	p0 =	seq.s32 s10, $0x1;
	s10 =	sld [smem:$0x3FB3];
	_ =	sdelay $0x3  }
0x34: {  	[smem:$0x3FB3] =	sst s10  }
0x35: {  	s10 =	sld [smem:$0x3FB2];
	_ =	sdelay $0x3  }
0x36: {  	p1 =	seq.s32 s10, $0x1;
	s10 =	sld [smem:$0x3FB3];
	_ =	sdelay $0x3  }
0x37: {  	[smem:$0x3FB3] =	sst s10  }
0x38: {  	s10 =	sld [smem:$0x3FB4]  }
0x39: {  	_ = 	snop;
	(pc) =	sbr.ind lr, $3  }
0x3a: {  	_ = 	snop  }
0x3b: {  	_ = 	snop  }
0x3c: {  	p2 =	seq.s32 s10, $0x1;
	s10 =	sld [smem:$0x3FB3]  }
0x3d: {  	_ =	shalt  }
0x3e: {  	_ =	shalt  }
0x3f: {  	_ =	shalt  }
0x40: {  	_ =	shalt  }
0x41: {  	_ =	shalt  }
0x42: {  	_ =	shalt  }
0x43: {  	_ =	shalt  }
0x44: {  	_ =	shalt  }
0x45: {  	_ =	shalt  }
0x46: {  	_ =	shalt  }
0x47: {  	_ =	shalt  }
0x48: {  	_ =	shalt  }
0x49: {  	_ =	shalt  }
0x4a: {  	_ =	shalt  }
0x4b: {  	_ =	shalt  }
0x4c: {  	_ =	shalt  }
0x4d: {  	_ =	shalt  }
0x4e: {  	_ =	shalt  }
0x4f: {  	_ =	shalt  }
0x50: {  	_ =	shalt  }
0x51: {  	_ =	shalt  }
0x52: {  	_ =	shalt  }
0x53: {  	_ =	shalt  }
0x54: {  	_ =	shalt  }
0x55: {  	_ =	shalt  }
0x56: {  	_ =	shalt  }
0x57: {  	_ =	shalt  }
0x58: {  	_ =	shalt  }
0x59: {  	_ =	shalt  }
0x5a: {  	_ =	shalt  }
0x5b: {  	_ =	shalt  }
0x5c: {  	_ =	shalt  }
0x5d: {  	_ =	shalt  }
0x5e: {  	_ =	shalt  }
0x5f: {  	_ =	shalt  }
0x60: {  	_ =	shalt  }
0x61: {  	_ =	shalt  }
0x62: {  	_ =	shalt  }
0x63: {  	_ =	shalt  }
0x64: {  	_ =	shalt  }
0x65: {  	_ =	shalt  }
0x66: {  	_ =	shalt  }
0x67: {  	_ =	shalt  }
0x68: {  	_ =	shalt  }
0x69: {  	_ =	shalt  }
0x6a: {  	_ =	shalt  }
0x6b: {  	_ =	shalt  }
0x6c: {  	_ =	shalt  }
0x6d: {  	_ =	shalt  }
0x6e: {  	_ =	shalt  }
0x6f: {  	_ =	shalt  }
0x70: {  	_ =	shalt  }
0x71: {  	_ =	shalt  }
0x72: {  	_ =	shalt  }
0x73: {  	_ =	shalt  }
0x74: {  	_ =	shalt  }
0x75: {  	_ =	shalt  }
0x76: {  	_ =	shalt  }
0x77: {  	_ =	shalt  }
0x78: {  	_ =	shalt  }
0x79: {  	_ =	shalt  }
0x7a: {  	_ =	shalt  }
0x7b: {  	_ =	shalt  }
0x7c: {  	_ =	shalt  }
0x7d: {  	_ =	shalt  }
0x7e: {  	_ =	shalt  }
0x7f: {  	_ =	shalt  }
0x80: {  	_ =	shalt  }
0x81: {  	_ =	shalt  }
0x82: {  	_ =	shalt  }
0x83: {  	_ =	shalt  }
0x84: {  	_ =	shalt  }
0x85: {  	_ =	shalt  }
0x86: {  	_ =	shalt  }
0x87: {  	_ =	shalt  }
.Lfunc_end0:
.L_simem_size_0:
called_computation.2_lowered:
.L_overlay_start_0:
0x88: {  	s2 =	sld [smem:$0x3FD9]  }
0x89: {  	s3 =	sld [smem:$0x3FFE];
	_ =	sdelay $0x1  }
0x8a: {  	s1 =	srdreg.scid  }
0x8b: {  	s0 =	sand.u32 $0x1, s1  }
0x8c: {  	s17 =	sshll.u32 s0, $0xA;
	s2 =	sadd.s32 s3, s2  }
0x8d: {  	s2 =	sadd.s32 s2, s17  }
0x8e: {  	[smem:$0x3FBF] =	sst s2  }
0x8f: {  	_ = 	snop  }
0x90: {  	s2 =	sld [smem:$0x3FC7];
	(tm) =	ssettm $0x1  }
0x91: {  	s18 =	sld [smem:$0x3FFB];
	_ =	sdelay $0x3  }
0x92: {  	_ =	strace s18  }
0x93: {  	s3 =	sld [smem:$0x3FFC];
	_ =	sdelay $0x3  }
0x94: {  	_ =	strace s3  }
0x95: {  	s3 =	sld [smem:$0x3FFD];
	_ =	sdelay $0x3  }
0x96: {  	_ =	strace s3  }
0x97: {  	_ =	strace $0x8FFFFFFF  }
0x98: {  	s19 =	sld [smem:$0x3FDB];
	_ =	sdelay $0x1  }
0x99: {  	s4 =	simm.s32 $_scs_section_size  }
0x9a: {  	s5 =	simm.s32 $_size__tile_overlayer_lowered;
	s6 =	simm.s32 $_tile_overlayer_lowered  }
0x9b: {  	s22 =	simm.s32 $0x1BFF;
	s21 =	sshll.u32 s6, $0x1;
	s3 =	sadd.s32 s4, s19  }
0x9c: {  	s7 =	simm.s32 $0x0;
	s20 =	sshll.u32 s5, $0x1;
	s5 =	sadd.s32 s21, s3  }
0x9d: {  	[timem:s7], [sflag:s22] =	dma.local [hbm:s5], s20  }
0x9e: {  	_ =	swait.ge [sflag:s22], s20  }
0x9f: {  	s4 =	ssub.s32 $0x0, s20;
	[sflag:s22] =	ssyncset.done $0x0  }
0xa0: {  	[sflag:s22] =	ssyncadd.s32 s4;
	_ =	sdelay $0x1  }
0xa1: {  	s23 =	simm.s32 $0x1B8B  }
0xa2: {  	_ =	swait.ge [sflag:s23], $0x1  }
0xa3: {  	[sflag:s23] =	ssyncset.done $0x0  }
0xa4: {  	s25 =	simm.s32 $0x1B8E;
	s24 =	sld [smem:$0x3FFE];
	[sflag:s23] =	ssyncadd.s32 $0xFFFFFFFF  }
0xa5: {  	s26 =	simm.s32 $execute0_lowered;
	[smem:$0x3FD2] =	sst s25  }
0xa6: {  	s5 =	sshll.u32 s26, $0x1;
	_ =	strace $0x8000004C;
	[dreg:$0x1] =	wrdreg $0xFFFFFFFF  }
0xa7: {  	s28 =	simm.s32 $_size_execute0_lowered;
	s3 =	sadd.s32 s3, s5;
	[dreg:$0x0] =	wrdreg $0x0  }
0xa8: {  	s5 =	sshll.u32 s28, $0x1;
	[dreg:$0x2] =	wrdreg s3  }
0xa9: {  	[dreg:$0x3] =	wrdreg s5  }
0xaa: {  	[dreg:$0x4] =	wrdreg $0xC0  }
0xab: {  	_ =	task [dreg:s7], $0x5FFFF  }
0xac: {  	[dreg:$0x1] =	wrdreg $0xFFFFFFFF  }
0xad: {  	[dreg:$0x0] =	wrdreg $0x60  }
0xae: {  	[dreg:$0x2] =	wrdreg s24  }
0xaf: {  	[dreg:$0x3] =	wrdreg s2  }
0xb0: {  	[dreg:$0x4] =	wrdreg $0x9  }
0xb1: {  	_ =	task.clear_ibuf [dreg:s7], $0x5FFFF;
	_ =	strace $0x9000004C  }
0xb2: {  	s29 =	simm.s32 $0x9;
	_ =	strace $0x8000004E  }
0xb3: {  	_ =	swait.ge [sflag:s29], $0x1  }
0xb4: {  	[sflag:s29] =	ssyncadd.s32 $0xFFFFFFFF  }
0xb5: {  	_ =	strace $0x9000004E  }
0xb6: {  	_ =	sfence  }
0xb7: {  	s30 =	sld [smem:$0x0];
	_ =	sdelay $0x2  }
0xb8: {  	s31 =	sshll.u32 s1, $0xD;
	s1 =	sshrl.u32 s1, $0x2  }
0xb9: {  	s3 =	sand.u32 $0x4000, s31;
	s1 =	sadd.s32 s1, s30  }
0xba: {  	s0 =	sor.u32 s3, s0;
	s1 =	sshll.u32 s1, $0x11  }
0xbb: {  	s0 =	sor.u32 s1, s0  }
0xbc: {  	s0 =	sadd.s32 $0x8F2B, s0  }
0xbd: {  	[sflag:s0] =	ssyncadd.remote.s32 $0x1  }
0xbe: {  	_ =	sfence.sel $0xFFFF  }
0xbf: {  	[dreg:$0x0] =	wrdreg $0xFFFFFFFF;
	(pc) =	sbr.abs _section_cstart, $3  }
0xc0: {  	[dreg:$0x1] =	wrdreg $0xFFFFFFFF  }
0xc1: {  	_ =	task.clear_ibuf [dreg:s7], $0x2FFFF;
	_ =	strace $0x9FFFFFFF  }
0xc2: {  	(tm) =	ssettm $0x7FFFFFFF  }
0xc3: {  	_ =	shalt  }
tec
execute0_lowered:
.L_overlay_start_1:
0x0: {  	(tag) =	ssettag $0x1  }
0x1: {  	s0 =	rddreg [dreg:$0x0];
	s10 =	stileid.u32  }
0x2: {  	s1 =	rddreg [dreg:$0x1];
	s2 =	srdreg.scid;
	s28 =	simm.s32 $0x13C00  }
0x3: {  	s29 =	simm.s32 $0x17B00;
	s30 =	simm.s32 $0x1BA00;
	s31 =	simm.s32 $0x80  }
0x4: {  	s3 =	sshrl.u32 s10, $0x1;
	s4 =	sadd.s32 $0x16000, s0;
	s2 =	sand.u32 $0x1, s2  }
0x5: {  	s5 =	sadd.s32 $0x2400, s0;
	s6 =	sadd.s32 $0xC200, s0;
	s8 =	sshll.u32 s10, $0x1E  }
0x6: {  	s10 =	sshll.u32 s10, $0x9;
	s0 =	sadd.s32 $0x1B000, s0;
	s3 =	sand.u32 $0x6, s3  }
0x7: {  	s8 =	sshra.s32 s8, $0x1F;
	s10 =	sand.u32 $0x200, s10;
	s3 =	sor.u32 s2, s3  }
0x8: {  	s2 =	ssub.s32 $0x2, s2;
	s8 =	sand.u32 $0x13C00, s8;
	s13 =	sor.u32 $0x180, s10  }
0x9: {  	s7 =	smul.u32 $0x9C40, s3;
	s9 =	sshrl.u32 s2, $0x1;
	s23 =	sor.u32 s10, s8  }
0xa: {  	s14 =	sor.u32 s13, s8;
	s3 =	smul.u32 $0x27800, s3;
	s2 =	ssub.s32 s2, s9  }
0xb: {  	s9 =	sshrl.u32 s23, $0x3;
	s14 =	sshrl.u32 s14, $0x3;
	s7 =	sshrl.u32 s7, $0x3  }
0xc: {  	s9 =	sadd.s32 s4, s9;
	s3 =	sadd.s32 s8, s3;
	s22 =	sadd.s32 s5, s7  }
0xd: {  	s11 =	sadd.s32 s6, s7;
	s12 =	sadd.s32 s1, s7;
	[dreg:$0x6] =	wrdreg s9  }
0xe: {  	s15 =	sadd.s32 $0x3E8, s7;
	s18 =	sadd.s32 $0xBB8, s7;
	[dreg:$0x3] =	wrdreg s22  }
0xf: {  	s23 =	sor.u32 s10, s3;
	[dreg:$0x4] =	wrdreg s11;
	s11 =	sor.u32 $0x80, s10  }
0x10: {  	[dreg:$0x5] =	wrdreg s12;
	s12 =	sor.u32 $0x100, s10;
	s26 =	sadd.s32 s5, s15  }
0x11: {  	s19 =	sadd.s32 s5, s18;
	s20 =	sadd.s32 s6, s18;
	[dreg:$0xa] =	wrdreg s26  }
0x12: {  	s10 =	simm.s32 $0xED00;
	s24 =	sor.u32 s11, s8;
	[dreg:$0x10] =	wrdreg s19  }
0x13: {  	s25 =	sor.u32 s12, s8;
	[dreg:$0x11] =	wrdreg s20;
	s9 =	sshrl.u32 s24, $0x3  }
0x14: {  	s20 =	simm.s32 $0x400;
	s8 =	simm.s32 $0x9E00;
	s9 =	sadd.s32 s4, s9  }
0x15: {  	s24 =	sor.u32 s11, s3;
	s11 =	simm.s32 $0x11480;
	[dreg:$0x7] =	wrdreg s9  }
0x16: {  	s9 =	sshrl.u32 s25, $0x3;
	s25 =	sor.u32 s12, s3;
	s3 =	sor.u32 s13, s3  }
0x17: {  	s12 =	simm.s32 $0x2;
	s13 =	simm.s32 $0x4;
	s9 =	sadd.s32 s4, s9  }
0x18: {  	s4 =	sadd.s32 s4, s14;
	s14 =	sadd.s32 $0x7D0, s7;
	[dreg:$0x8] =	wrdreg s9  }
0x19: {  	s7 =	sadd.s32 $0xFA0, s7;
	[dreg:$0x9] =	wrdreg s4;
	s9 =	sadd.s32 s6, s15  }
0x1a: {  	s26 =	sshrl.u32 s25, $0x3;
	s15 =	sadd.s32 s1, s15;
	[dreg:$0xb] =	wrdreg s9  }
0x1b: {  	s3 =	sshrl.u32 s3, $0x3;
	s16 =	sadd.s32 s5, s14;
	[dreg:$0xc] =	wrdreg s15  }
0x1c: {  	s17 =	sadd.s32 s6, s14;
	s4 =	sadd.s32 s1, s14;
	[dreg:$0xd] =	wrdreg s16  }
0x1d: {  	s21 =	sadd.s32 s5, s7;
	s22 =	sadd.s32 s6, s7;
	[dreg:$0xe] =	wrdreg s17  }
0x1e: {  	s25 =	sadd.s32 s0, s3;
	s3 =	simm.s32 $0x3;
	[dreg:$0xf] =	wrdreg s4  }
0x1f: {  	s5 =	simm.s32 $0x19A80;
	s6 =	simm.s32 $0x1D980;
	[dreg:$0x13] =	wrdreg s21  }
0x20: {  	s14 =	simm.s32 $0x0;
	s4 =	sadd.s32 s1, s18;
	[dreg:$0x14] =	wrdreg s22  }
0x21: {  	s1 =	sadd.s32 s1, s7;
	s21 =	simm.s32 $0x0;
	[dreg:$0x12] =	wrdreg s4  }
0x22: {  	s7 =	simm.s32 $0x1;
	s9 =	simm.s32 $0xC580;
	[dreg:$0x15] =	wrdreg s1  }
0x23: {  	s1 =	sshrl.u32 s23, $0x3;
	s4 =	sshrl.u32 s24, $0x3;
	[smem:$0x7FF] =	sst s21  }
0x24: {  	s24 =	sadd.s32 s0, s26;
	s26 =	smax.u32 s2, $0x1;
	s1 =	sadd.s32 s0, s1  }
0x25: {  	s2 =	simm.s32 $0x7680;
	s23 =	sadd.s32 s0, s4;
	[dreg:$0x16] =	wrdreg s1  }
0x26: {  	v0 =	vimm.f32 $0.0e+00;
	s0 =	simm.s32 $0x2780;
	s1 =	simm.s32 $0x4F00;
	_ =	strace $0x8000004D  }
.LBB2_1:
0x27: {  	s4 =	rddreg [dreg:$0x3]  }
0x28: {  	[tilespmem:s28], [sflag:$0x1] =	stream.linear.gather [hbm4b:s4+s21], $0x1F40, $0x38;
	[tilespmem:$0x1F900] =	vst v63  }
0x29: {  	s15 =	rddreg [dreg:$0x4]  }
0x2a: {  	[tilespmem:s29], [sflag:$0x1] =	stream.linear.gather [hbm4b:s15+s21], $0x1F40, $0x38;
	[tilespmem:$0x1F900] =	vst v63  }
0x2b: {  	s16 =	rddreg [dreg:$0x5]  }
0x2c: {  	[tilespmem:s30], [sflag:$0x1] =	stream.linear.gather [hbm4b:s16+s21], $0x1F40, $0x38;
	[tilespmem:$0x1F900] =	vst v63  }
0x2d: {  	s17 =	rddreg [dreg:$0x6]  }
0x2e: {  	[tilespmem:s21], [sflag:$0x3] =	stream.strided.gather [hbm4b:s17+s31], $0x2780, s20, s31, $0x38;
	[tilespmem:$0x1F900] =	vst v63  }
0x2f: {  	s18 =	rddreg [dreg:$0x7]  }
0x30: {  	[tilespmem:s0], [sflag:$0x3] =	stream.strided.gather [hbm4b:s18+s31], $0x2780, s20, s31, $0x38;
	[tilespmem:$0x1F900] =	vst v63  }
0x31: {  	s19 =	rddreg [dreg:$0x8]  }
0x32: {  	[tilespmem:s1], [sflag:$0x3] =	stream.strided.gather [hbm4b:s19+s31], $0x2780, s20, s31, $0x38;
	[tilespmem:$0x1F900] =	vst v63  }
0x33: {  	s22 =	rddreg [dreg:$0x9];
	s17 =	simm.s32 $0x9E40  }
0x34: {  	[tilespmem:s2], [sflag:$0x3] =	stream.strided.gather [hbm4b:s22+s31], $0x2780, s20, s31, $0x38;
	[tilespmem:$0x1F900] =	vst v63  }
0x35: {  	[tilespmem:s17+$0x30] =	vst v0  }
0x36: {  	[tilespmem:s17+$0xFFFFFFE0] =	vst v0  }
0x37: {  	[tilespmem:s17+$0xFFFFFFF0] =	vst v0  }
0x38: {  	[tilespmem:s17+$0x0] =	vst v0  }
0x39: {  	[tilespmem:s17+$0xFFFFFFC0] =	vst v0  }
0x3a: {  	[tilespmem:s17+$0x10] =	vst v0  }
0x3b: {  	[tilespmem:s17+$0x20] =	vst v0  }
0x3c: {  	s16 =	simm.s32 $0xC5C0;
	[tilespmem:s17+$0xFFFFFFD0] =	vst v0  }
0x3d: {  	[tilespmem:s16+$0x30] =	vst v0  }
0x3e: {  	[tilespmem:s16+$0xFFFFFFC0] =	vst v0  }
0x3f: {  	[tilespmem:s16+$0x10] =	vst v0  }
0x40: {  	[tilespmem:s16+$0xFFFFFFD0] =	vst v0  }
0x41: {  	[tilespmem:s16+$0x20] =	vst v0  }
0x42: {  	[tilespmem:s16+$0x0] =	vst v0  }
0x43: {  	s15 =	simm.s32 $0xED40;
	[tilespmem:s16+$0xFFFFFFF0] =	vst v0  }
0x44: {  	[tilespmem:s15+$0x30] =	vst v0  }
0x45: {  	[tilespmem:s15+$0xFFFFFFC0] =	vst v0  }
0x46: {  	[tilespmem:s15+$0x10] =	vst v0  }
0x47: {  	[tilespmem:s15+$0xFFFFFFD0] =	vst v0  }
0x48: {  	[tilespmem:s15+$0x20] =	vst v0  }
0x49: {  	[tilespmem:s15+$0x0] =	vst v0  }
0x4a: {  	s18 =	simm.s32 $0x114C0;
	[tilespmem:s15+$0xFFFFFFF0] =	vst v0  }
0x4b: {  	[tilespmem:s18+$0x30] =	vst v0  }
0x4c: {  	[tilespmem:s18+$0xFFFFFFC0] =	vst v0  }
0x4d: {  	[tilespmem:s18+$0x10] =	vst v0  }
0x4e: {  	[tilespmem:s18+$0xFFFFFFD0] =	vst v0  }
0x4f: {  	s4 =	simm.s32 $0x11540;
	s19 =	simm.s32 $0x0;
	s22 =	simm.s32 $0xEDC0;
	[tilespmem:s18+$0x20] =	vst v0  }
.LBB2_2:
0x50: {  	s19 =	sadd.s32 $0x8, s19;
	[tilespmem:s16+$0xFFFFFFE0] =	vst v0;
	s17 =	sadd.s32 $0x80, s17;
	s16 =	sadd.s32 $0x80, s16  }
0x51: {  	[tilespmem:s17+$0x30] =	vst v0;
	p0 =	slt.u32 s19, $0x268  }
0x52: {  	[tilespmem:s16+$0x30] =	vst v0  }
0x53: {  	[tilespmem:s22+$0x30] =	vst v0  }
0x54: {  	[tilespmem:s18+$0xFFFFFFF0] =	vst v0  }
0x55: {  	[tilespmem:s18+$0x0] =	vst v0  }
0x56: {  	[tilespmem:s15+$0xFFFFFFE0] =	vst v0;
	s15 =	smov.u32 s22  }
0x57: {  	[tilespmem:s18+$0xFFFFFFE0] =	vst v0;
	s18 =	smov.u32 s4  }
0x58: {  	[tilespmem:s4+$0x30] =	vst v0  }
0x59: {  	[tilespmem:s17+$0xFFFFFFE0] =	vst v0  }
0x5a: {  	[tilespmem:s17+$0xFFFFFFF0] =	vst v0  }
0x5b: {  	[tilespmem:s17+$0x0] =	vst v0  }
0x5c: {  	[tilespmem:s17+$0xFFFFFFC0] =	vst v0  }
0x5d: {  	[tilespmem:s16+$0xFFFFFFC0] =	vst v0  }
0x5e: {  	[tilespmem:s22+$0xFFFFFFC0] =	vst v0  }
0x5f: {  	[tilespmem:s4+$0xFFFFFFC0] =	vst v0  }
0x60: {  	[tilespmem:s17+$0x10] =	vst v0  }
0x61: {  	[tilespmem:s16+$0x10] =	vst v0  }
0x62: {  	[tilespmem:s22+$0x10] =	vst v0  }
0x63: {  	[tilespmem:s4+$0x10] =	vst v0  }
0x64: {  	[tilespmem:s17+$0x20] =	vst v0  }
0x65: {  	[tilespmem:s17+$0xFFFFFFD0] =	vst v0  }
0x66: {  	[tilespmem:s16+$0xFFFFFFD0] =	vst v0  }
0x67: {  	[tilespmem:s22+$0xFFFFFFD0] =	vst v0  }
0x68: {  	[tilespmem:s4+$0xFFFFFFD0] =	vst v0  }
0x69: {  	[tilespmem:s16+$0x20] =	vst v0  }
0x6a: {  	[tilespmem:s22+$0x20] =	vst v0  }
.Ltmp0:
0x6b: {  	[tilespmem:s4+$0x20] =	vst v0;
	(pc) =	sbr.rel @p0 .LBB2_2-.Ltmp0, $4  }
0x6c: {  	[tilespmem:s16+$0x0] =	vst v0  }
0x6d: {  	[tilespmem:s22+$0x0] =	vst v0  }
0x6e: {  	[tilespmem:s16+$0xFFFFFFF0] =	vst v0  }
0x6f: {  	s4 =	sadd.s32 $0x80, s4;
	s22 =	sadd.s32 $0x80, s22;
	[tilespmem:s15+$0xFFFFFFF0] =	vst v0  }
0x70: {  	[tilespmem:s16+$0xFFFFFFE0] =	vst v0  }
0x71: {  	[tilespmem:s18+$0xFFFFFFF0] =	vst v0  }
0x72: {  	[tilespmem:s18+$0x0] =	vst v0  }
0x73: {  	[tilespmem:s15+$0xFFFFFFE0] =	vst v0  }
0x74: {  	[tilespmem:s18+$0xFFFFFFE0] =	vst v0  }
0x75: {  	[tilespmem:$0xC500] =	vst v0  }
0x76: {  	[tilespmem:$0xEC80] =	vst v0  }
0x77: {  	[tilespmem:$0x11400] =	vst v0  }
0x78: {  	[tilespmem:$0x13B80] =	vst v0  }
0x79: {  	_ =	swait.ge [sflag:s3], $0x2780  }
0x7a: {  	[sflag:s3] =	ssyncset.done $0x0  }
0x7b: {  	[sflag:s3] =	ssyncadd.s32 $0xFFFFD880  }
0x7c: {  	_ =	swait.ge [sflag:s3], $0x2780  }
0x7d: {  	[sflag:s3] =	ssyncset.done $0x0  }
0x7e: {  	[sflag:s3] =	ssyncadd.s32 $0xFFFFD880  }
0x7f: {  	_ =	swait.ge [sflag:s3], $0x2780  }
0x80: {  	[sflag:s3] =	ssyncset.done $0x0  }
0x81: {  	[sflag:s3] =	ssyncadd.s32 $0xFFFFD880  }
0x82: {  	_ =	swait.ge [sflag:s3], $0x2780  }
0x83: {  	[sflag:s3] =	ssyncset.done $0x0  }
0x84: {  	s18 =	simm.s32 $0x15B80;
	s4 =	rddreg [dreg:$0xa];
	[sflag:s3] =	ssyncadd.s32 $0xFFFFD880  }
0x85: {  	[tilespmem:s18], [sflag:$0x2] =	stream.linear.gather [hbm4b:s4+s21], $0x1F40, $0x38;
	[tilespmem:$0x1F900] =	vst v63  }
0x86: {  	s15 =	rddreg [dreg:$0xb]  }
0x87: {  	[tilespmem:s5], [sflag:$0x2] =	stream.linear.gather [hbm4b:s15+s21], $0x1F40, $0x38;
	[tilespmem:$0x1F900] =	vst v63  }
0x88: {  	s16 =	rddreg [dreg:$0xc]  }
0x89: {  	[tilespmem:s6], [sflag:$0x2] =	stream.linear.gather [hbm4b:s16+s21], $0x1F40, $0x38;
	[tilespmem:$0x1F900] =	vst v63  }
0x8a: {  	_ =	swait.ge [sflag:s7], $0x1F40  }
0x8b: {  	[sflag:s7] =	ssyncset.done $0x0  }
0x8c: {  	[sflag:s7] =	ssyncadd.s32 $0xFFFFE0C0  }
0x8d: {  	_ =	swait.ge [sflag:s7], $0x1F40  }
0x8e: {  	[sflag:s7] =	ssyncset.done $0x0  }
0x8f: {  	[sflag:s7] =	ssyncadd.s32 $0xFFFFE0C0  }
0x90: {  	_ =	swait.ge [sflag:s7], $0x1F40  }
0x91: {  	[sflag:s7] =	ssyncset.done $0x0  }
0x92: {  	s17 =	simm.s32 $0x13C10;
	[sflag:s7] =	ssyncadd.s32 $0xFFFFE0C0  }
0x93: {  	v4 =	vld [tilespmem:s17+$0x0];
	_ =	sdelay $0x4  }
0x94: {  	s19 =	simm.s32 $0x17B10  }
0x95: {  	s22 =	simm.s32 $0x1BA10;
	v6 =	vld [tilespmem:s19+$0x0]  }
0x96: {  	v7 =	vld [tilespmem:s22+$0x0]  }
0x97: {  	v1 =	vld.idx.msk [tilespmem:v4+s21+$0x0], $0xffff;
	_ =	sdelay $0x1  }
0x98: {  	v9 =	vld [tilespmem:s17+$0xFFFFFFF0]  }
0x99: {  	s16 =	simm.s32 $0x13C30  }
0x9a: {  	v10 =	vld [tilespmem:s16+$0x0]  }
0x9b: {  	v1 =	vmul.f32 v1, v7  }
0x9c: {  	v2 =	vld [tilespmem:s22+$0xFFFFFFF0]  }
0x9d: {  	[tilespmem:v6+s8+$0x0] =	vst.idx.add.f32.msk $0xffff, v1  }
0x9e: {  	s17 =	simm.s32 $0x17B30;
	v3 =	vld.idx.msk [tilespmem:v4+s0+$0x0], $0xffff  }
0x9f: {  	v18 =	vld [tilespmem:s17+$0x0]  }
0xa0: {  	v5 =	vld.idx.msk [tilespmem:v9+s21+$0x0], $0xffff  }
0xa1: {  	v1 =	vld [tilespmem:s19+$0xFFFFFFF0]  }
0xa2: {  	v11 =	vld.idx.msk [tilespmem:v10+s21+$0x0], $0xffff;
	s19 =	simm.s32 $0x1BA30  }
0xa3: {  	v13 =	vld [tilespmem:s19+$0x0];
	v8 =	vmul.f32 v3, v7;
	_ =	sdelay $0x1  }
0xa4: {  	[tilespmem:v6+s9+$0x0] =	vst.idx.add.f32.msk $0xffff, v8  }
0xa5: {  	v8 =	vld.idx.msk [tilespmem:v4+s1+$0x0], $0xffff  }
0xa6: {  	v5 =	vmul.f32 v5, v2;
	v3 =	vld [tilespmem:s16+$0xFFFFFFF0]  }
0xa7: {  	v11 =	vmul.f32 v11, v13  }
0xa8: {  	[tilespmem:v1+s8+$0x0] =	vst.idx.add.f32.msk $0xffff, v5  }
0xa9: {  	[tilespmem:v18+s8+$0x0] =	vst.idx.add.f32.msk $0xffff, v11  }
0xaa: {  	v12 =	vld.idx.msk [tilespmem:v9+s0+$0x0], $0xffff;
	v5 =	vmul.f32 v8, v7  }
0xab: {  	v11 =	vld.idx.msk [tilespmem:v10+s0+$0x0], $0xffff  }
0xac: {  	[tilespmem:v6+s10+$0x0] =	vst.idx.add.f32.msk $0xffff, v5  }
0xad: {  	v14 =	vld.idx.msk [tilespmem:v4+s2+$0x0], $0xffff  }
0xae: {  	v8 =	vld.idx.msk [tilespmem:v3+s21+$0x0], $0xffff  }
0xaf: {  	v12 =	vmul.f32 v12, v2;
	v5 =	vld [tilespmem:s19+$0xFFFFFFF0]  }
0xb0: {  	v11 =	vmul.f32 v11, v13;
	v4 =	vld [tilespmem:s17+$0xFFFFFFF0]  }
0xb1: {  	[tilespmem:v1+s9+$0x0] =	vst.idx.add.f32.msk $0xffff, v12  }
0xb2: {  	[tilespmem:v18+s9+$0x0] =	vst.idx.add.f32.msk $0xffff, v11;
	v7 =	vmul.f32 v14, v7  }
0xb3: {  	v12 =	vld.idx.msk [tilespmem:v9+s1+$0x0], $0xffff  }
0xb4: {  	s22 =	simm.s32 $0x13C50;
	[tilespmem:v6+s11+$0x0] =	vst.idx.add.f32.msk $0xffff, v7  }
0xb5: {  	v7 =	vld [tilespmem:s22+$0x0]  }
0xb6: {  	v11 =	vld.idx.msk [tilespmem:v10+s1+$0x0], $0xffff;
	v8 =	vmul.f32 v8, v5  }
0xb7: {  	v6 =	vld [tilespmem:s22+$0xFFFFFFF0]  }
0xb8: {  	s15 =	simm.s32 $0x17B50;
	[tilespmem:v4+s8+$0x0] =	vst.idx.add.f32.msk $0xffff, v8  }
0xb9: {  	v8 =	vmul.f32 v12, v2;
	v12 =	vld [tilespmem:s15+$0x0]  }
0xba: {  	v14 =	vld.idx.msk [tilespmem:v3+s0+$0x0], $0xffff  }
0xbb: {  	s16 =	simm.s32 $0x1BA50;
	[tilespmem:v1+s10+$0x0] =	vst.idx.add.f32.msk $0xffff, v8  }
0xbc: {  	v16 =	vmul.f32 v11, v13;
	v8 =	vld [tilespmem:s16+$0x0]  }
0xbd: {  	v15 =	vld.idx.msk [tilespmem:v7+s21+$0x0], $0xffff  }
0xbe: {  	[tilespmem:v18+s10+$0x0] =	vst.idx.add.f32.msk $0xffff, v16  }
0xbf: {  	v10 =	vld.idx.msk [tilespmem:v10+s2+$0x0], $0xffff  }
0xc0: {  	v11 =	vld [tilespmem:s16+$0xFFFFFFF0]  }
0xc1: {  	v16 =	vmul.f32 v14, v5;
	v14 =	vld [tilespmem:s15+$0xFFFFFFF0]  }
0xc2: {  	v17 =	vld.idx.msk [tilespmem:v6+s21+$0x0], $0xffff;
	v15 =	vmul.f32 v15, v8  }
0xc3: {  	[tilespmem:v4+s9+$0x0] =	vst.idx.add.f32.msk $0xffff, v16  }
0xc4: {  	v10 =	vmul.f32 v10, v13;
	[tilespmem:v12+s8+$0x0] =	vst.idx.add.f32.msk $0xffff, v15  }
0xc5: {  	v16 =	vld.idx.msk [tilespmem:v7+s0+$0x0], $0xffff  }
0xc6: {  	v15 =	vld.idx.msk [tilespmem:v3+s1+$0x0], $0xffff  }
0xc7: {  	v13 =	vld.idx.msk [tilespmem:v9+s2+$0x0], $0xffff  }
0xc8: {  	s4 =	simm.s32 $0x4;
	s17 =	simm.s32 $0x13C70;
	[tilespmem:v18+s11+$0x0] =	vst.idx.add.f32.msk $0xffff, v10;
	v10 =	vmov v12;
	v9 =	vmov v14;
	v17 =	vmul.f32 v17, v11  }
.LBB2_4:
0xc9: {  	v18 =	vld [tilespmem:s17+$0x0];
	s4 =	sadd.s32 $0x2, s4  }
0xca: {  	v16 =	vmul.f32 v16, v8;
	v19 =	vld [tilespmem:s17+$0xFFFFFFF0];
	p0 =	slt.u32 s4, $0x1F2  }
0xcb: {  	[tilespmem:v14+s8+$0x0] =	vst.idx.add.f32.msk $0xffff, v17;
	v14 =	vmul.f32 v15, v5  }
0xcc: {  	v20 =	vmul.f32 v13, v2;
	v2 =	vmov v5;
	v5 =	vmov v11;
	[tilespmem:v12+s9+$0x0] =	vst.idx.add.f32.msk $0xffff, v16  }
0xcd: {  	v11 =	vld.idx.msk [tilespmem:v7+s1+$0x0], $0xffff  }
0xce: {  	v13 =	vld.idx.msk [tilespmem:v6+s0+$0x0], $0xffff  }
0xcf: {  	s15 =	sadd.s32 $0x20, s15;
	[tilespmem:v4+s10+$0x0] =	vst.idx.add.f32.msk $0xffff, v14  }
0xd0: {  	v12 =	vld [tilespmem:s15+$0x0]  }
0xd1: {  	s16 =	sadd.s32 $0x20, s16;
	v15 =	vld.idx.msk [tilespmem:v18+s21+$0x0], $0xffff  }
0xd2: {  	v21 =	vld [tilespmem:s16+$0x0]  }
0xd3: {  	v14 =	vmul.f32 v11, v8;
	v16 =	vld.idx.msk [tilespmem:v19+s21+$0x0], $0xffff  }
0xd4: {  	v13 =	vmul.f32 v13, v5;
	v11 =	vld [tilespmem:s16+$0xFFFFFFF0]  }
0xd5: {  	[tilespmem:v10+s10+$0x0] =	vst.idx.add.f32.msk $0xffff, v14  }
0xd6: {  	v22 =	vld.idx.msk [tilespmem:v7+s2+$0x0], $0xffff;
	v7 =	vmov v18  }
0xd7: {  	v14 =	vld [tilespmem:s15+$0xFFFFFFF0];
	v15 =	vmul.f32 v15, v21  }
0xd8: {  	[tilespmem:v9+s9+$0x0] =	vst.idx.add.f32.msk $0xffff, v13  }
0xd9: {  	v17 =	vmul.f32 v16, v11;
	[tilespmem:v12+s8+$0x0] =	vst.idx.add.f32.msk $0xffff, v15  }
.Ltmp1:
0xda: {  	v16 =	vld.idx.msk [tilespmem:v18+s0+$0x0], $0xffff;
	(pc) =	sbr.rel @p0 .LBB2_4-.Ltmp1, $4  }
0xdb: {  	v15 =	vld.idx.msk [tilespmem:v6+s1+$0x0], $0xffff  }
0xdc: {  	v18 =	vmul.f32 v22, v8;
	v8 =	vmovc v21;
	v13 =	vld.idx.msk [tilespmem:v3+s2+$0x0], $0xffff;
	v3 =	vmov v6;
	v6 =	vmov v19  }
0xdd: {  	[tilespmem:v1+s11+$0x0] =	vst.idx.add.f32.msk $0xffff, v20;
	v1 =	vmov v4;
	v4 =	vmov v9;
	v9 =	vmov v14  }
0xde: {  	s17 =	sadd.s32 $0x20, s17;
	[tilespmem:v10+s11+$0x0] =	vst.idx.add.f32.msk $0xffff, v18;
	v10 =	vmov v12  }
0xdf: {  	_ =	sdelay $0x3  }
0xe0: {  	[tilespmem:v14+s8+$0x0] =	vst.idx.add.f32.msk $0xffff, v17  }
0xe1: {  	v14 =	vld.idx.msk [tilespmem:v6+s0+$0x0], $0xffff;
	_ =	sdelay $0x2  }
0xe2: {  	v16 =	vmul.f32 v16, v8;
	_ =	sdelay $0x1  }
0xe3: {  	[tilespmem:v12+s9+$0x0] =	vst.idx.add.f32.msk $0xffff, v16;
	v14 =	vmul.f32 v14, v11  }
0xe4: {  	v12 =	vld.idx.msk [tilespmem:v7+s1+$0x0], $0xffff  }
0xe5: {  	[tilespmem:v9+s9+$0x0] =	vst.idx.add.f32.msk $0xffff, v14  }
0xe6: {  	v14 =	vld.idx.msk [tilespmem:v6+s1+$0x0], $0xffff  }
0xe7: {  	v15 =	vmul.f32 v15, v5;
	_ =	sdelay $0x1  }
0xe8: {  	[tilespmem:v4+s10+$0x0] =	vst.idx.add.f32.msk $0xffff, v15;
	v12 =	vmul.f32 v12, v8  }
0xe9: {  	v3 =	vld.idx.msk [tilespmem:v3+s2+$0x0], $0xffff  }
0xea: {  	[tilespmem:v10+s10+$0x0] =	vst.idx.add.f32.msk $0xffff, v12;
	v12 =	vmul.f32 v14, v11  }
0xeb: {  	v7 =	vld.idx.msk [tilespmem:v7+s2+$0x0], $0xffff  }
0xec: {  	[tilespmem:v9+s10+$0x0] =	vst.idx.add.f32.msk $0xffff, v12  }
0xed: {  	v6 =	vld.idx.msk [tilespmem:v6+s2+$0x0], $0xffff  }
0xee: {  	v2 =	vmul.f32 v13, v2;
	_ =	sdelay $0x1  }
0xef: {  	[tilespmem:v1+s11+$0x0] =	vst.idx.add.f32.msk $0xffff, v2;
	v1 =	vmul.f32 v3, v5  }
0xf0: {  	v7 =	vmul.f32 v7, v8  }
0xf1: {  	[tilespmem:v4+s11+$0x0] =	vst.idx.add.f32.msk $0xffff, v1;
	v2 =	vmul.f32 v6, v11  }
0xf2: {  	[tilespmem:v10+s11+$0x0] =	vst.idx.add.f32.msk $0xffff, v7  }
0xf3: {  	[tilespmem:v9+s11+$0x0] =	vst.idx.add.f32.msk $0xffff, v2  }
0xf4: {  	s4 =	rddreg [dreg:$0xd]  }
0xf5: {  	[tilespmem:s28], [sflag:$0x1] =	stream.linear.gather [hbm4b:s4+s21], $0x1F40, $0x38;
	[tilespmem:$0x1F900] =	vst v63  }
0xf6: {  	s16 =	rddreg [dreg:$0xe]  }
0xf7: {  	[tilespmem:s29], [sflag:$0x1] =	stream.linear.gather [hbm4b:s16+s21], $0x1F40, $0x38;
	[tilespmem:$0x1F900] =	vst v63  }
0xf8: {  	s17 =	rddreg [dreg:$0xf]  }
0xf9: {  	[tilespmem:s30], [sflag:$0x1] =	stream.linear.gather [hbm4b:s17+s21], $0x1F40, $0x38;
	[tilespmem:$0x1F900] =	vst v63  }
0xfa: {  	_ =	swait.ge [sflag:s12], $0x1F40  }
0xfb: {  	[sflag:s12] =	ssyncset.done $0x0  }
0xfc: {  	[sflag:s12] =	ssyncadd.s32 $0xFFFFE0C0  }
0xfd: {  	_ =	swait.ge [sflag:s12], $0x1F40  }
0xfe: {  	[sflag:s12] =	ssyncset.done $0x0  }
0xff: {  	[sflag:s12] =	ssyncadd.s32 $0xFFFFE0C0  }
0x100: {  	_ =	swait.ge [sflag:s12], $0x1F40  }
0x101: {  	[sflag:s12] =	ssyncset.done $0x0  }
0x102: {  	s19 =	simm.s32 $0x15B90;
	[sflag:s12] =	ssyncadd.s32 $0xFFFFE0C0  }
0x103: {  	v4 =	vld [tilespmem:s19+$0x0];
	_ =	sdelay $0x3  }
0x104: {  	s15 =	simm.s32 $0x19A90  }
0x105: {  	s16 =	simm.s32 $0x15BB0;
	v6 =	vld [tilespmem:s15+$0x0]  }
0x106: {  	s22 =	simm.s32 $0x1D990;
	v10 =	vld [tilespmem:s16+$0x0]  }
0x107: {  	v7 =	vld [tilespmem:s22+$0x0]  }
0x108: {  	v1 =	vld.idx.msk [tilespmem:v4+s21+$0x0], $0xffff;
	_ =	sdelay $0x2  }
0x109: {  	s17 =	simm.s32 $0x19AB0;
	v9 =	vld [tilespmem:s19+$0xFFFFFFF0]  }
0x10a: {  	v18 =	vld [tilespmem:s17+$0x0];
	s19 =	simm.s32 $0x1D9B0  }
0x10b: {  	v13 =	vld [tilespmem:s19+$0x0];
	v1 =	vmul.f32 v1, v7  }
0x10c: {  	v11 =	vld.idx.msk [tilespmem:v10+s21+$0x0], $0xffff  }
0x10d: {  	[tilespmem:v6+s8+$0x0] =	vst.idx.add.f32.msk $0xffff, v1  }
0x10e: {  	v3 =	vld.idx.msk [tilespmem:v4+s0+$0x0], $0xffff;
	_ =	sdelay $0x2  }
0x10f: {  	v2 =	vld [tilespmem:s22+$0xFFFFFFF0]  }
0x110: {  	v5 =	vld.idx.msk [tilespmem:v9+s21+$0x0], $0xffff;
	v11 =	vmul.f32 v11, v13  }
0x111: {  	v1 =	vld [tilespmem:s15+$0xFFFFFFF0];
	v8 =	vmul.f32 v3, v7  }
0x112: {  	[tilespmem:v18+s8+$0x0] =	vst.idx.add.f32.msk $0xffff, v11  }
0x113: {  	[tilespmem:v6+s9+$0x0] =	vst.idx.add.f32.msk $0xffff, v8  }
0x114: {  	v8 =	vld.idx.msk [tilespmem:v4+s1+$0x0], $0xffff  }
0x115: {  	v11 =	vld.idx.msk [tilespmem:v10+s0+$0x0], $0xffff  }
0x116: {  	v3 =	vld [tilespmem:s16+$0xFFFFFFF0]  }
0x117: {  	v5 =	vmul.f32 v5, v2;
	_ =	sdelay $0x1  }
0x118: {  	[tilespmem:v1+s8+$0x0] =	vst.idx.add.f32.msk $0xffff, v5;
	v5 =	vmul.f32 v8, v7  }
0x119: {  	v12 =	vld.idx.msk [tilespmem:v9+s0+$0x0], $0xffff  }
0x11a: {  	v11 =	vmul.f32 v11, v13;
	[tilespmem:v6+s10+$0x0] =	vst.idx.add.f32.msk $0xffff, v5  }
0x11b: {  	v14 =	vld.idx.msk [tilespmem:v4+s2+$0x0], $0xffff  }
0x11c: {  	[tilespmem:v18+s9+$0x0] =	vst.idx.add.f32.msk $0xffff, v11  }
0x11d: {  	v8 =	vld.idx.msk [tilespmem:v3+s21+$0x0], $0xffff  }
0x11e: {  	v12 =	vmul.f32 v12, v2;
	v4 =	vld [tilespmem:s17+$0xFFFFFFF0]  }
0x11f: {  	v5 =	vld [tilespmem:s19+$0xFFFFFFF0]  }
0x120: {  	[tilespmem:v1+s9+$0x0] =	vst.idx.add.f32.msk $0xffff, v12;
	v7 =	vmul.f32 v14, v7  }
0x121: {  	v12 =	vld.idx.msk [tilespmem:v9+s1+$0x0], $0xffff  }
0x122: {  	s22 =	simm.s32 $0x15BD0;
	[tilespmem:v6+s11+$0x0] =	vst.idx.add.f32.msk $0xffff, v7  }
0x123: {  	v7 =	vld [tilespmem:s22+$0x0]  }
0x124: {  	v11 =	vld.idx.msk [tilespmem:v10+s1+$0x0], $0xffff;
	v8 =	vmul.f32 v8, v5  }
0x125: {  	v6 =	vld [tilespmem:s22+$0xFFFFFFF0]  }
0x126: {  	s15 =	simm.s32 $0x19AD0;
	[tilespmem:v4+s8+$0x0] =	vst.idx.add.f32.msk $0xffff, v8  }
0x127: {  	v8 =	vmul.f32 v12, v2;
	v12 =	vld [tilespmem:s15+$0x0]  }
0x128: {  	v14 =	vld.idx.msk [tilespmem:v3+s0+$0x0], $0xffff  }
0x129: {  	s16 =	simm.s32 $0x1D9D0;
	[tilespmem:v1+s10+$0x0] =	vst.idx.add.f32.msk $0xffff, v8  }
0x12a: {  	v16 =	vmul.f32 v11, v13;
	v8 =	vld [tilespmem:s16+$0x0]  }
0x12b: {  	v15 =	vld.idx.msk [tilespmem:v7+s21+$0x0], $0xffff  }
0x12c: {  	[tilespmem:v18+s10+$0x0] =	vst.idx.add.f32.msk $0xffff, v16  }
0x12d: {  	v10 =	vld.idx.msk [tilespmem:v10+s2+$0x0], $0xffff  }
0x12e: {  	v11 =	vld [tilespmem:s16+$0xFFFFFFF0]  }
0x12f: {  	v16 =	vmul.f32 v14, v5;
	v14 =	vld [tilespmem:s15+$0xFFFFFFF0]  }
0x130: {  	v17 =	vld.idx.msk [tilespmem:v6+s21+$0x0], $0xffff;
	v15 =	vmul.f32 v15, v8  }
0x131: {  	[tilespmem:v4+s9+$0x0] =	vst.idx.add.f32.msk $0xffff, v16  }
0x132: {  	v10 =	vmul.f32 v10, v13;
	[tilespmem:v12+s8+$0x0] =	vst.idx.add.f32.msk $0xffff, v15  }
0x133: {  	v16 =	vld.idx.msk [tilespmem:v7+s0+$0x0], $0xffff  }
0x134: {  	v15 =	vld.idx.msk [tilespmem:v3+s1+$0x0], $0xffff  }
0x135: {  	v13 =	vld.idx.msk [tilespmem:v9+s2+$0x0], $0xffff  }
0x136: {  	s4 =	simm.s32 $0x4;
	s17 =	simm.s32 $0x15BF0;
	[tilespmem:v18+s11+$0x0] =	vst.idx.add.f32.msk $0xffff, v10;
	v10 =	vmov v12;
	v9 =	vmov v14;
	v17 =	vmul.f32 v17, v11  }
.LBB2_6:
0x137: {  	v18 =	vld [tilespmem:s17+$0x0];
	s4 =	sadd.s32 $0x2, s4  }
0x138: {  	v16 =	vmul.f32 v16, v8;
	v19 =	vld [tilespmem:s17+$0xFFFFFFF0];
	p0 =	slt.u32 s4, $0x1F2  }
0x139: {  	[tilespmem:v14+s8+$0x0] =	vst.idx.add.f32.msk $0xffff, v17;
	v14 =	vmul.f32 v15, v5  }
0x13a: {  	v20 =	vmul.f32 v13, v2;
	v2 =	vmov v5;
	v5 =	vmov v11;
	[tilespmem:v12+s9+$0x0] =	vst.idx.add.f32.msk $0xffff, v16  }
0x13b: {  	v11 =	vld.idx.msk [tilespmem:v7+s1+$0x0], $0xffff  }
0x13c: {  	v13 =	vld.idx.msk [tilespmem:v6+s0+$0x0], $0xffff  }
0x13d: {  	s15 =	sadd.s32 $0x20, s15;
	[tilespmem:v4+s10+$0x0] =	vst.idx.add.f32.msk $0xffff, v14  }
0x13e: {  	v12 =	vld [tilespmem:s15+$0x0]  }
0x13f: {  	s16 =	sadd.s32 $0x20, s16;
	v15 =	vld.idx.msk [tilespmem:v18+s21+$0x0], $0xffff  }
0x140: {  	v21 =	vld [tilespmem:s16+$0x0]  }
0x141: {  	v14 =	vmul.f32 v11, v8;
	v16 =	vld.idx.msk [tilespmem:v19+s21+$0x0], $0xffff  }
0x142: {  	v13 =	vmul.f32 v13, v5;
	v11 =	vld [tilespmem:s16+$0xFFFFFFF0]  }
0x143: {  	[tilespmem:v10+s10+$0x0] =	vst.idx.add.f32.msk $0xffff, v14  }
0x144: {  	v22 =	vld.idx.msk [tilespmem:v7+s2+$0x0], $0xffff;
	v7 =	vmov v18  }
0x145: {  	v14 =	vld [tilespmem:s15+$0xFFFFFFF0];
	v15 =	vmul.f32 v15, v21  }
0x146: {  	[tilespmem:v9+s9+$0x0] =	vst.idx.add.f32.msk $0xffff, v13  }
0x147: {  	v17 =	vmul.f32 v16, v11;
	[tilespmem:v12+s8+$0x0] =	vst.idx.add.f32.msk $0xffff, v15  }
.Ltmp2:
0x148: {  	v16 =	vld.idx.msk [tilespmem:v18+s0+$0x0], $0xffff;
	(pc) =	sbr.rel @p0 .LBB2_6-.Ltmp2, $4  }
0x149: {  	v15 =	vld.idx.msk [tilespmem:v6+s1+$0x0], $0xffff  }
0x14a: {  	v18 =	vmul.f32 v22, v8;
	v8 =	vmovc v21;
	v13 =	vld.idx.msk [tilespmem:v3+s2+$0x0], $0xffff;
	v3 =	vmov v6;
	v6 =	vmov v19  }
0x14b: {  	[tilespmem:v1+s11+$0x0] =	vst.idx.add.f32.msk $0xffff, v20;
	v1 =	vmov v4;
	v4 =	vmov v9;
	v9 =	vmov v14  }
0x14c: {  	s17 =	sadd.s32 $0x20, s17;
	[tilespmem:v10+s11+$0x0] =	vst.idx.add.f32.msk $0xffff, v18;
	v10 =	vmov v12  }
0x14d: {  	_ =	sdelay $0x3  }
0x14e: {  	[tilespmem:v14+s8+$0x0] =	vst.idx.add.f32.msk $0xffff, v17  }
0x14f: {  	v14 =	vld.idx.msk [tilespmem:v6+s0+$0x0], $0xffff;
	_ =	sdelay $0x2  }
0x150: {  	v16 =	vmul.f32 v16, v8;
	_ =	sdelay $0x1  }
0x151: {  	[tilespmem:v12+s9+$0x0] =	vst.idx.add.f32.msk $0xffff, v16;
	v14 =	vmul.f32 v14, v11  }
0x152: {  	v12 =	vld.idx.msk [tilespmem:v7+s1+$0x0], $0xffff  }
0x153: {  	[tilespmem:v9+s9+$0x0] =	vst.idx.add.f32.msk $0xffff, v14  }
0x154: {  	v14 =	vld.idx.msk [tilespmem:v6+s1+$0x0], $0xffff  }
0x155: {  	v15 =	vmul.f32 v15, v5;
	_ =	sdelay $0x1  }
0x156: {  	[tilespmem:v4+s10+$0x0] =	vst.idx.add.f32.msk $0xffff, v15;
	v12 =	vmul.f32 v12, v8  }
0x157: {  	v3 =	vld.idx.msk [tilespmem:v3+s2+$0x0], $0xffff  }
0x158: {  	[tilespmem:v10+s10+$0x0] =	vst.idx.add.f32.msk $0xffff, v12;
	v12 =	vmul.f32 v14, v11  }
0x159: {  	v7 =	vld.idx.msk [tilespmem:v7+s2+$0x0], $0xffff  }
0x15a: {  	[tilespmem:v9+s10+$0x0] =	vst.idx.add.f32.msk $0xffff, v12  }
0x15b: {  	v6 =	vld.idx.msk [tilespmem:v6+s2+$0x0], $0xffff  }
0x15c: {  	v2 =	vmul.f32 v13, v2;
	_ =	sdelay $0x1  }
0x15d: {  	[tilespmem:v1+s11+$0x0] =	vst.idx.add.f32.msk $0xffff, v2;
	v1 =	vmul.f32 v3, v5  }
0x15e: {  	v7 =	vmul.f32 v7, v8  }
0x15f: {  	[tilespmem:v4+s11+$0x0] =	vst.idx.add.f32.msk $0xffff, v1;
	v2 =	vmul.f32 v6, v11  }
0x160: {  	[tilespmem:v10+s11+$0x0] =	vst.idx.add.f32.msk $0xffff, v7  }
0x161: {  	[tilespmem:v9+s11+$0x0] =	vst.idx.add.f32.msk $0xffff, v2  }
0x162: {  	s4 =	rddreg [dreg:$0x10]  }
0x163: {  	[tilespmem:s18], [sflag:$0x2] =	stream.linear.gather [hbm4b:s4+s21], $0x1F40, $0x38;
	[tilespmem:$0x1F900] =	vst v63  }
0x164: {  	s18 =	rddreg [dreg:$0x11]  }
0x165: {  	[tilespmem:s5], [sflag:$0x2] =	stream.linear.gather [hbm4b:s18+s21], $0x1F40, $0x38;
	[tilespmem:$0x1F900] =	vst v63  }
0x166: {  	s19 =	rddreg [dreg:$0x12]  }
0x167: {  	[tilespmem:s6], [sflag:$0x2] =	stream.linear.gather [hbm4b:s19+s21], $0x1F40, $0x38;
	[tilespmem:$0x1F900] =	vst v63  }
0x168: {  	_ =	swait.ge [sflag:s7], $0x1F40  }
0x169: {  	[sflag:s7] =	ssyncset.done $0x0  }
0x16a: {  	[sflag:s7] =	ssyncadd.s32 $0xFFFFE0C0  }
0x16b: {  	_ =	swait.ge [sflag:s7], $0x1F40  }
0x16c: {  	[sflag:s7] =	ssyncset.done $0x0  }
0x16d: {  	[sflag:s7] =	ssyncadd.s32 $0xFFFFE0C0  }
0x16e: {  	_ =	swait.ge [sflag:s7], $0x1F40  }
0x16f: {  	[sflag:s7] =	ssyncset.done $0x0  }
0x170: {  	s22 =	simm.s32 $0x13C10;
	[sflag:s7] =	ssyncadd.s32 $0xFFFFE0C0  }
0x171: {  	v4 =	vld [tilespmem:s22+$0x0];
	_ =	sdelay $0x3  }
0x172: {  	s15 =	simm.s32 $0x17B10  }
0x173: {  	s17 =	simm.s32 $0x13C30;
	v6 =	vld [tilespmem:s15+$0x0]  }
0x174: {  	s16 =	simm.s32 $0x1BA10;
	v10 =	vld [tilespmem:s17+$0x0]  }
0x175: {  	v7 =	vld [tilespmem:s16+$0x0]  }
0x176: {  	v1 =	vld.idx.msk [tilespmem:v4+s21+$0x0], $0xffff;
	_ =	sdelay $0x2  }
0x177: {  	s18 =	simm.s32 $0x17B30;
	v9 =	vld [tilespmem:s22+$0xFFFFFFF0]  }
0x178: {  	s19 =	simm.s32 $0x1BA30;
	v18 =	vld [tilespmem:s18+$0x0]  }
0x179: {  	v13 =	vld [tilespmem:s19+$0x0];
	v1 =	vmul.f32 v1, v7  }
0x17a: {  	v11 =	vld.idx.msk [tilespmem:v10+s21+$0x0], $0xffff  }
0x17b: {  	[tilespmem:v6+s8+$0x0] =	vst.idx.add.f32.msk $0xffff, v1  }
0x17c: {  	v3 =	vld.idx.msk [tilespmem:v4+s0+$0x0], $0xffff;
	_ =	sdelay $0x2  }
0x17d: {  	v2 =	vld [tilespmem:s16+$0xFFFFFFF0]  }
0x17e: {  	v5 =	vld.idx.msk [tilespmem:v9+s21+$0x0], $0xffff;
	v11 =	vmul.f32 v11, v13  }
0x17f: {  	v1 =	vld [tilespmem:s15+$0xFFFFFFF0];
	v8 =	vmul.f32 v3, v7  }
0x180: {  	[tilespmem:v18+s8+$0x0] =	vst.idx.add.f32.msk $0xffff, v11  }
0x181: {  	[tilespmem:v6+s9+$0x0] =	vst.idx.add.f32.msk $0xffff, v8  }
0x182: {  	v8 =	vld.idx.msk [tilespmem:v4+s1+$0x0], $0xffff  }
0x183: {  	v11 =	vld.idx.msk [tilespmem:v10+s0+$0x0], $0xffff  }
0x184: {  	v3 =	vld [tilespmem:s17+$0xFFFFFFF0]  }
0x185: {  	v5 =	vmul.f32 v5, v2;
	_ =	sdelay $0x1  }
0x186: {  	[tilespmem:v1+s8+$0x0] =	vst.idx.add.f32.msk $0xffff, v5;
	v5 =	vmul.f32 v8, v7  }
0x187: {  	v12 =	vld.idx.msk [tilespmem:v9+s0+$0x0], $0xffff  }
0x188: {  	v11 =	vmul.f32 v11, v13;
	[tilespmem:v6+s10+$0x0] =	vst.idx.add.f32.msk $0xffff, v5  }
0x189: {  	v14 =	vld.idx.msk [tilespmem:v4+s2+$0x0], $0xffff  }
0x18a: {  	[tilespmem:v18+s9+$0x0] =	vst.idx.add.f32.msk $0xffff, v11  }
0x18b: {  	v8 =	vld.idx.msk [tilespmem:v3+s21+$0x0], $0xffff  }
0x18c: {  	v12 =	vmul.f32 v12, v2;
	v4 =	vld [tilespmem:s18+$0xFFFFFFF0]  }
0x18d: {  	v5 =	vld [tilespmem:s19+$0xFFFFFFF0]  }
0x18e: {  	[tilespmem:v1+s9+$0x0] =	vst.idx.add.f32.msk $0xffff, v12;
	v7 =	vmul.f32 v14, v7  }
0x18f: {  	v12 =	vld.idx.msk [tilespmem:v9+s1+$0x0], $0xffff  }
0x190: {  	s22 =	simm.s32 $0x13C50;
	[tilespmem:v6+s11+$0x0] =	vst.idx.add.f32.msk $0xffff, v7  }
0x191: {  	v7 =	vld [tilespmem:s22+$0x0]  }
0x192: {  	v11 =	vld.idx.msk [tilespmem:v10+s1+$0x0], $0xffff;
	v8 =	vmul.f32 v8, v5  }
0x193: {  	v6 =	vld [tilespmem:s22+$0xFFFFFFF0]  }
0x194: {  	s15 =	simm.s32 $0x17B50;
	[tilespmem:v4+s8+$0x0] =	vst.idx.add.f32.msk $0xffff, v8  }
0x195: {  	v8 =	vmul.f32 v12, v2;
	v12 =	vld [tilespmem:s15+$0x0]  }
0x196: {  	v14 =	vld.idx.msk [tilespmem:v3+s0+$0x0], $0xffff  }
0x197: {  	s16 =	simm.s32 $0x1BA50;
	[tilespmem:v1+s10+$0x0] =	vst.idx.add.f32.msk $0xffff, v8  }
0x198: {  	v16 =	vmul.f32 v11, v13;
	v8 =	vld [tilespmem:s16+$0x0]  }
0x199: {  	v15 =	vld.idx.msk [tilespmem:v7+s21+$0x0], $0xffff  }
0x19a: {  	[tilespmem:v18+s10+$0x0] =	vst.idx.add.f32.msk $0xffff, v16  }
0x19b: {  	v10 =	vld.idx.msk [tilespmem:v10+s2+$0x0], $0xffff  }
0x19c: {  	v11 =	vld [tilespmem:s16+$0xFFFFFFF0]  }
0x19d: {  	v16 =	vmul.f32 v14, v5;
	v14 =	vld [tilespmem:s15+$0xFFFFFFF0]  }
0x19e: {  	v17 =	vld.idx.msk [tilespmem:v6+s21+$0x0], $0xffff;
	v15 =	vmul.f32 v15, v8  }
0x19f: {  	[tilespmem:v4+s9+$0x0] =	vst.idx.add.f32.msk $0xffff, v16  }
0x1a0: {  	v10 =	vmul.f32 v10, v13;
	[tilespmem:v12+s8+$0x0] =	vst.idx.add.f32.msk $0xffff, v15  }
0x1a1: {  	v16 =	vld.idx.msk [tilespmem:v7+s0+$0x0], $0xffff  }
0x1a2: {  	v15 =	vld.idx.msk [tilespmem:v3+s1+$0x0], $0xffff  }
0x1a3: {  	v13 =	vld.idx.msk [tilespmem:v9+s2+$0x0], $0xffff  }
0x1a4: {  	s4 =	simm.s32 $0x4;
	s17 =	simm.s32 $0x13C70;
	[tilespmem:v18+s11+$0x0] =	vst.idx.add.f32.msk $0xffff, v10;
	v10 =	vmov v12;
	v9 =	vmov v14;
	v17 =	vmul.f32 v17, v11  }
.LBB2_8:
0x1a5: {  	v18 =	vld [tilespmem:s17+$0x0];
	s4 =	sadd.s32 $0x2, s4  }
0x1a6: {  	v16 =	vmul.f32 v16, v8;
	v19 =	vld [tilespmem:s17+$0xFFFFFFF0];
	p0 =	slt.u32 s4, $0x1F2  }
0x1a7: {  	[tilespmem:v14+s8+$0x0] =	vst.idx.add.f32.msk $0xffff, v17;
	v14 =	vmul.f32 v15, v5  }
0x1a8: {  	v20 =	vmul.f32 v13, v2;
	v2 =	vmov v5;
	v5 =	vmov v11;
	[tilespmem:v12+s9+$0x0] =	vst.idx.add.f32.msk $0xffff, v16  }
0x1a9: {  	v11 =	vld.idx.msk [tilespmem:v7+s1+$0x0], $0xffff  }
0x1aa: {  	v13 =	vld.idx.msk [tilespmem:v6+s0+$0x0], $0xffff  }
0x1ab: {  	s15 =	sadd.s32 $0x20, s15;
	[tilespmem:v4+s10+$0x0] =	vst.idx.add.f32.msk $0xffff, v14  }
0x1ac: {  	v12 =	vld [tilespmem:s15+$0x0]  }
0x1ad: {  	s16 =	sadd.s32 $0x20, s16;
	v15 =	vld.idx.msk [tilespmem:v18+s21+$0x0], $0xffff  }
0x1ae: {  	v21 =	vld [tilespmem:s16+$0x0]  }
0x1af: {  	v14 =	vmul.f32 v11, v8;
	v16 =	vld.idx.msk [tilespmem:v19+s21+$0x0], $0xffff  }
0x1b0: {  	v13 =	vmul.f32 v13, v5;
	v11 =	vld [tilespmem:s16+$0xFFFFFFF0]  }
0x1b1: {  	[tilespmem:v10+s10+$0x0] =	vst.idx.add.f32.msk $0xffff, v14  }
0x1b2: {  	v22 =	vld.idx.msk [tilespmem:v7+s2+$0x0], $0xffff;
	v7 =	vmov v18  }
0x1b3: {  	v14 =	vld [tilespmem:s15+$0xFFFFFFF0];
	v15 =	vmul.f32 v15, v21  }
0x1b4: {  	[tilespmem:v9+s9+$0x0] =	vst.idx.add.f32.msk $0xffff, v13  }
0x1b5: {  	v17 =	vmul.f32 v16, v11;
	[tilespmem:v12+s8+$0x0] =	vst.idx.add.f32.msk $0xffff, v15  }
.Ltmp3:
0x1b6: {  	v16 =	vld.idx.msk [tilespmem:v18+s0+$0x0], $0xffff;
	(pc) =	sbr.rel @p0 .LBB2_8-.Ltmp3, $4  }
0x1b7: {  	v15 =	vld.idx.msk [tilespmem:v6+s1+$0x0], $0xffff  }
0x1b8: {  	v18 =	vmul.f32 v22, v8;
	v8 =	vmovc v21;
	v13 =	vld.idx.msk [tilespmem:v3+s2+$0x0], $0xffff;
	v3 =	vmov v6;
	v6 =	vmov v19  }
0x1b9: {  	[tilespmem:v1+s11+$0x0] =	vst.idx.add.f32.msk $0xffff, v20;
	v1 =	vmov v4;
	v4 =	vmov v9;
	v9 =	vmov v14  }
0x1ba: {  	s17 =	sadd.s32 $0x20, s17;
	[tilespmem:v10+s11+$0x0] =	vst.idx.add.f32.msk $0xffff, v18;
	v10 =	vmov v12  }
0x1bb: {  	_ =	sdelay $0x3  }
0x1bc: {  	[tilespmem:v14+s8+$0x0] =	vst.idx.add.f32.msk $0xffff, v17  }
0x1bd: {  	v14 =	vld.idx.msk [tilespmem:v6+s0+$0x0], $0xffff;
	_ =	sdelay $0x2  }
0x1be: {  	v16 =	vmul.f32 v16, v8;
	_ =	sdelay $0x1  }
0x1bf: {  	[tilespmem:v12+s9+$0x0] =	vst.idx.add.f32.msk $0xffff, v16;
	v14 =	vmul.f32 v14, v11  }
0x1c0: {  	v12 =	vld.idx.msk [tilespmem:v7+s1+$0x0], $0xffff  }
0x1c1: {  	[tilespmem:v9+s9+$0x0] =	vst.idx.add.f32.msk $0xffff, v14  }
0x1c2: {  	v14 =	vld.idx.msk [tilespmem:v6+s1+$0x0], $0xffff  }
0x1c3: {  	v15 =	vmul.f32 v15, v5;
	_ =	sdelay $0x1  }
0x1c4: {  	[tilespmem:v4+s10+$0x0] =	vst.idx.add.f32.msk $0xffff, v15;
	v12 =	vmul.f32 v12, v8  }
0x1c5: {  	v3 =	vld.idx.msk [tilespmem:v3+s2+$0x0], $0xffff  }
0x1c6: {  	[tilespmem:v10+s10+$0x0] =	vst.idx.add.f32.msk $0xffff, v12;
	v12 =	vmul.f32 v14, v11  }
0x1c7: {  	v7 =	vld.idx.msk [tilespmem:v7+s2+$0x0], $0xffff  }
0x1c8: {  	[tilespmem:v9+s10+$0x0] =	vst.idx.add.f32.msk $0xffff, v12  }
0x1c9: {  	v6 =	vld.idx.msk [tilespmem:v6+s2+$0x0], $0xffff  }
0x1ca: {  	v2 =	vmul.f32 v13, v2;
	_ =	sdelay $0x1  }
0x1cb: {  	[tilespmem:v1+s11+$0x0] =	vst.idx.add.f32.msk $0xffff, v2;
	v1 =	vmul.f32 v3, v5  }
0x1cc: {  	v7 =	vmul.f32 v7, v8  }
0x1cd: {  	[tilespmem:v4+s11+$0x0] =	vst.idx.add.f32.msk $0xffff, v1;
	v2 =	vmul.f32 v6, v11  }
0x1ce: {  	[tilespmem:v10+s11+$0x0] =	vst.idx.add.f32.msk $0xffff, v7  }
0x1cf: {  	[tilespmem:v9+s11+$0x0] =	vst.idx.add.f32.msk $0xffff, v2  }
0x1d0: {  	s4 =	rddreg [dreg:$0x13]  }
0x1d1: {  	[tilespmem:s28], [sflag:$0x1] =	stream.linear.gather [hbm4b:s4+s21], $0x1F40, $0x38;
	[tilespmem:$0x1F900] =	vst v63  }
0x1d2: {  	s18 =	rddreg [dreg:$0x14]  }
0x1d3: {  	[tilespmem:s29], [sflag:$0x1] =	stream.linear.gather [hbm4b:s18+s21], $0x1F40, $0x38;
	[tilespmem:$0x1F900] =	vst v63  }
0x1d4: {  	s19 =	rddreg [dreg:$0x15]  }
0x1d5: {  	[tilespmem:s30], [sflag:$0x1] =	stream.linear.gather [hbm4b:s19+s21], $0x1F40, $0x38;
	[tilespmem:$0x1F900] =	vst v63  }
0x1d6: {  	_ =	swait.ge [sflag:s12], $0x1F40  }
0x1d7: {  	[sflag:s12] =	ssyncset.done $0x0  }
0x1d8: {  	[sflag:s12] =	ssyncadd.s32 $0xFFFFE0C0  }
0x1d9: {  	_ =	swait.ge [sflag:s12], $0x1F40  }
0x1da: {  	[sflag:s12] =	ssyncset.done $0x0  }
0x1db: {  	[sflag:s12] =	ssyncadd.s32 $0xFFFFE0C0  }
0x1dc: {  	_ =	swait.ge [sflag:s12], $0x1F40  }
0x1dd: {  	[sflag:s12] =	ssyncset.done $0x0  }
0x1de: {  	s22 =	simm.s32 $0x15B90;
	[sflag:s12] =	ssyncadd.s32 $0xFFFFE0C0  }
0x1df: {  	v4 =	vld [tilespmem:s22+$0x0];
	_ =	sdelay $0x3  }
0x1e0: {  	s15 =	simm.s32 $0x19A90  }
0x1e1: {  	s17 =	simm.s32 $0x15BB0;
	v6 =	vld [tilespmem:s15+$0x0]  }
0x1e2: {  	s16 =	simm.s32 $0x1D990;
	v10 =	vld [tilespmem:s17+$0x0]  }
0x1e3: {  	v7 =	vld [tilespmem:s16+$0x0]  }
0x1e4: {  	v1 =	vld.idx.msk [tilespmem:v4+s21+$0x0], $0xffff;
	_ =	sdelay $0x2  }
0x1e5: {  	s18 =	simm.s32 $0x19AB0;
	v9 =	vld [tilespmem:s22+$0xFFFFFFF0]  }
0x1e6: {  	s19 =	simm.s32 $0x1D9B0;
	v18 =	vld [tilespmem:s18+$0x0]  }
0x1e7: {  	v13 =	vld [tilespmem:s19+$0x0];
	v1 =	vmul.f32 v1, v7  }
0x1e8: {  	v11 =	vld.idx.msk [tilespmem:v10+s21+$0x0], $0xffff  }
0x1e9: {  	[tilespmem:v6+s8+$0x0] =	vst.idx.add.f32.msk $0xffff, v1  }
0x1ea: {  	v3 =	vld.idx.msk [tilespmem:v4+s0+$0x0], $0xffff;
	_ =	sdelay $0x2  }
0x1eb: {  	v2 =	vld [tilespmem:s16+$0xFFFFFFF0]  }
0x1ec: {  	v5 =	vld.idx.msk [tilespmem:v9+s21+$0x0], $0xffff;
	v11 =	vmul.f32 v11, v13  }
0x1ed: {  	v1 =	vld [tilespmem:s15+$0xFFFFFFF0];
	v8 =	vmul.f32 v3, v7  }
0x1ee: {  	[tilespmem:v18+s8+$0x0] =	vst.idx.add.f32.msk $0xffff, v11  }
0x1ef: {  	[tilespmem:v6+s9+$0x0] =	vst.idx.add.f32.msk $0xffff, v8  }
0x1f0: {  	v8 =	vld.idx.msk [tilespmem:v4+s1+$0x0], $0xffff  }
0x1f1: {  	v11 =	vld.idx.msk [tilespmem:v10+s0+$0x0], $0xffff  }
0x1f2: {  	v3 =	vld [tilespmem:s17+$0xFFFFFFF0]  }
0x1f3: {  	v5 =	vmul.f32 v5, v2;
	_ =	sdelay $0x1  }
0x1f4: {  	[tilespmem:v1+s8+$0x0] =	vst.idx.add.f32.msk $0xffff, v5;
	v5 =	vmul.f32 v8, v7  }
0x1f5: {  	v12 =	vld.idx.msk [tilespmem:v9+s0+$0x0], $0xffff  }
0x1f6: {  	v11 =	vmul.f32 v11, v13;
	[tilespmem:v6+s10+$0x0] =	vst.idx.add.f32.msk $0xffff, v5  }
0x1f7: {  	v14 =	vld.idx.msk [tilespmem:v4+s2+$0x0], $0xffff  }
0x1f8: {  	[tilespmem:v18+s9+$0x0] =	vst.idx.add.f32.msk $0xffff, v11  }
0x1f9: {  	v8 =	vld.idx.msk [tilespmem:v3+s21+$0x0], $0xffff  }
0x1fa: {  	v12 =	vmul.f32 v12, v2;
	v4 =	vld [tilespmem:s18+$0xFFFFFFF0]  }
0x1fb: {  	v5 =	vld [tilespmem:s19+$0xFFFFFFF0]  }
0x1fc: {  	[tilespmem:v1+s9+$0x0] =	vst.idx.add.f32.msk $0xffff, v12;
	v7 =	vmul.f32 v14, v7  }
0x1fd: {  	v12 =	vld.idx.msk [tilespmem:v9+s1+$0x0], $0xffff  }
0x1fe: {  	s22 =	simm.s32 $0x15BD0;
	[tilespmem:v6+s11+$0x0] =	vst.idx.add.f32.msk $0xffff, v7  }
0x1ff: {  	v7 =	vld [tilespmem:s22+$0x0]  }
0x200: {  	v11 =	vld.idx.msk [tilespmem:v10+s1+$0x0], $0xffff;
	v8 =	vmul.f32 v8, v5  }
0x201: {  	v6 =	vld [tilespmem:s22+$0xFFFFFFF0]  }
0x202: {  	s15 =	simm.s32 $0x19AD0;
	[tilespmem:v4+s8+$0x0] =	vst.idx.add.f32.msk $0xffff, v8  }
0x203: {  	v8 =	vmul.f32 v12, v2;
	v12 =	vld [tilespmem:s15+$0x0]  }
0x204: {  	v14 =	vld.idx.msk [tilespmem:v3+s0+$0x0], $0xffff  }
0x205: {  	s16 =	simm.s32 $0x1D9D0;
	[tilespmem:v1+s10+$0x0] =	vst.idx.add.f32.msk $0xffff, v8  }
0x206: {  	v16 =	vmul.f32 v11, v13;
	v8 =	vld [tilespmem:s16+$0x0]  }
0x207: {  	v15 =	vld.idx.msk [tilespmem:v7+s21+$0x0], $0xffff  }
0x208: {  	[tilespmem:v18+s10+$0x0] =	vst.idx.add.f32.msk $0xffff, v16  }
0x209: {  	v10 =	vld.idx.msk [tilespmem:v10+s2+$0x0], $0xffff  }
0x20a: {  	v11 =	vld [tilespmem:s16+$0xFFFFFFF0]  }
0x20b: {  	v16 =	vmul.f32 v14, v5;
	v14 =	vld [tilespmem:s15+$0xFFFFFFF0]  }
0x20c: {  	v17 =	vld.idx.msk [tilespmem:v6+s21+$0x0], $0xffff;
	v15 =	vmul.f32 v15, v8  }
0x20d: {  	[tilespmem:v4+s9+$0x0] =	vst.idx.add.f32.msk $0xffff, v16  }
0x20e: {  	v10 =	vmul.f32 v10, v13;
	[tilespmem:v12+s8+$0x0] =	vst.idx.add.f32.msk $0xffff, v15  }
0x20f: {  	v16 =	vld.idx.msk [tilespmem:v7+s0+$0x0], $0xffff  }
0x210: {  	v15 =	vld.idx.msk [tilespmem:v3+s1+$0x0], $0xffff  }
0x211: {  	v13 =	vld.idx.msk [tilespmem:v9+s2+$0x0], $0xffff  }
0x212: {  	s4 =	simm.s32 $0x4;
	s17 =	simm.s32 $0x15BF0;
	[tilespmem:v18+s11+$0x0] =	vst.idx.add.f32.msk $0xffff, v10;
	v10 =	vmov v12;
	v9 =	vmov v14;
	v17 =	vmul.f32 v17, v11  }
.LBB2_10:
0x213: {  	v18 =	vld [tilespmem:s17+$0x0];
	s4 =	sadd.s32 $0x2, s4  }
0x214: {  	v16 =	vmul.f32 v16, v8;
	v19 =	vld [tilespmem:s17+$0xFFFFFFF0];
	p0 =	slt.u32 s4, $0x1F2  }
0x215: {  	[tilespmem:v14+s8+$0x0] =	vst.idx.add.f32.msk $0xffff, v17;
	v14 =	vmul.f32 v15, v5  }
0x216: {  	v20 =	vmul.f32 v13, v2;
	v2 =	vmov v5;
	v5 =	vmov v11;
	[tilespmem:v12+s9+$0x0] =	vst.idx.add.f32.msk $0xffff, v16  }
0x217: {  	v11 =	vld.idx.msk [tilespmem:v7+s1+$0x0], $0xffff  }
0x218: {  	v13 =	vld.idx.msk [tilespmem:v6+s0+$0x0], $0xffff  }
0x219: {  	s15 =	sadd.s32 $0x20, s15;
	[tilespmem:v4+s10+$0x0] =	vst.idx.add.f32.msk $0xffff, v14  }
0x21a: {  	v12 =	vld [tilespmem:s15+$0x0]  }
0x21b: {  	s16 =	sadd.s32 $0x20, s16;
	v15 =	vld.idx.msk [tilespmem:v18+s21+$0x0], $0xffff  }
0x21c: {  	v21 =	vld [tilespmem:s16+$0x0]  }
0x21d: {  	v14 =	vmul.f32 v11, v8;
	v16 =	vld.idx.msk [tilespmem:v19+s21+$0x0], $0xffff  }
0x21e: {  	v13 =	vmul.f32 v13, v5;
	v11 =	vld [tilespmem:s16+$0xFFFFFFF0]  }
0x21f: {  	[tilespmem:v10+s10+$0x0] =	vst.idx.add.f32.msk $0xffff, v14  }
0x220: {  	v22 =	vld.idx.msk [tilespmem:v7+s2+$0x0], $0xffff;
	v7 =	vmov v18  }
0x221: {  	v14 =	vld [tilespmem:s15+$0xFFFFFFF0];
	v15 =	vmul.f32 v15, v21  }
0x222: {  	[tilespmem:v9+s9+$0x0] =	vst.idx.add.f32.msk $0xffff, v13  }
0x223: {  	v17 =	vmul.f32 v16, v11;
	[tilespmem:v12+s8+$0x0] =	vst.idx.add.f32.msk $0xffff, v15  }
.Ltmp4:
0x224: {  	v16 =	vld.idx.msk [tilespmem:v18+s0+$0x0], $0xffff;
	(pc) =	sbr.rel @p0 .LBB2_10-.Ltmp4, $4  }
0x225: {  	v15 =	vld.idx.msk [tilespmem:v6+s1+$0x0], $0xffff  }
0x226: {  	v18 =	vmul.f32 v22, v8;
	v8 =	vmovc v21;
	v13 =	vld.idx.msk [tilespmem:v3+s2+$0x0], $0xffff;
	v3 =	vmov v6;
	v6 =	vmov v19  }
0x227: {  	[tilespmem:v1+s11+$0x0] =	vst.idx.add.f32.msk $0xffff, v20;
	v1 =	vmov v4;
	v4 =	vmov v9;
	v9 =	vmov v14  }
0x228: {  	s17 =	sadd.s32 $0x20, s17;
	[tilespmem:v10+s11+$0x0] =	vst.idx.add.f32.msk $0xffff, v18;
	v10 =	vmov v12  }
0x229: {  	_ =	sdelay $0x3  }
0x22a: {  	[tilespmem:v14+s8+$0x0] =	vst.idx.add.f32.msk $0xffff, v17  }
0x22b: {  	v14 =	vld.idx.msk [tilespmem:v6+s0+$0x0], $0xffff;
	_ =	sdelay $0x2  }
0x22c: {  	v16 =	vmul.f32 v16, v8;
	_ =	sdelay $0x1  }
0x22d: {  	[tilespmem:v12+s9+$0x0] =	vst.idx.add.f32.msk $0xffff, v16;
	v14 =	vmul.f32 v14, v11  }
0x22e: {  	v12 =	vld.idx.msk [tilespmem:v7+s1+$0x0], $0xffff  }
0x22f: {  	[tilespmem:v9+s9+$0x0] =	vst.idx.add.f32.msk $0xffff, v14  }
0x230: {  	v14 =	vld.idx.msk [tilespmem:v6+s1+$0x0], $0xffff  }
0x231: {  	v15 =	vmul.f32 v15, v5;
	_ =	sdelay $0x1  }
0x232: {  	[tilespmem:v4+s10+$0x0] =	vst.idx.add.f32.msk $0xffff, v15;
	v12 =	vmul.f32 v12, v8  }
0x233: {  	v3 =	vld.idx.msk [tilespmem:v3+s2+$0x0], $0xffff  }
0x234: {  	[tilespmem:v10+s10+$0x0] =	vst.idx.add.f32.msk $0xffff, v12;
	v12 =	vmul.f32 v14, v11  }
0x235: {  	v7 =	vld.idx.msk [tilespmem:v7+s2+$0x0], $0xffff  }
0x236: {  	[tilespmem:v9+s10+$0x0] =	vst.idx.add.f32.msk $0xffff, v12  }
0x237: {  	v6 =	vld.idx.msk [tilespmem:v6+s2+$0x0], $0xffff  }
0x238: {  	v2 =	vmul.f32 v13, v2;
	_ =	sdelay $0x1  }
0x239: {  	[tilespmem:v1+s11+$0x0] =	vst.idx.add.f32.msk $0xffff, v2;
	v1 =	vmul.f32 v3, v5  }
0x23a: {  	v7 =	vmul.f32 v7, v8  }
0x23b: {  	[tilespmem:v4+s11+$0x0] =	vst.idx.add.f32.msk $0xffff, v1;
	v2 =	vmul.f32 v6, v11  }
0x23c: {  	[tilespmem:v10+s11+$0x0] =	vst.idx.add.f32.msk $0xffff, v7  }
0x23d: {  	[tilespmem:v9+s11+$0x0] =	vst.idx.add.f32.msk $0xffff, v2  }
0x23e: {  	_ =	swait.ge [sflag:s7], $0x1F40  }
0x23f: {  	[sflag:s7] =	ssyncset.done $0x0  }
0x240: {  	[sflag:s7] =	ssyncadd.s32 $0xFFFFE0C0  }
0x241: {  	_ =	swait.ge [sflag:s7], $0x1F40  }
0x242: {  	[sflag:s7] =	ssyncset.done $0x0  }
0x243: {  	[sflag:s7] =	ssyncadd.s32 $0xFFFFE0C0  }
0x244: {  	_ =	swait.ge [sflag:s7], $0x1F40  }
0x245: {  	[sflag:s7] =	ssyncset.done $0x0  }
0x246: {  	s4 =	simm.s32 $0x13C10;
	[sflag:s7] =	ssyncadd.s32 $0xFFFFE0C0  }
0x247: {  	v4 =	vld [tilespmem:s4+$0x0];
	_ =	sdelay $0x3  }
0x248: {  	s15 =	simm.s32 $0x17B10  }
0x249: {  	s17 =	simm.s32 $0x13C30;
	v6 =	vld [tilespmem:s15+$0x0]  }
0x24a: {  	s16 =	simm.s32 $0x1BA10;
	v10 =	vld [tilespmem:s17+$0x0]  }
0x24b: {  	v7 =	vld [tilespmem:s16+$0x0]  }
0x24c: {  	v1 =	vld.idx.msk [tilespmem:v4+s21+$0x0], $0xffff;
	_ =	sdelay $0x2  }
0x24d: {  	s18 =	simm.s32 $0x17B30;
	v9 =	vld [tilespmem:s4+$0xFFFFFFF0]  }
0x24e: {  	s19 =	simm.s32 $0x1BA30;
	v18 =	vld [tilespmem:s18+$0x0]  }
0x24f: {  	v13 =	vld [tilespmem:s19+$0x0];
	v1 =	vmul.f32 v1, v7  }
0x250: {  	v11 =	vld.idx.msk [tilespmem:v10+s21+$0x0], $0xffff  }
0x251: {  	[tilespmem:v6+s8+$0x0] =	vst.idx.add.f32.msk $0xffff, v1  }
0x252: {  	v3 =	vld.idx.msk [tilespmem:v4+s0+$0x0], $0xffff;
	_ =	sdelay $0x2  }
0x253: {  	v2 =	vld [tilespmem:s16+$0xFFFFFFF0]  }
0x254: {  	v5 =	vld.idx.msk [tilespmem:v9+s21+$0x0], $0xffff;
	v11 =	vmul.f32 v11, v13  }
0x255: {  	v1 =	vld [tilespmem:s15+$0xFFFFFFF0];
	v8 =	vmul.f32 v3, v7  }
0x256: {  	[tilespmem:v18+s8+$0x0] =	vst.idx.add.f32.msk $0xffff, v11  }
0x257: {  	[tilespmem:v6+s9+$0x0] =	vst.idx.add.f32.msk $0xffff, v8  }
0x258: {  	v8 =	vld.idx.msk [tilespmem:v4+s1+$0x0], $0xffff  }
0x259: {  	v11 =	vld.idx.msk [tilespmem:v10+s0+$0x0], $0xffff  }
0x25a: {  	v3 =	vld [tilespmem:s17+$0xFFFFFFF0]  }
0x25b: {  	v5 =	vmul.f32 v5, v2;
	_ =	sdelay $0x1  }
0x25c: {  	[tilespmem:v1+s8+$0x0] =	vst.idx.add.f32.msk $0xffff, v5;
	v5 =	vmul.f32 v8, v7  }
0x25d: {  	v12 =	vld.idx.msk [tilespmem:v9+s0+$0x0], $0xffff  }
0x25e: {  	v11 =	vmul.f32 v11, v13;
	[tilespmem:v6+s10+$0x0] =	vst.idx.add.f32.msk $0xffff, v5  }
0x25f: {  	v14 =	vld.idx.msk [tilespmem:v4+s2+$0x0], $0xffff  }
0x260: {  	[tilespmem:v18+s9+$0x0] =	vst.idx.add.f32.msk $0xffff, v11  }
0x261: {  	v8 =	vld.idx.msk [tilespmem:v3+s21+$0x0], $0xffff  }
0x262: {  	v12 =	vmul.f32 v12, v2;
	v4 =	vld [tilespmem:s18+$0xFFFFFFF0]  }
0x263: {  	v5 =	vld [tilespmem:s19+$0xFFFFFFF0]  }
0x264: {  	[tilespmem:v1+s9+$0x0] =	vst.idx.add.f32.msk $0xffff, v12;
	v7 =	vmul.f32 v14, v7  }
0x265: {  	v12 =	vld.idx.msk [tilespmem:v9+s1+$0x0], $0xffff  }
0x266: {  	s22 =	simm.s32 $0x13C50;
	[tilespmem:v6+s11+$0x0] =	vst.idx.add.f32.msk $0xffff, v7  }
0x267: {  	v7 =	vld [tilespmem:s22+$0x0]  }
0x268: {  	v11 =	vld.idx.msk [tilespmem:v10+s1+$0x0], $0xffff;
	v8 =	vmul.f32 v8, v5  }
0x269: {  	v6 =	vld [tilespmem:s22+$0xFFFFFFF0]  }
0x26a: {  	s15 =	simm.s32 $0x17B50;
	[tilespmem:v4+s8+$0x0] =	vst.idx.add.f32.msk $0xffff, v8  }
0x26b: {  	v8 =	vmul.f32 v12, v2;
	v12 =	vld [tilespmem:s15+$0x0]  }
0x26c: {  	v14 =	vld.idx.msk [tilespmem:v3+s0+$0x0], $0xffff  }
0x26d: {  	s16 =	simm.s32 $0x1BA50;
	[tilespmem:v1+s10+$0x0] =	vst.idx.add.f32.msk $0xffff, v8  }
0x26e: {  	v16 =	vmul.f32 v11, v13;
	v8 =	vld [tilespmem:s16+$0x0]  }
0x26f: {  	v15 =	vld.idx.msk [tilespmem:v7+s21+$0x0], $0xffff  }
0x270: {  	[tilespmem:v18+s10+$0x0] =	vst.idx.add.f32.msk $0xffff, v16  }
0x271: {  	v10 =	vld.idx.msk [tilespmem:v10+s2+$0x0], $0xffff  }
0x272: {  	v11 =	vld [tilespmem:s16+$0xFFFFFFF0]  }
0x273: {  	v16 =	vmul.f32 v14, v5;
	v14 =	vld [tilespmem:s15+$0xFFFFFFF0]  }
0x274: {  	v17 =	vld.idx.msk [tilespmem:v6+s21+$0x0], $0xffff;
	v15 =	vmul.f32 v15, v8  }
0x275: {  	[tilespmem:v4+s9+$0x0] =	vst.idx.add.f32.msk $0xffff, v16  }
0x276: {  	v10 =	vmul.f32 v10, v13;
	[tilespmem:v12+s8+$0x0] =	vst.idx.add.f32.msk $0xffff, v15  }
0x277: {  	v16 =	vld.idx.msk [tilespmem:v7+s0+$0x0], $0xffff  }
0x278: {  	v15 =	vld.idx.msk [tilespmem:v3+s1+$0x0], $0xffff  }
0x279: {  	v13 =	vld.idx.msk [tilespmem:v9+s2+$0x0], $0xffff  }
0x27a: {  	s4 =	simm.s32 $0x4;
	s17 =	simm.s32 $0x13C70;
	[tilespmem:v18+s11+$0x0] =	vst.idx.add.f32.msk $0xffff, v10;
	v10 =	vmov v12;
	v9 =	vmov v14;
	v17 =	vmul.f32 v17, v11  }
.LBB2_12:
0x27b: {  	v18 =	vld [tilespmem:s17+$0x0];
	s4 =	sadd.s32 $0x2, s4  }
0x27c: {  	v16 =	vmul.f32 v16, v8;
	v19 =	vld [tilespmem:s17+$0xFFFFFFF0];
	p0 =	slt.u32 s4, $0x1F2  }
0x27d: {  	[tilespmem:v14+s8+$0x0] =	vst.idx.add.f32.msk $0xffff, v17;
	v14 =	vmul.f32 v15, v5  }
0x27e: {  	v20 =	vmul.f32 v13, v2;
	v2 =	vmov v5;
	v5 =	vmov v11;
	[tilespmem:v12+s9+$0x0] =	vst.idx.add.f32.msk $0xffff, v16  }
0x27f: {  	v11 =	vld.idx.msk [tilespmem:v7+s1+$0x0], $0xffff  }
0x280: {  	v13 =	vld.idx.msk [tilespmem:v6+s0+$0x0], $0xffff  }
0x281: {  	s15 =	sadd.s32 $0x20, s15;
	[tilespmem:v4+s10+$0x0] =	vst.idx.add.f32.msk $0xffff, v14  }
0x282: {  	v12 =	vld [tilespmem:s15+$0x0]  }
0x283: {  	s16 =	sadd.s32 $0x20, s16;
	v15 =	vld.idx.msk [tilespmem:v18+s21+$0x0], $0xffff  }
0x284: {  	v21 =	vld [tilespmem:s16+$0x0]  }
0x285: {  	v14 =	vmul.f32 v11, v8;
	v16 =	vld.idx.msk [tilespmem:v19+s21+$0x0], $0xffff  }
0x286: {  	v13 =	vmul.f32 v13, v5;
	v11 =	vld [tilespmem:s16+$0xFFFFFFF0]  }
0x287: {  	[tilespmem:v10+s10+$0x0] =	vst.idx.add.f32.msk $0xffff, v14  }
0x288: {  	v22 =	vld.idx.msk [tilespmem:v7+s2+$0x0], $0xffff;
	v7 =	vmov v18  }
0x289: {  	v14 =	vld [tilespmem:s15+$0xFFFFFFF0];
	v15 =	vmul.f32 v15, v21  }
0x28a: {  	[tilespmem:v9+s9+$0x0] =	vst.idx.add.f32.msk $0xffff, v13  }
0x28b: {  	v17 =	vmul.f32 v16, v11;
	[tilespmem:v12+s8+$0x0] =	vst.idx.add.f32.msk $0xffff, v15  }
.Ltmp5:
0x28c: {  	v16 =	vld.idx.msk [tilespmem:v18+s0+$0x0], $0xffff;
	(pc) =	sbr.rel @p0 .LBB2_12-.Ltmp5, $4  }
0x28d: {  	v15 =	vld.idx.msk [tilespmem:v6+s1+$0x0], $0xffff  }
0x28e: {  	v18 =	vmul.f32 v22, v8;
	v8 =	vmovc v21;
	v13 =	vld.idx.msk [tilespmem:v3+s2+$0x0], $0xffff;
	v3 =	vmov v6;
	v6 =	vmov v19  }
0x28f: {  	[tilespmem:v1+s11+$0x0] =	vst.idx.add.f32.msk $0xffff, v20;
	v1 =	vmov v4;
	v4 =	vmov v9;
	v9 =	vmov v14  }
0x290: {  	s17 =	sadd.s32 $0x20, s17;
	[tilespmem:v10+s11+$0x0] =	vst.idx.add.f32.msk $0xffff, v18;
	v10 =	vmov v12  }
0x291: {  	_ =	sdelay $0x3  }
0x292: {  	[tilespmem:v14+s8+$0x0] =	vst.idx.add.f32.msk $0xffff, v17  }
0x293: {  	v14 =	vld.idx.msk [tilespmem:v6+s0+$0x0], $0xffff;
	_ =	sdelay $0x2  }
0x294: {  	v16 =	vmul.f32 v16, v8;
	_ =	sdelay $0x1  }
0x295: {  	[tilespmem:v12+s9+$0x0] =	vst.idx.add.f32.msk $0xffff, v16;
	v14 =	vmul.f32 v14, v11  }
0x296: {  	v12 =	vld.idx.msk [tilespmem:v7+s1+$0x0], $0xffff  }
0x297: {  	[tilespmem:v9+s9+$0x0] =	vst.idx.add.f32.msk $0xffff, v14  }
0x298: {  	v14 =	vld.idx.msk [tilespmem:v6+s1+$0x0], $0xffff  }
0x299: {  	v15 =	vmul.f32 v15, v5;
	_ =	sdelay $0x1  }
0x29a: {  	[tilespmem:v4+s10+$0x0] =	vst.idx.add.f32.msk $0xffff, v15;
	v12 =	vmul.f32 v12, v8  }
0x29b: {  	v3 =	vld.idx.msk [tilespmem:v3+s2+$0x0], $0xffff  }
0x29c: {  	[tilespmem:v10+s10+$0x0] =	vst.idx.add.f32.msk $0xffff, v12;
	v62 =	vmul.f32 v14, v11  }
0x29d: {  	v61 =	vld.idx.msk [tilespmem:v7+s2+$0x0], $0xffff  }
0x29e: {  	[tilespmem:v9+s10+$0x0] =	vst.idx.add.f32.msk $0xffff, v62  }
0x29f: {  	v63 =	vld.idx.msk [tilespmem:v6+s2+$0x0], $0xffff  }
0x2a0: {  	v2 =	vmul.f32 v13, v2;
	_ =	sdelay $0x1  }
0x2a1: {  	[tilespmem:v1+s11+$0x0] =	vst.idx.add.f32.msk $0xffff, v2;
	v1 =	vmul.f32 v3, v5  }
0x2a2: {  	v7 =	vmul.f32 v61, v8  }
0x2a3: {  	[tilespmem:v4+s11+$0x0] =	vst.idx.add.f32.msk $0xffff, v1;
	v2 =	vmul.f32 v63, v11  }
0x2a4: {  	[tilespmem:v10+s11+$0x0] =	vst.idx.add.f32.msk $0xffff, v7  }
0x2a5: {  	[tilespmem:v9+s11+$0x0] =	vst.idx.add.f32.msk $0xffff, v2  }
0x2a6: {  	s4 =	rddreg [dreg:$0x16]  }
0x2a7: {  	[hbm4b:s4+s31] =	stream.strided.scatter [tilespmem:s8], [sflag:$0x4], $0x2780, s20, s31, $0x38;
	[tilespmem:$0x1F900] =	vst v63  }
0x2a8: {  	_ =	swait.ge [sflag:s13], $0x2780  }
0x2a9: {  	[sflag:s13] =	ssyncset.done $0x0  }
0x2aa: {  	[sflag:s13] =	ssyncadd.s32 $0xFFFFD880  }
0x2ab: {  	[hbm4b:s23+s31] =	stream.strided.scatter [tilespmem:s9], [sflag:$0x4], $0x2780, s20, s31, $0x38;
	[tilespmem:$0x1F900] =	vst v63  }
0x2ac: {  	_ =	swait.ge [sflag:s13], $0x2780  }
0x2ad: {  	[sflag:s13] =	ssyncset.done $0x0  }
0x2ae: {  	[sflag:s13] =	ssyncadd.s32 $0xFFFFD880  }
0x2af: {  	[hbm4b:s24+s31] =	stream.strided.scatter [tilespmem:s10], [sflag:$0x4], $0x2780, s20, s31, $0x38;
	[tilespmem:$0x1F900] =	vst v63  }
0x2b0: {  	s14 =	sadd.s32 $0x1, s14;
	_ =	swait.ge [sflag:s13], $0x2780  }
0x2b1: {  	p0 =	sne.s32 s14, s26;
	[sflag:s13] =	ssyncset.done $0x0  }
.Ltmp6:
0x2b2: {  	[sflag:s13] =	ssyncadd.s32 $0xFFFFD880;
	(pc) =	sbr.rel @p0 .LBB2_1-.Ltmp6, $4  }
0x2b3: {  	[hbm4b:s25+s31] =	stream.strided.scatter [tilespmem:s11], [sflag:$0x4], $0x2780, s20, s31, $0x38;
	[tilespmem:$0x1F900] =	vst v63  }
0x2b4: {  	_ =	swait.ge [sflag:s13], $0x2780  }
0x2b5: {  	[sflag:s13] =	ssyncset.done $0x0  }
0x2b6: {  	[sflag:s13] =	ssyncadd.s32 $0xFFFFD880  }
0x2b7: {  	_ =	sfence.sel $0x180000  }
0x2b8: {  	[bflag:$0x0] =	sbarrier.arrive $0xFFFF  }
0x2b9: {  	_ =	strace $0x9000004D  }
0x2ba: {  	s0 =	stileid.u32;
	[bflag:$0x2] =	sbarrier.arrive $0xFFFF  }
0x2bb: {  	p0 =	sne.s32 s0, $0x0;
	s0 =	rddreg [dreg:$0x2]  }
0x2bc: {  	s0 =	sadd.s32 @!p0 $0x100000, s0  }
0x2bd: {  	[sflag:s0] =	ssyncadd.tile.s32 @!p0 $0x1;
	_ =	shalt  }
.Lfunc_end2:
_tile_overlayer_lowered:
.L_overlay_start_2:
0x2be: {  	(tag) =	ssettag $0x2  }
0x2bf: {  	s0 =	rddreg [dreg:$0x0];
	s2 =	stileid.u32  }
0x2c0: {  	s1 =	rddreg [dreg:$0x1];
	p0 =	sne.s32 s2, $0x0  }
0x2c1: {  	s3 =	rddreg [dreg:$0x2];
	[bflag:$0x3] =	sbarrier.arrive $0xFFFF;
	s2 =	simm.s32 @!p0 $0x1C04  }
0x2c2: {  	[timem:s3], [sflag:s2] =	dma.local @!p0 [hbm:s0], s1  }
0x2c3: {  	s0 =	simm.s32 @!p0 $0x4  }
0x2c4: {  	_ =	swait.ge @!p0 [sflag:s0], s1  }
0x2c5: {  	s1 =	ssub.s32 @!p0 $0x0, s1;
	[sflag:s0] =	ssyncset.done @!p0 $0x0  }
0x2c6: {  	[sflag:s0] =	ssyncadd.s32 @!p0 s1  }
0x2c7: {  	[bflag:$0x3] =	sbarrier.arrive $0xFFFF  }
0x2c8: {  	_ =	shalt  }

// kernel: kernel.8.cloned.1.call-start
scs
__scs_entry_jumppad:
0x0: {  	(pc) =	sbr.rel $0x88, $3  }
0x1: {  	(tag) =	ssettag $0x0;
	lr =	simm.s32 $0x1  }
0x2: {  	[smem:$0x3F98] =	sst lr;
	_ =	strace $0xD0000000  }
0x3: {  	_ = 	snop  }
0x4: {  	_ = 	snop  }
0x5: {  	_ = 	snop  }
0x6: {  	_ = 	snop  }
0x7: {  	_ = 	snop  }
__scs_overlays_trampoline_lowered:
0x8: {  	[smem:$0x3FA7] =	sst s0  }
0x9: {  	[smem:$0x3FA8] =	sst s1  }
0xa: {  	[smem:$0x3FA9] =	sst s2  }
0xb: {  	[smem:$0x3FAA] =	sst s3  }
0xc: {  	[smem:$0x3FAB] =	sst s4  }
0xd: {  	[smem:$0x3FAC] =	sst s5  }
0xe: {  	[smem:$0x3FAD] =	sst s6  }
0xf: {  	[smem:$0x3FAE] =	sst s7  }
0x10: {  	[smem:$0x3FAF] =	sst s8  }
0x11: {  	[smem:$0x3FB0] =	sst s9;
	s0 =	simm.s32 @!p0 $0x0  }
0x12: {  	s1 =	sld [smem:$0x3F96];
	s0 =	simm.s32 @p0 $0x1  }
0x13: {  	[smem:$0x3FB1] =	sst s0;
	s0 =	simm.s32 @!p1 $0x0  }
0x14: {  	s2 =	sld [smem:$0x3F95];
	s0 =	simm.s32 @p1 $0x1  }
0x15: {  	[smem:$0x3FB2] =	sst s0;
	s0 =	simm.s32 @!p2 $0x0  }
0x16: {  	s3 =	sld [smem:$0x3FDB];
	s0 =	simm.s32 @p2 $0x1  }
0x17: {  	s4 =	simm.s32 $0x1BF5;
	[smem:$0x3FB4] =	sst s0  }
0x18: {  	s0 =	sld [smem:$0x3F97];
	_ =	swait.ge [sflag:s4], $0x0  }
0x19: {  	s7 =	sld [smem:$0x3F98]  }
0x1a: {  	s8 =	sadd.s32 $0xFFFFE003, lr  }
0x1b: {  	s9 =	sadd.s32 $0xFFFFFEF7, lr;
	s5 =	simm.s32 $0xFFFFFFFF;
	p2 =	slt.u32 s8, $0xFFFFF086  }
0x1c: {  	p1 =	slt.u32 s9, $0xF7A;
	s5 =	simm.s32 @!p2 $0x0  }
0x1d: {  	s5 =	simm.s32 @p1 $0x1;
	p0 =	seq.s32 s7, s2  }
0x1e: {  	s7 =	smul.u32 @!p0 $0xF7A, s2;
	p2 =	seq.s32 @!p0 s5, $0x0  }
0x1f: {  	s9 =	smul.u32 $0xF7A, s1;
	s8 =	simm.s32 @!p0 $0x1BF5;
	p2 =	por !p2, p0  }
0x20: {  	[sflag:s8] =	ssyncset.s32 @!p0 $0xFFFFF086;
	s6 =	sadd.s32 @!p0 s3, s7;
	s7 =	simm.s32 @!p0 $0x108  }
0x21: {  	s3 =	sadd.s32 s3, s9;
	s6 =	sadd.s32 @!p0 $0x88, s6;
	s7 =	simm.s32 @p2 $0x1082  }
0x22: {  	[simem:s7], [sflag:s8] =	dma.local @!p0 [hbm:s6], $0xF7A  }
0x23: {  	s9 =	sor.u32 $0xD0000000, s2;
	s6 =	simm.s32 $0x108;
	_ =	swait.ge @!p0 [sflag:s8], $0x0  }
0x24: {  	s3 =	sadd.s32 $0x88, s3;
	s6 =	simm.s32 @!p1 $0x1082;
	[sflag:s4] =	ssyncset.s32 $0xFFFFF086  }
0x25: {  	[simem:s6], [sflag:s4] =	dma.local [hbm:s3], $0xF7A  }
0x26: {  	[smem:$0x3F98] =	sst s1;
	(tag) =	ssettag s2;
	_ =	strace s9  }
0x27: {  	s1 =	sld [smem:$0x3FA8]  }
0x28: {  	s2 =	sld [smem:$0x3FA9]  }
0x29: {  	s4 =	sld [smem:$0x3FAB]  }
0x2a: {  	p0 =	seq.s32 s5, $0x0;
	s5 =	sld [smem:$0x3FAC]  }
0x2b: {  	s6 =	sld [smem:$0x3FAD]  }
0x2c: {  	s7 =	sld [smem:$0x3FAE]  }
0x2d: {  	s3 =	simm.s32 $0x108;
	s8 =	sld [smem:$0x3FAF]  }
0x2e: {  	s3 =	simm.s32 @!p0 $0x1082;
	s9 =	sld [smem:$0x3FB0]  }
0x2f: {  	lr =	sadd.s32 s0, s3;
	s0 =	sld [smem:$0x3FA7]  }
0x30: {  	s3 =	sld [smem:$0x3FAA]  }
0x31: {  	[smem:$0x3FB3] =	sst s10  }
0x32: {  	s10 =	sld [smem:$0x3FB1];
	_ =	sdelay $0x3  }
0x33: {  	p0 =	seq.s32 s10, $0x1;
	s10 =	sld [smem:$0x3FB3];
	_ =	sdelay $0x3  }
0x34: {  	[smem:$0x3FB3] =	sst s10  }
0x35: {  	s10 =	sld [smem:$0x3FB2];
	_ =	sdelay $0x3  }
0x36: {  	p1 =	seq.s32 s10, $0x1;
	s10 =	sld [smem:$0x3FB3];
	_ =	sdelay $0x3  }
0x37: {  	[smem:$0x3FB3] =	sst s10  }
0x38: {  	s10 =	sld [smem:$0x3FB4]  }
0x39: {  	_ = 	snop;
	(pc) =	sbr.ind lr, $3  }
0x3a: {  	_ = 	snop  }
0x3b: {  	_ = 	snop  }
0x3c: {  	p2 =	seq.s32 s10, $0x1;
	s10 =	sld [smem:$0x3FB3]  }
0x3d: {  	_ =	shalt  }
0x3e: {  	_ =	shalt  }
0x3f: {  	_ =	shalt  }
0x40: {  	_ =	shalt  }
0x41: {  	_ =	shalt  }
0x42: {  	_ =	shalt  }
0x43: {  	_ =	shalt  }
0x44: {  	_ =	shalt  }
0x45: {  	_ =	shalt  }
0x46: {  	_ =	shalt  }
0x47: {  	_ =	shalt  }
0x48: {  	_ =	shalt  }
0x49: {  	_ =	shalt  }
0x4a: {  	_ =	shalt  }
0x4b: {  	_ =	shalt  }
0x4c: {  	_ =	shalt  }
0x4d: {  	_ =	shalt  }
0x4e: {  	_ =	shalt  }
0x4f: {  	_ =	shalt  }
0x50: {  	_ =	shalt  }
0x51: {  	_ =	shalt  }
0x52: {  	_ =	shalt  }
0x53: {  	_ =	shalt  }
0x54: {  	_ =	shalt  }
0x55: {  	_ =	shalt  }
0x56: {  	_ =	shalt  }
0x57: {  	_ =	shalt  }
0x58: {  	_ =	shalt  }
0x59: {  	_ =	shalt  }
0x5a: {  	_ =	shalt  }
0x5b: {  	_ =	shalt  }
0x5c: {  	_ =	shalt  }
0x5d: {  	_ =	shalt  }
0x5e: {  	_ =	shalt  }
0x5f: {  	_ =	shalt  }
0x60: {  	_ =	shalt  }
0x61: {  	_ =	shalt  }
0x62: {  	_ =	shalt  }
0x63: {  	_ =	shalt  }
0x64: {  	_ =	shalt  }
0x65: {  	_ =	shalt  }
0x66: {  	_ =	shalt  }
0x67: {  	_ =	shalt  }
0x68: {  	_ =	shalt  }
0x69: {  	_ =	shalt  }
0x6a: {  	_ =	shalt  }
0x6b: {  	_ =	shalt  }
0x6c: {  	_ =	shalt  }
0x6d: {  	_ =	shalt  }
0x6e: {  	_ =	shalt  }
0x6f: {  	_ =	shalt  }
0x70: {  	_ =	shalt  }
0x71: {  	_ =	shalt  }
0x72: {  	_ =	shalt  }
0x73: {  	_ =	shalt  }
0x74: {  	_ =	shalt  }
0x75: {  	_ =	shalt  }
0x76: {  	_ =	shalt  }
0x77: {  	_ =	shalt  }
0x78: {  	_ =	shalt  }
0x79: {  	_ =	shalt  }
0x7a: {  	_ =	shalt  }
0x7b: {  	_ =	shalt  }
0x7c: {  	_ =	shalt  }
0x7d: {  	_ =	shalt  }
0x7e: {  	_ =	shalt  }
0x7f: {  	_ =	shalt  }
0x80: {  	_ =	shalt  }
0x81: {  	_ =	shalt  }
0x82: {  	_ =	shalt  }
0x83: {  	_ =	shalt  }
0x84: {  	_ =	shalt  }
0x85: {  	_ =	shalt  }
0x86: {  	_ =	shalt  }
0x87: {  	_ =	shalt  }
.Lfunc_end0:
.L_simem_size_0:
called_computation_lowered:
.L_overlay_start_0:
0x88: {  	s2 =	sld [smem:$0x3FD9]  }
0x89: {  	s3 =	sld [smem:$0x3FFE];
	_ =	sdelay $0x1  }
0x8a: {  	s1 =	srdreg.scid  }
0x8b: {  	s0 =	sand.u32 $0x1, s1  }
0x8c: {  	s17 =	sshll.u32 s0, $0xA;
	s2 =	sadd.s32 s3, s2  }
0x8d: {  	s2 =	sadd.s32 s2, s17  }
0x8e: {  	[smem:$0x3FBF] =	sst s2  }
0x8f: {  	_ = 	snop  }
0x90: {  	s2 =	sld [smem:$0x3FC7];
	(tm) =	ssettm $0x1  }
0x91: {  	s18 =	sld [smem:$0x3FFB];
	_ =	sdelay $0x3  }
0x92: {  	_ =	strace s18  }
0x93: {  	s3 =	sld [smem:$0x3FFC];
	_ =	sdelay $0x3  }
0x94: {  	_ =	strace s3  }
0x95: {  	s3 =	sld [smem:$0x3FFD];
	_ =	sdelay $0x3  }
0x96: {  	_ =	strace s3  }
0x97: {  	_ =	strace $0x8FFFFFFF  }
0x98: {  	s19 =	sld [smem:$0x3FDB];
	_ =	sdelay $0x1  }
0x99: {  	s4 =	simm.s32 $_scs_section_size  }
0x9a: {  	s5 =	simm.s32 $_size__tile_overlayer_lowered;
	s6 =	simm.s32 $_tile_overlayer_lowered  }
0x9b: {  	s22 =	simm.s32 $0x1BFF;
	s21 =	sshll.u32 s6, $0x1;
	s3 =	sadd.s32 s4, s19  }
0x9c: {  	s7 =	simm.s32 $0x0;
	s20 =	sshll.u32 s5, $0x1;
	s5 =	sadd.s32 s21, s3  }
0x9d: {  	[timem:s7], [sflag:s22] =	dma.local [hbm:s5], s20  }
0x9e: {  	_ =	swait.ge [sflag:s22], s20  }
0x9f: {  	s4 =	ssub.s32 $0x0, s20;
	[sflag:s22] =	ssyncset.done $0x0  }
0xa0: {  	[sflag:s22] =	ssyncadd.s32 s4;
	_ =	sdelay $0x1  }
0xa1: {  	s23 =	simm.s32 $0x1B8B  }
0xa2: {  	_ =	swait.ge [sflag:s23], $0x1  }
0xa3: {  	[sflag:s23] =	ssyncset.done $0x0  }
0xa4: {  	s25 =	simm.s32 $0x1B8E;
	s24 =	sld [smem:$0x3FFE];
	[sflag:s23] =	ssyncadd.s32 $0xFFFFFFFF  }
0xa5: {  	s26 =	simm.s32 $execute0_lowered;
	[smem:$0x3FD2] =	sst s25  }
0xa6: {  	s5 =	sshll.u32 s26, $0x1;
	_ =	strace $0x80000046;
	[dreg:$0x1] =	wrdreg $0xFFFFFFFF  }
0xa7: {  	s28 =	simm.s32 $_size_execute0_lowered;
	s3 =	sadd.s32 s3, s5;
	[dreg:$0x0] =	wrdreg $0x0  }
0xa8: {  	s5 =	sshll.u32 s28, $0x1;
	[dreg:$0x2] =	wrdreg s3  }
0xa9: {  	[dreg:$0x3] =	wrdreg s5  }
0xaa: {  	[dreg:$0x4] =	wrdreg $0xC0  }
0xab: {  	_ =	task [dreg:s7], $0x5FFFF  }
0xac: {  	[dreg:$0x1] =	wrdreg $0xFFFFFFFF  }
0xad: {  	[dreg:$0x0] =	wrdreg $0x60  }
0xae: {  	[dreg:$0x2] =	wrdreg s24  }
0xaf: {  	[dreg:$0x3] =	wrdreg s2  }
0xb0: {  	[dreg:$0x4] =	wrdreg $0x9  }
0xb1: {  	_ =	task.clear_ibuf [dreg:s7], $0x5FFFF;
	_ =	strace $0x90000046  }
0xb2: {  	s29 =	simm.s32 $0x9;
	_ =	strace $0x80000048  }
0xb3: {  	_ =	swait.ge [sflag:s29], $0x1  }
0xb4: {  	[sflag:s29] =	ssyncadd.s32 $0xFFFFFFFF  }
0xb5: {  	_ =	strace $0x90000048  }
0xb6: {  	_ =	sfence  }
0xb7: {  	s30 =	sld [smem:$0x0];
	_ =	sdelay $0x2  }
0xb8: {  	s31 =	sshll.u32 s1, $0xD;
	s1 =	sshrl.u32 s1, $0x2  }
0xb9: {  	s3 =	sand.u32 $0x4000, s31;
	s1 =	sadd.s32 s1, s30  }
0xba: {  	s0 =	sor.u32 s3, s0;
	s1 =	sshll.u32 s1, $0x11  }
0xbb: {  	s0 =	sor.u32 s1, s0  }
0xbc: {  	s0 =	sadd.s32 $0x8F2B, s0  }
0xbd: {  	[sflag:s0] =	ssyncadd.remote.s32 $0x1  }
0xbe: {  	_ =	sfence.sel $0xFFFF  }
0xbf: {  	[dreg:$0x0] =	wrdreg $0xFFFFFFFF;
	(pc) =	sbr.abs _section_cstart, $3  }
0xc0: {  	[dreg:$0x1] =	wrdreg $0xFFFFFFFF  }
0xc1: {  	_ =	task.clear_ibuf [dreg:s7], $0x2FFFF;
	_ =	strace $0x9FFFFFFF  }
0xc2: {  	(tm) =	ssettm $0x7FFFFFFF  }
0xc3: {  	_ =	shalt  }
tec
execute0_lowered:
.L_overlay_start_1:
0x0: {  	(tag) =	ssettag $0x1  }
0x1: {  	s1 =	srdreg.scid;
	s4 =	rddreg [dreg:$0x0]  }
0x2: {  	s0 =	stileid.u32;
	s6 =	rddreg [dreg:$0x1]  }
0x3: {  	s2 =	simm.s32 $0x0;
	s10 =	simm.s32 $0x80;
	s11 =	simm.s32 $0x400  }
0x4: {  	s12 =	simm.s32 $0x2;
	s13 =	simm.s32 $0x0;
	s3 =	sand.u32 $0x1, s1  }
0x5: {  	s28 =	sshll.u32 s0, $0x1;
	s29 =	sshrl.u32 s0, $0x2;
	s1 =	rddreg [dreg:$0x2]  }
0x6: {  	[smem:$0x7FF] =	sst s2;
	s5 =	sor.u32 s3, s28;
	s7 =	smul.u32 $0x13C00, s29  }
0x7: {  	s3 =	ssub.s32 $0x2, s3;
	s8 =	sshll.u32 s5, $0x7;
	s5 =	smul.u32 $0x4E2, s5  }
0x8: {  	_ =	strace $0x80000047;
	s31 =	sshrl.u32 s3, $0x1;
	s8 =	sand.u32 $0x380, s8  }
0x9: {  	s9 =	ssub.s32 s3, s31;
	s7 =	sor.u32 s7, s8;
	s30 =	sadd.s32 s5, s4  }
0xa: {  	s8 =	simm.s32 $0x1;
	s7 =	sshrl.u32 s7, $0x3;
	s3 =	sadd.s32 $0xC200, s30  }
0xb: {  	s7 =	sadd.s32 s7, s4;
	s4 =	sadd.s32 s6, s5;
	s6 =	smax.u32 s9, $0x1  }
0xc: {  	v0 =	vimm.f32 $0.0e+00;
	s9 =	simm.s32 $0x4F00;
	s5 =	sadd.s32 $0x16000, s7;
	s7 =	simm.s32 $0x2780  }
.LBB2_1:
0xd: {  	[tilespmem:s2], [sflag:$0x1] =	stream.linear.gather [hbm4b:s3+s2], $0x2710, $0x38;
	[tilespmem:$0x7680] =	vst v63  }
0xe: {  	s14 =	simm.s32 $0x4F40  }
0xf: {  	[tilespmem:s7], [sflag:$0x1] =	stream.linear.gather [hbm4b:s4+s2], $0x2710, $0x38;
	[tilespmem:$0x7680] =	vst v63  }
0x10: {  	[tilespmem:s14+$0xFFFFFFC0] =	vst v0  }
0x11: {  	[tilespmem:s14+$0x30] =	vst v0  }
0x12: {  	[tilespmem:s14+$0x20] =	vst v0  }
0x13: {  	[tilespmem:s14+$0x10] =	vst v0  }
0x14: {  	[tilespmem:s14+$0x0] =	vst v0  }
0x15: {  	[tilespmem:s14+$0xFFFFFFF0] =	vst v0  }
0x16: {  	s15 =	simm.s32 $0x0;
	[tilespmem:s14+$0xFFFFFFE0] =	vst v0  }
.LBB2_2:
0x17: {  	s15 =	sadd.s32 $0x8, s15;
	[tilespmem:s14+$0xFFFFFFD0] =	vst v0;
	s14 =	sadd.s32 $0x80, s14  }
0x18: {  	[tilespmem:s14+$0xFFFFFFC0] =	vst v0;
	p0 =	slt.u32 s15, $0x268  }
0x19: {  	[tilespmem:s14+$0x30] =	vst v0  }
.Ltmp0:
0x1a: {  	[tilespmem:s14+$0x20] =	vst v0;
	(pc) =	sbr.rel @p0 .LBB2_2-.Ltmp0, $4  }
0x1b: {  	[tilespmem:s14+$0x10] =	vst v0  }
0x1c: {  	[tilespmem:s14+$0x0] =	vst v0  }
0x1d: {  	[tilespmem:s14+$0xFFFFFFF0] =	vst v0  }
0x1e: {  	[tilespmem:s14+$0xFFFFFFE0] =	vst v0  }
0x1f: {  	[tilespmem:s14+$0xFFFFFFD0] =	vst v0  }
0x20: {  	[tilespmem:$0x7600] =	vst v0  }
0x21: {  	_ =	swait.ge [sflag:s8], $0x2710  }
0x22: {  	[sflag:s8] =	ssyncset.done $0x0  }
0x23: {  	[sflag:s8] =	ssyncadd.s32 $0xFFFFD8F0  }
0x24: {  	_ =	swait.ge [sflag:s8], $0x2710  }
0x25: {  	[sflag:s8] =	ssyncset.done $0x0  }
0x26: {  	s15 =	simm.s32 $0x10;
	[sflag:s8] =	ssyncadd.s32 $0xFFFFD8F0  }
0x27: {  	v3 =	vld [tilespmem:s15+$0x0]  }
0x28: {  	s14 =	simm.s32 $0x2790  }
0x29: {  	v4 =	vld [tilespmem:s14+$0x0]  }
0x2a: {  	v2 =	vld [tilespmem:s15+$0xFFFFFFF0];
	_ =	sdelay $0x2  }
0x2b: {  	v1 =	vld [tilespmem:s14+$0xFFFFFFF0];
	_ =	sdelay $0x1  }
0x2c: {  	s16 =	simm.s32 $0x30;
	s15 =	simm.s32 $0x0;
	[tilespmem:v3+s9+$0x0] =	vst.idx.add.f32.msk $0xffff, v4  }
.LBB2_4:
0x2d: {  	v3 =	vld [tilespmem:s16+$0x0];
	s15 =	sadd.s32 $0x2, s15  }
0x2e: {  	v4 =	vld [tilespmem:s16+$0xFFFFFFF0];
	p0 =	slt.u32 s15, $0x26E  }
0x2f: {  	s14 =	sadd.s32 $0x20, s14;
	[tilespmem:v2+s9+$0x0] =	vst.idx.add.f32.msk $0xffff, v1  }
0x30: {  	v5 =	vld [tilespmem:s14+$0x0]  }
.Ltmp1:
0x31: {  	v1 =	vld [tilespmem:s14+$0xFFFFFFF0];
	(pc) =	sbr.rel @p0 .LBB2_4-.Ltmp1, $3  }
0x32: {  	_ = 	snop  }
0x33: {  	v2 =	vmov v4;
	_ =	sdelay $0x1  }
0x34: {  	s16 =	sadd.s32 $0x20, s16;
	[tilespmem:v3+s9+$0x0] =	vst.idx.add.f32.msk $0xffff, v5  }
0x35: {  	_ =	sdelay $0x3  }
0x36: {  	[tilespmem:v2+s9+$0x0] =	vst.idx.add.f32.msk $0xffff, v1  }
0x37: {  	v1 =	vld [tilespmem:$0x2700];
	_ =	sdelay $0x2  }
0x38: {  	v2 =	vld [tilespmem:$0x4E80];
	_ =	sdelay $0x2  }
0x39: {  	s13 =	sadd.s32 $0x1, s13  }
0x3a: {  	p0 =	sne.s32 s13, s6  }
.Ltmp2:
0x3b: {  	[tilespmem:v1+s9+$0x0] =	vst.idx.add.f32.msk $0xffff, v2;
	(pc) =	sbr.rel @p0 .LBB2_1-.Ltmp2, $4  }
0x3c: {  	[hbm4b:s5+s10] =	stream.strided.scatter [tilespmem:s9], [sflag:$0x2], $0x2780, s11, s10, $0x38;
	[tilespmem:$0x7680] =	vst v63  }
0x3d: {  	_ =	swait.ge [sflag:s12], $0x2780  }
0x3e: {  	[sflag:s12] =	ssyncset.done $0x0  }
0x3f: {  	[sflag:s12] =	ssyncadd.s32 $0xFFFFD880  }
0x40: {  	_ =	sfence.sel $0x180000  }
0x41: {  	[bflag:$0x0] =	sbarrier.arrive $0xFFFF  }
0x42: {  	p0 =	sne.s32 s0, $0x0;
	_ =	strace $0x90000047  }
0x43: {  	s0 =	sadd.s32 @!p0 $0x100000, s1;
	[bflag:$0x2] =	sbarrier.arrive $0xFFFF  }
0x44: {  	[sflag:s0] =	ssyncadd.tile.s32 @!p0 $0x1;
	_ =	shalt  }
.Lfunc_end2:
_tile_overlayer_lowered:
.L_overlay_start_2:
0x45: {  	(tag) =	ssettag $0x2  }
0x46: {  	s0 =	rddreg [dreg:$0x0];
	s2 =	stileid.u32  }
0x47: {  	s1 =	rddreg [dreg:$0x1];
	p0 =	sne.s32 s2, $0x0  }
0x48: {  	s3 =	rddreg [dreg:$0x2];
	[bflag:$0x3] =	sbarrier.arrive $0xFFFF;
	s2 =	simm.s32 @!p0 $0x1C02  }
0x49: {  	[timem:s3], [sflag:s2] =	dma.local @!p0 [hbm:s0], s1  }
0x4a: {  	s0 =	simm.s32 @!p0 $0x2  }
0x4b: {  	_ =	swait.ge @!p0 [sflag:s0], s1  }
0x4c: {  	s1 =	ssub.s32 @!p0 $0x0, s1;
	[sflag:s0] =	ssyncset.done @!p0 $0x0  }
0x4d: {  	[sflag:s0] =	ssyncadd.s32 @!p0 s1  }
0x4e: {  	[bflag:$0x3] =	sbarrier.arrive $0xFFFF  }
0x4f: {  	_ =	shalt  }

</sc_bundles>
